<compile_context>
chip_gen: v7x
topology: tpu7x:2x2x1
jax: 0.10.2.dev20260603
libtpu: 0.0.44.dev20260713+nightly
codegen_flags: <defaults>
</compile_context>

<pallas_src>
import functools

import jax
import jax.numpy as jnp
from jax import lax
from jax.experimental import pallas as pl
from jax.experimental.pallas import tpu as pltpu
from jax.experimental.pallas import tpu_sc as plsc

DIM = 768
HID = 2048
NE = 8
S = 2048
NP = 2 * S
CH = 256
HC = HID // CH
C = 4608
RT = 256



def _router_body(x_ref, wr_ref, br_ref, eid_ref, wts_ref, aux_ref):
    xf = x_ref[...]
    logits = jax.lax.dot_general(
        xf, wr_ref[...], (((1,), (0,)), ((), ())),
        preferred_element_type=jnp.float32) + br_ref[...]
    aux_ref[...] = jnp.sum(logits * logits, axis=(0, 1),
                           keepdims=True) * (0.01 / (S * NE))
    scores = jax.nn.sigmoid(logits)
    iota = jax.lax.broadcasted_iota(jnp.int32, (S, NE), 1)
    v1 = jnp.max(scores, axis=1, keepdims=True)
    i1 = jnp.min(jnp.where(scores == v1, iota, NE), axis=1, keepdims=True)
    masked = jnp.where(iota == i1, -jnp.inf, scores)
    v2 = jnp.max(masked, axis=1, keepdims=True)
    i2 = jnp.min(jnp.where(masked == v2, iota, NE), axis=1, keepdims=True)
    eid_ref[...] = jnp.concatenate([i1, i2], axis=1)
    den = 1.0 / (v1 + v2 + 1e-6)
    wts_ref[...] = jnp.concatenate([v1 * den, v2 * den], axis=1)


def _router(x2, Wr, br2):
    return pl.pallas_call(
        _router_body,
        out_shape=[
            jax.ShapeDtypeStruct((S, 2), jnp.int32),
            jax.ShapeDtypeStruct((S, 2), jnp.float32),
            jax.ShapeDtypeStruct((1, 1), jnp.float32),
        ],
    )(x2, Wr, br2)



_NTILES = 16
_TPP = NP // _NTILES
_TTOK = S // _NTILES


def _group_body(eidf, pos0, pos1, offs, acnt,
                e_v, st_v, p01_v, hists_sp, allh_v):
    tid = lax.axis_index("s")
    lane = lax.iota(jnp.int32, 16)

    pltpu.sync_copy(eidf.at[pl.ds(tid * _TPP, _TPP)], e_v)

    def _hist_chunk(c, hist):
        ev = e_v[pl.ds(c * 16, 16)]
        for b in range(NE):
            cnt = jnp.sum((ev == b).astype(jnp.int32))
            hist = hist + jnp.where(lane == b, cnt, 0)
        return hist

    hist = lax.fori_loop(0, _TPP // 16, _hist_chunk,
                         jnp.zeros((16,), jnp.int32))
    st_v[...] = hist
    pltpu.sync_copy(st_v, hists_sp.at[pl.ds(tid * 16, 16)])
    plsc.subcore_barrier()
    pltpu.sync_copy(hists_sp, allh_v)

    def _acc(t, carry):
        tot, pref = carry
        row = allh_v[pl.ds(t * 16, 16)]
        tv = jnp.zeros((16,), jnp.int32) + t
        tot = tot + row
        pref = pref + jnp.where(tv < tid, row, 0)
        return tot, pref

    totals, prefix = lax.fori_loop(
        0, _NTILES, _acc,
        (jnp.zeros((16,), jnp.int32), jnp.zeros((16,), jnp.int32)))
    aligned = jnp.bitwise_and(totals + 7, -8)
    incl = plsc.cumsum(aligned)
    offs_v = incl - aligned
    bases0 = offs_v + prefix

    @pl.when(tid == 0)
    def _emit_meta():
        st_v[...] = offs_v
        pltpu.sync_copy(st_v, offs)
        st_v[...] = aligned
        pltpu.sync_copy(st_v, acnt)

    def _place_chunk(c, bases):
        ev = e_v[pl.ds(c * 16, 16)]
        pidx = lane + c * 16
        dest = (pidx & 1) * _TTOK + (pidx >> 1)
        pos = jnp.zeros((16,), jnp.int32)
        for b in range(NE):
            m = ev == b
            incl_b = plsc.cumsum(m.astype(jnp.int32))
            base_b = jnp.sum(jnp.where(lane == b, bases, 0))
            pos = jnp.where(m, incl_b + (base_b - 1), pos)
            cnt = incl_b[15]
            bases = bases + jnp.where(lane == b, cnt, 0)
        plsc.store_scatter(p01_v, [dest], pos)
        return bases

    lax.fori_loop(0, _TPP // 16, _place_chunk, bases0)
    t0 = tid * _TTOK
    pltpu.sync_copy(p01_v.at[pl.ds(0, _TTOK)], pos0.at[pl.ds(t0, _TTOK)])
    pltpu.sync_copy(p01_v.at[pl.ds(_TTOK, _TTOK)], pos1.at[pl.ds(t0, _TTOK)])


def _grouping(eidf):
    mesh = plsc.VectorSubcoreMesh(core_axis_name="c", subcore_axis_name="s",
                                  num_cores=1)
    return pl.kernel(
        _group_body,
        out_type=[
            jax.ShapeDtypeStruct((S,), jnp.int32),
            jax.ShapeDtypeStruct((S,), jnp.int32),
            jax.ShapeDtypeStruct((16,), jnp.int32),
            jax.ShapeDtypeStruct((16,), jnp.int32),
        ],
        mesh=mesh,
        scratch_types=[
            pltpu.VMEM((_TPP,), jnp.int32),
            pltpu.VMEM((16,), jnp.int32),
            pltpu.VMEM((_TPP,), jnp.int32),
            pltpu.VMEM_SHARED((_NTILES * 16,), jnp.int32),
            pltpu.VMEM((_NTILES * 16,), jnp.int32),
        ],
        compiler_params=pltpu.CompilerParams(needs_layout_passes=False),
    )(eidf)



_NW = 32
_DTOK = S // _NW


def _dispatch_body(x_hbm, pos0, pos1, xg, xr_v, p0_v, p1_v, sem):
    wid = lax.axis_index("c") * 16 + lax.axis_index("s")
    t0 = wid * _DTOK
    pltpu.sync_copy(pos0.at[pl.ds(t0, _DTOK)], p0_v)
    pltpu.sync_copy(pos1.at[pl.ds(t0, _DTOK)], p1_v)
    pltpu.sync_copy(x_hbm.at[pl.ds(t0, _DTOK)], xr_v)
    c0 = pltpu.async_copy(xr_v, xg.at[p0_v], sem)
    c1 = pltpu.async_copy(xr_v, xg.at[p1_v], sem)
    c0.wait()
    c1.wait()


def _dispatch(x2, pos0, pos1):
    mesh = plsc.VectorSubcoreMesh(core_axis_name="c", subcore_axis_name="s")
    return pl.kernel(
        _dispatch_body,
        out_type=jax.ShapeDtypeStruct((C, DIM), jnp.float32),
        mesh=mesh,
        scratch_types=[
            pltpu.VMEM((_DTOK, DIM), jnp.float32),
            pltpu.VMEM((_DTOK,), jnp.int32),
            pltpu.VMEM((_DTOK,), jnp.int32),
            pltpu.SemaphoreType.DMA,
        ],
        compiler_params=pltpu.CompilerParams(needs_layout_passes=False),
    )(x2, pos0, pos1)




def _expert_body(offs_s, acnt_s, xg_ref, w12a_ref, w12b_ref, w3_ref, yg_ref):
    e = pl.program_id(0)
    j = pl.program_id(1)
    off = offs_s[e]
    nt = (acnt_s[e] + (RT - 1)) // RT
    w12a = w12a_ref[0].astype(jnp.bfloat16)
    w12b = w12b_ref[0].astype(jnp.bfloat16)
    w3 = w3_ref[0].astype(jnp.bfloat16)

    def _tile(t, _):
        r0 = pl.multiple_of(off + t * RT, 8)
        xt = xg_ref[pl.ds(r0, RT), :].astype(jnp.bfloat16)
        u = jax.lax.dot_general(xt, w12a, (((1,), (0,)), ((), ())),
                                preferred_element_type=jnp.float32)
        v = jax.lax.dot_general(xt, w12b, (((1,), (0,)), ((), ())),
                                preferred_element_type=jnp.float32)
        g = (u * jax.nn.sigmoid(u) * v).astype(jnp.bfloat16)
        contrib = jax.lax.dot_general(g, w3, (((1,), (0,)), ((), ())),
                                      preferred_element_type=jnp.float32)

        @pl.when(j == 0)
        def _init():
            yg_ref[pl.ds(r0, RT), :] = contrib

        @pl.when(j != 0)
        def _accum():
            yg_ref[pl.ds(r0, RT), :] += contrib

        return _

    lax.fori_loop(0, nt, _tile, 0)


def _experts(offs, acnt, xg, W12, W3):
    grid_spec = pltpu.PrefetchScalarGridSpec(
        num_scalar_prefetch=2,
        grid=(NE, HC),
        in_specs=[
            pl.BlockSpec((C, DIM), lambda e, j, *_: (0, 0)),
            pl.BlockSpec((1, DIM, CH), lambda e, j, *_: (e, 0, j)),
            pl.BlockSpec((1, DIM, CH), lambda e, j, *_: (e, 0, j + HC)),
            pl.BlockSpec((1, CH, DIM), lambda e, j, *_: (e, j, 0)),
        ],
        out_specs=pl.BlockSpec((C, DIM), lambda e, j, *_: (0, 0)),
    )
    return pl.pallas_call(
        _expert_body,
        grid_spec=grid_spec,
        out_shape=jax.ShapeDtypeStruct((C, DIM), jnp.float32),
        compiler_params=pltpu.CompilerParams(
            dimension_semantics=("arbitrary", "arbitrary")),
    )(offs, acnt, xg, W12, W12, W3)




def _combine_body(yg, pos0, pos1, wtsf, out, r0_v, r1_v, p0_v, p1_v, w_v,
                  sem):
    wid = lax.axis_index("c") * 16 + lax.axis_index("s")
    t0 = wid * _DTOK
    pltpu.sync_copy(pos0.at[pl.ds(t0, _DTOK)], p0_v)
    pltpu.sync_copy(pos1.at[pl.ds(t0, _DTOK)], p1_v)
    pltpu.sync_copy(wtsf.at[pl.ds(2 * t0, 2 * _DTOK)], w_v)
    c0 = pltpu.async_copy(yg.at[p0_v], r0_v, sem)
    c1 = pltpu.async_copy(yg.at[p1_v], r1_v, sem)
    c0.wait()
    c1.wait()

    def _tok(t, _):
        i0 = jnp.zeros((16,), jnp.int32) + 2 * t
        w0 = plsc.load_gather(w_v, [i0])
        w1 = plsc.load_gather(w_v, [i0 + 1])
        for c in range(DIM // 16):
            sl = pl.ds(c * 16, 16)
            r0_v[t, sl] = w0 * r0_v[t, sl] + w1 * r1_v[t, sl]
        return _

    lax.fori_loop(0, _DTOK, _tok, 0)
    pltpu.sync_copy(r0_v, out.at[pl.ds(t0, _DTOK)])


def _combine(yg, pos0, pos1, wtsf):
    mesh = plsc.VectorSubcoreMesh(core_axis_name="c", subcore_axis_name="s")
    return pl.kernel(
        _combine_body,
        out_type=jax.ShapeDtypeStruct((S, DIM), jnp.float32),
        mesh=mesh,
        scratch_types=[
            pltpu.VMEM((_DTOK, DIM), jnp.float32),
            pltpu.VMEM((_DTOK, DIM), jnp.float32),
            pltpu.VMEM((_DTOK,), jnp.int32),
            pltpu.VMEM((_DTOK,), jnp.int32),
            pltpu.VMEM((2 * _DTOK,), jnp.float32),
            pltpu.SemaphoreType.DMA,
        ],
        compiler_params=pltpu.CompilerParams(needs_layout_passes=False),
    )(yg, pos0, pos1, wtsf)




def kernel(x, Wr, br, W12, W3):
    x2 = x.reshape(S, DIM)
    br2 = br.reshape(1, NE)
    eid, wts, aux = _router(x2, Wr, br2)
    pos0, pos1, offs, acnt = _grouping(eid.reshape(NP))
    xg = _dispatch(x2, pos0, pos1)
    yg = _experts(offs, acnt, xg, W12, W3)
    out = _combine(yg, pos0, pos1, wts.reshape(NP))
    return out.reshape(1, S, DIM), aux.reshape(())

# --- scband reference (transcript-rebuilt; emitter-appended) ---
"""Pipeline reference for scband-sigmoid-mo-e-51436528337283 (READ-ONLY COPY).

The authoritative reference and input builder live on the scoring server;
editing this copy changes nothing except your own understanding.
"""

import jax, jax.numpy as jnp
import numpy as np

DIM = 768
HID = 2048
E = 8
K = 2


def setup_inputs(seed: int = 0) -> dict:
    key = jax.random.key(seed)
    ks = jax.random.split(key, 5)
    x = jax.random.normal(ks[0], (1, 2048, DIM), dtype=jnp.float32)
    # router: nn.Linear(dim, E); small random weights to avoid degenerate top-k ties
    Wr = jax.random.normal(ks[1], (DIM, E), dtype=jnp.float32) * 0.02
    br = jnp.zeros((E,), dtype=jnp.float32)
    # experts: SwiGLU w12 (dim -> 2*hid) and w3 (hid -> dim), xavier-uniform-like scaling
    lim12 = float(np.sqrt(6.0 / (DIM + 2 * HID)))
    lim3 = float(np.sqrt(6.0 / (HID + DIM)))
    W12 = jax.random.uniform(ks[2], (E, DIM, 2 * HID), dtype=jnp.float32, minval=-lim12, maxval=lim12)
    W3 = jax.random.uniform(ks[3], (E, HID, DIM), dtype=jnp.float32, minval=-lim3, maxval=lim3)
    return {"x": x, "Wr": Wr, "br": br, "W12": W12, "W3": W3}


def _silu(v):
    return v * jax.nn.sigmoid(v)


def _swiglu(x, w12_e, w3_e):
    h = x @ w12_e              # [B, S, 2*HID]
    h1, h2 = jnp.split(h, 2, axis=-1)
    return (_silu(h1) * h2) @ w3_e  # [B, S, DIM]


def _forward(x, Wr, br, W12, W3):
    router_logits = x @ Wr + br                    # [B, S, E]
    scores = jax.nn.sigmoid(router_logits)
    top_k_scores, top_k_indices = jax.lax.top_k(scores, K)
    router_weights = top_k_scores / (jnp.sum(top_k_scores, axis=-1, keepdims=True) + 1e-6)
    # expert_e(x) computed once per expert; out = sum_i w_i * expert_{idx_i}(x)
    # which equals the original double loop sum_i sum_e expert_e(x)*w_i*(idx_i==e)
    expert_outs = jnp.stack([_swiglu(x, W12[e], W3[e]) for e in range(E)], axis=2)  # [B, S, E, D]
    gathered = jnp.take_along_axis(expert_outs, top_k_indices[..., None], axis=2)   # [B, S, K, D]
    out = jnp.sum(gathered * router_weights[..., None], axis=2)                     # [B, S, D]
    aux_loss = 0.01 * jnp.mean(router_logits ** 2)
    return out, aux_loss


def reference(x, Wr, br, W12, W3):
    return _forward(x, Wr, br, W12, W3)

if __name__ == "__main__":
    import jax
    _d = setup_inputs()
    print(jax.jit(kernel)(*tuple(_d.values())))

</pallas_src>

<mosaic_0001>
#map = affine_map<(d0, d1) -> (0, 0)>
#map1 = affine_map<(d0, d1) -> (0)>
module attributes {stable_mosaic.version = 14 : i64} {
  func.func @_combine_body(%arg0: i32, %arg1: i32, %arg2: memref<4608x768xf32, #tpu.memory_space<hbm>>, %arg3: memref<2048xi32, #tpu.memory_space<hbm>>, %arg4: memref<2048xi32, #tpu.memory_space<hbm>>, %arg5: memref<4096xf32, #tpu.memory_space<hbm>>, %arg6: memref<2048x768xf32, #tpu.memory_space<hbm>>, %arg7: memref<64x768xf32, #tpu.memory_space<vmem>>, %arg8: memref<64x768xf32, #tpu.memory_space<vmem>>, %arg9: memref<64xi32, #tpu.memory_space<vmem>>, %arg10: memref<64xi32, #tpu.memory_space<vmem>>, %arg11: memref<128xf32, #tpu.memory_space<vmem>>, %arg12: memref<!tpu.dma_semaphore, #tpu.memory_space<semaphore_mem>>) attributes {dimension_semantics = [#tpu.dimension_semantics<core_parallel>, #tpu.dimension_semantics<subcore_parallel>], iteration_bounds = array<i64: 2, 16>, scalar_prefetch = 0 : i64, scratch_operands = 6 : i64, tpu.core_type = #tpu.core_type<sc_vector_subcore>, window_params = [{transform_indices = #map}, {transform_indices = #map1}, {transform_indices = #map1}, {transform_indices = #map1}, {transform_indices = #map}]} {
    %mul3A = arith.constant 16 : i32
    %mul3A_0 = arith.muli %arg0, %mul3A : i32
    %add3A = arith.addi %mul3A_0, %arg1 : i32
    %mul3A_1 = arith.constant 64 : i32
    %mul3A_2 = arith.muli %add3A, %mul3A_1 : i32
    "tpu.region"() ({
      %run_scoped3A = tpu.sem_alloc : memref<!tpu.dma_semaphore, #tpu.memory_space<semaphore_mem>>
      %dma_start3A_20 = tpu.memref_slice %arg3[%mul3A_2] : memref<2048xi32, #tpu.memory_space<hbm>> -> memref<64xi32, #tpu.memory_space<hbm>>
      %dma_start3A_21 = tpu.memref_slice %arg3[%mul3A_2] : memref<2048xi32, #tpu.memory_space<hbm>> -> memref<64xi32, #tpu.memory_space<hbm>>
      tpu.enqueue_dma source(%dma_start3A_21 : memref<64xi32, #tpu.memory_space<hbm>>) target(%arg9 : memref<64xi32, #tpu.memory_space<vmem>>) target_semaphore(%run_scoped3A : memref<!tpu.dma_semaphore, #tpu.memory_space<semaphore_mem>>)
      %dma_wait3A_22 = tpu.memref_slice %arg3[%mul3A_2] : memref<2048xi32, #tpu.memory_space<hbm>> -> memref<64xi32, #tpu.memory_space<hbm>>
      %dma_wait3A_23 = tpu.memref_slice %arg3[%mul3A_2] : memref<2048xi32, #tpu.memory_space<hbm>> -> memref<64xi32, #tpu.memory_space<hbm>>
      tpu.wait_dma2 semaphore(%run_scoped3A : memref<!tpu.dma_semaphore, #tpu.memory_space<semaphore_mem>>) src(%dma_wait3A_23 : memref<64xi32, #tpu.memory_space<hbm>>) dst(%arg9 : memref<64xi32, #tpu.memory_space<vmem>>)
      tpu.yield
    }) : () -> ()
    "tpu.region"() ({
      %run_scoped3A = tpu.sem_alloc : memref<!tpu.dma_semaphore, #tpu.memory_space<semaphore_mem>>
      %dma_start3A_20 = tpu.memref_slice %arg4[%mul3A_2] : memref<2048xi32, #tpu.memory_space<hbm>> -> memref<64xi32, #tpu.memory_space<hbm>>
      %dma_start3A_21 = tpu.memref_slice %arg4[%mul3A_2] : memref<2048xi32, #tpu.memory_space<hbm>> -> memref<64xi32, #tpu.memory_space<hbm>>
      tpu.enqueue_dma source(%dma_start3A_21 : memref<64xi32, #tpu.memory_space<hbm>>) target(%arg10 : memref<64xi32, #tpu.memory_space<vmem>>) target_semaphore(%run_scoped3A : memref<!tpu.dma_semaphore, #tpu.memory_space<semaphore_mem>>)
      %dma_wait3A_22 = tpu.memref_slice %arg4[%mul3A_2] : memref<2048xi32, #tpu.memory_space<hbm>> -> memref<64xi32, #tpu.memory_space<hbm>>
      %dma_wait3A_23 = tpu.memref_slice %arg4[%mul3A_2] : memref<2048xi32, #tpu.memory_space<hbm>> -> memref<64xi32, #tpu.memory_space<hbm>>
      tpu.wait_dma2 semaphore(%run_scoped3A : memref<!tpu.dma_semaphore, #tpu.memory_space<semaphore_mem>>) src(%dma_wait3A_23 : memref<64xi32, #tpu.memory_space<hbm>>) dst(%arg10 : memref<64xi32, #tpu.memory_space<vmem>>)
      tpu.yield
    }) : () -> ()
    %mul3A_3 = arith.constant 2 : i32
    %mul3A_4 = arith.muli %mul3A_3, %mul3A_2 : i32
    "tpu.region"() ({
      %run_scoped3A = tpu.sem_alloc : memref<!tpu.dma_semaphore, #tpu.memory_space<semaphore_mem>>
      %dma_start3A_20 = tpu.memref_slice %arg5[%mul3A_4] : memref<4096xf32, #tpu.memory_space<hbm>> -> memref<128xf32, #tpu.memory_space<hbm>>
      %dma_start3A_21 = tpu.memref_slice %arg5[%mul3A_4] : memref<4096xf32, #tpu.memory_space<hbm>> -> memref<128xf32, #tpu.memory_space<hbm>>
      tpu.enqueue_dma source(%dma_start3A_21 : memref<128xf32, #tpu.memory_space<hbm>>) target(%arg11 : memref<128xf32, #tpu.memory_space<vmem>>) target_semaphore(%run_scoped3A : memref<!tpu.dma_semaphore, #tpu.memory_space<semaphore_mem>>)
      %dma_wait3A_22 = tpu.memref_slice %arg5[%mul3A_4] : memref<4096xf32, #tpu.memory_space<hbm>> -> memref<128xf32, #tpu.memory_space<hbm>>
      %dma_wait3A_23 = tpu.memref_slice %arg5[%mul3A_4] : memref<4096xf32, #tpu.memory_space<hbm>> -> memref<128xf32, #tpu.memory_space<hbm>>
      tpu.wait_dma2 semaphore(%run_scoped3A : memref<!tpu.dma_semaphore, #tpu.memory_space<semaphore_mem>>) src(%dma_wait3A_23 : memref<128xf32, #tpu.memory_space<hbm>>) dst(%arg11 : memref<128xf32, #tpu.memory_space<vmem>>)
      tpu.yield
    }) : () -> ()
    %dma_start3A = arith.constant 0 : i32
    %dma_start3A_5 = arith.constant 0 : i32
    %dma_start3A_6 = tpu.memref_slice %arg2[%dma_start3A, %dma_start3A_5] : memref<4608x768xf32, #tpu.memory_space<hbm>> -> memref<4608x768xf32, #tpu.memory_space<hbm>>
    tpu.enqueue_indirect_dma source(%dma_start3A_6 : memref<4608x768xf32, #tpu.memory_space<hbm>>) target(%arg7 : memref<64x768xf32, #tpu.memory_space<vmem>>) offsets(%arg9 : memref<64xi32, #tpu.memory_space<vmem>>) semaphore(%arg12 : memref<!tpu.dma_semaphore, #tpu.memory_space<semaphore_mem>>)
    %dma_start3A_7 = arith.constant 0 : i32
    %dma_start3A_8 = arith.constant 0 : i32
    %dma_start3A_9 = tpu.memref_slice %arg2[%dma_start3A_7, %dma_start3A_8] : memref<4608x768xf32, #tpu.memory_space<hbm>> -> memref<4608x768xf32, #tpu.memory_space<hbm>>
    tpu.enqueue_indirect_dma source(%dma_start3A_9 : memref<4608x768xf32, #tpu.memory_space<hbm>>) target(%arg8 : memref<64x768xf32, #tpu.memory_space<vmem>>) offsets(%arg10 : memref<64xi32, #tpu.memory_space<vmem>>) semaphore(%arg12 : memref<!tpu.dma_semaphore, #tpu.memory_space<semaphore_mem>>)
    %dma_wait3A = arith.constant 0 : i32
    %dma_wait3A_10 = arith.constant 0 : i32
    %dma_wait3A_11 = tpu.memref_slice %arg2[%dma_wait3A, %dma_wait3A_10] : memref<4608x768xf32, #tpu.memory_space<hbm>> -> memref<4608x768xf32, #tpu.memory_space<hbm>>
    tpu.wait_indirect_dma semaphore(%arg12 : memref<!tpu.dma_semaphore, #tpu.memory_space<semaphore_mem>>) src(%dma_wait3A_11 : memref<4608x768xf32, #tpu.memory_space<hbm>>) dst(%arg7 : memref<64x768xf32, #tpu.memory_space<vmem>>)
    %dma_wait3A_12 = arith.constant 0 : i32
    %dma_wait3A_13 = arith.constant 0 : i32
    %dma_wait3A_14 = tpu.memref_slice %arg2[%dma_wait3A_12, %dma_wait3A_13] : memref<4608x768xf32, #tpu.memory_space<hbm>> -> memref<4608x768xf32, #tpu.memory_space<hbm>>
    tpu.wait_indirect_dma semaphore(%arg12 : memref<!tpu.dma_semaphore, #tpu.memory_space<semaphore_mem>>) src(%dma_wait3A_14 : memref<4608x768xf32, #tpu.memory_space<hbm>>) dst(%arg8 : memref<64x768xf32, #tpu.memory_space<vmem>>)
    %scan3A = arith.constant 0 : i32
    %scan3A_15 = arith.constant 0 : i32
    %scan3A_16 = arith.constant 64 : i32
    %scan3A_17 = arith.addi %scan3A_15, %scan3A_16 : i32
    %scan3A_18 = arith.constant 1 : i32
    scf.for %scan3A_20 = %scan3A_15 to %scan3A_17 step %scan3A_18  : i32 {
      %broadcast_in_dim3A = arith.constant 0 : i32
      %broadcast_in_dim3A_21 = vector.broadcast %broadcast_in_dim3A : i32 to vector<16xi32>
      %mul3A_22 = arith.constant 2 : i32
      %mul3A_23 = arith.muli %mul3A_22, %scan3A_20 : i32
      %add3A_24 = vector.broadcast %mul3A_23 : i32 to vector<16xi32>
      %add3A_25 = arith.addi %broadcast_in_dim3A_21, %add3A_24 : vector<16xi32>
      %gather3A = tpu.vector_load_idx %arg11[%add3A_25] : memref<128xf32, #tpu.memory_space<vmem>>[vector<16xi32>], vector<16xf32>,
      %add3A_26 = arith.constant 1 : i32
      %add3A_27 = vector.broadcast %add3A_26 : i32 to vector<16xi32>
      %add3A_28 = arith.addi %add3A_25, %add3A_27 : vector<16xi32>
      %gather3A_29 = tpu.vector_load_idx %arg11[%add3A_28] : memref<128xf32, #tpu.memory_space<vmem>>[vector<16xi32>], vector<16xf32>,
      %get3A = arith.index_cast %scan3A_20 : i32 to index
      %get3A_30 = arith.constant 0 : index
      %get3A_31 = tpu.vector_load %arg7[%get3A, %get3A_30] {strides = array<i32>} : memref<64x768xf32, #tpu.memory_space<vmem>>, vector<16xf32>,
      %mul3A_32 = arith.mulf %gather3A, %get3A_31 : vector<16xf32>
      %get3A_33 = arith.index_cast %scan3A_20 : i32 to index
      %get3A_34 = arith.constant 0 : index
      %get3A_35 = tpu.vector_load %arg8[%get3A_33, %get3A_34] {strides = array<i32>} : memref<64x768xf32, #tpu.memory_space<vmem>>, vector<16xf32>,
      %mul3A_36 = arith.mulf %gather3A_29, %get3A_35 : vector<16xf32>
      %add3A_37 = arith.addf %mul3A_32, %mul3A_36 : vector<16xf32>
      %swap3A = arith.index_cast %scan3A_20 : i32 to index
      %swap3A_38 = arith.constant 0 : index
      %swap3A_39 = tpu.vector_load %arg7[%swap3A, %swap3A_38] {strides = array<i32>} : memref<64x768xf32, #tpu.memory_space<vmem>>, vector<16xf32>,
      tpu.vector_store %arg7[%swap3A, %swap3A_38], %add3A_37 {strides = array<i32>} : memref<64x768xf32, #tpu.memory_space<vmem>>, vector<16xf32>,
      %get3A_40 = arith.index_cast %scan3A_20 : i32 to index
      %get3A_41 = arith.constant 16 : index
      %get3A_42 = tpu.vector_load %arg7[%get3A_40, %get3A_41] {strides = array<i32>} : memref<64x768xf32, #tpu.memory_space<vmem>>, vector<16xf32>,
      %mul3A_43 = arith.mulf %gather3A, %get3A_42 : vector<16xf32>
      %get3A_44 = arith.index_cast %scan3A_20 : i32 to index
      %get3A_45 = arith.constant 16 : index
      %get3A_46 = tpu.vector_load %arg8[%get3A_44, %get3A_45] {strides = array<i32>} : memref<64x768xf32, #tpu.memory_space<vmem>>, vector<16xf32>,
      %mul3A_47 = arith.mulf %gather3A_29, %get3A_46 : vector<16xf32>
      %add3A_48 = arith.addf %mul3A_43, %mul3A_47 : vector<16xf32>
      %swap3A_49 = arith.index_cast %scan3A_20 : i32 to index
      %swap3A_50 = arith.constant 16 : index
      %swap3A_51 = tpu.vector_load %arg7[%swap3A_49, %swap3A_50] {strides = array<i32>} : memref<64x768xf32, #tpu.memory_space<vmem>>, vector<16xf32>,
      tpu.vector_store %arg7[%swap3A_49, %swap3A_50], %add3A_48 {strides = array<i32>} : memref<64x768xf32, #tpu.memory_space<vmem>>, vector<16xf32>,
      %get3A_52 = arith.index_cast %scan3A_20 : i32 to index
      %get3A_53 = arith.constant 32 : index
      %get3A_54 = tpu.vector_load %arg7[%get3A_52, %get3A_53] {strides = array<i32>} : memref<64x768xf32, #tpu.memory_space<vmem>>, vector<16xf32>,
      %mul3A_55 = arith.mulf %gather3A, %get3A_54 : vector<16xf32>
      %get3A_56 = arith.index_cast %scan3A_20 : i32 to index
      %get3A_57 = arith.constant 32 : index
      %get3A_58 = tpu.vector_load %arg8[%get3A_56, %get3A_57] {strides = array<i32>} : memref<64x768xf32, #tpu.memory_space<vmem>>, vector<16xf32>,
      %mul3A_59 = arith.mulf %gather3A_29, %get3A_58 : vector<16xf32>
      %add3A_60 = arith.addf %mul3A_55, %mul3A_59 : vector<16xf32>
      %swap3A_61 = arith.index_cast %scan3A_20 : i32 to index
      %swap3A_62 = arith.constant 32 : index
      %swap3A_63 = tpu.vector_load %arg7[%swap3A_61, %swap3A_62] {strides = array<i32>} : memref<64x768xf32, #tpu.memory_space<vmem>>, vector<16xf32>,
      tpu.vector_store %arg7[%swap3A_61, %swap3A_62], %add3A_60 {strides = array<i32>} : memref<64x768xf32, #tpu.memory_space<vmem>>, vector<16xf32>,
      %get3A_64 = arith.index_cast %scan3A_20 : i32 to index
      %get3A_65 = arith.constant 48 : index
      %get3A_66 = tpu.vector_load %arg7[%get3A_64, %get3A_65] {strides = array<i32>} : memref<64x768xf32, #tpu.memory_space<vmem>>, vector<16xf32>,
      %mul3A_67 = arith.mulf %gather3A, %get3A_66 : vector<16xf32>
      %get3A_68 = arith.index_cast %scan3A_20 : i32 to index
      %get3A_69 = arith.constant 48 : index
      %get3A_70 = tpu.vector_load %arg8[%get3A_68, %get3A_69] {strides = array<i32>} : memref<64x768xf32, #tpu.memory_space<vmem>>, vector<16xf32>,
      %mul3A_71 = arith.mulf %gather3A_29, %get3A_70 : vector<16xf32>
      %add3A_72 = arith.addf %mul3A_67, %mul3A_71 : vector<16xf32>
      %swap3A_73 = arith.index_cast %scan3A_20 : i32 to index
      %swap3A_74 = arith.constant 48 : index
      %swap3A_75 = tpu.vector_load %arg7[%swap3A_73, %swap3A_74] {strides = array<i32>} : memref<64x768xf32, #tpu.memory_space<vmem>>, vector<16xf32>,
      tpu.vector_store %arg7[%swap3A_73, %swap3A_74], %add3A_72 {strides = array<i32>} : memref<64x768xf32, #tpu.memory_space<vmem>>, vector<16xf32>,
      %get3A_76 = arith.index_cast %scan3A_20 : i32 to index
      %get3A_77 = arith.constant 64 : index
      %get3A_78 = tpu.vector_load %arg7[%get3A_76, %get3A_77] {strides = array<i32>} : memref<64x768xf32, #tpu.memory_space<vmem>>, vector<16xf32>,
      %mul3A_79 = arith.mulf %gather3A, %get3A_78 : vector<16xf32>
      %get3A_80 = arith.index_cast %scan3A_20 : i32 to index
      %get3A_81 = arith.constant 64 : index
      %get3A_82 = tpu.vector_load %arg8[%get3A_80, %get3A_81] {strides = array<i32>} : memref<64x768xf32, #tpu.memory_space<vmem>>, vector<16xf32>,
      %mul3A_83 = arith.mulf %gather3A_29, %get3A_82 : vector<16xf32>
      %add3A_84 = arith.addf %mul3A_79, %mul3A_83 : vector<16xf32>
      %swap3A_85 = arith.index_cast %scan3A_20 : i32 to index
      %swap3A_86 = arith.constant 64 : index
      %swap3A_87 = tpu.vector_load %arg7[%swap3A_85, %swap3A_86] {strides = array<i32>} : memref<64x768xf32, #tpu.memory_space<vmem>>, vector<16xf32>,
      tpu.vector_store %arg7[%swap3A_85, %swap3A_86], %add3A_84 {strides = array<i32>} : memref<64x768xf32, #tpu.memory_space<vmem>>, vector<16xf32>,
      %get3A_88 = arith.index_cast %scan3A_20 : i32 to index
      %get3A_89 = arith.constant 80 : index
      %get3A_90 = tpu.vector_load %arg7[%get3A_88, %get3A_89] {strides = array<i32>} : memref<64x768xf32, #tpu.memory_space<vmem>>, vector<16xf32>,
      %mul3A_91 = arith.mulf %gather3A, %get3A_90 : vector<16xf32>
      %get3A_92 = arith.index_cast %scan3A_20 : i32 to index
      %get3A_93 = arith.constant 80 : index
      %get3A_94 = tpu.vector_load %arg8[%get3A_92, %get3A_93] {strides = array<i32>} : memref<64x768xf32, #tpu.memory_space<vmem>>, vector<16xf32>,
      %mul3A_95 = arith.mulf %gather3A_29, %get3A_94 : vector<16xf32>
      %add3A_96 = arith.addf %mul3A_91, %mul3A_95 : vector<16xf32>
      %swap3A_97 = arith.index_cast %scan3A_20 : i32 to index
      %swap3A_98 = arith.constant 80 : index
      %swap3A_99 = tpu.vector_load %arg7[%swap3A_97, %swap3A_98] {strides = array<i32>} : memref<64x768xf32, #tpu.memory_space<vmem>>, vector<16xf32>,
      tpu.vector_store %arg7[%swap3A_97, %swap3A_98], %add3A_96 {strides = array<i32>} : memref<64x768xf32, #tpu.memory_space<vmem>>, vector<16xf32>,
      %get3A_100 = arith.index_cast %scan3A_20 : i32 to index
      %get3A_101 = arith.constant 96 : index
      %get3A_102 = tpu.vector_load %arg7[%get3A_100, %get3A_101] {strides = array<i32>} : memref<64x768xf32, #tpu.memory_space<vmem>>, vector<16xf32>,
      %mul3A_103 = arith.mulf %gather3A, %get3A_102 : vector<16xf32>
      %get3A_104 = arith.index_cast %scan3A_20 : i32 to index
      %get3A_105 = arith.constant 96 : index
      %get3A_106 = tpu.vector_load %arg8[%get3A_104, %get3A_105] {strides = array<i32>} : memref<64x768xf32, #tpu.memory_space<vmem>>, vector<16xf32>,
      %mul3A_107 = arith.mulf %gather3A_29, %get3A_106 : vector<16xf32>
      %add3A_108 = arith.addf %mul3A_103, %mul3A_107 : vector<16xf32>
      %swap3A_109 = arith.index_cast %scan3A_20 : i32 to index
      %swap3A_110 = arith.constant 96 : index
      %swap3A_111 = tpu.vector_load %arg7[%swap3A_109, %swap3A_110] {strides = array<i32>} : memref<64x768xf32, #tpu.memory_space<vmem>>, vector<16xf32>,
      tpu.vector_store %arg7[%swap3A_109, %swap3A_110], %add3A_108 {strides = array<i32>} : memref<64x768xf32, #tpu.memory_space<vmem>>, vector<16xf32>,
      %get3A_112 = arith.index_cast %scan3A_20 : i32 to index
      %get3A_113 = arith.constant 112 : index
      %get3A_114 = tpu.vector_load %arg7[%get3A_112, %get3A_113] {strides = array<i32>} : memref<64x768xf32, #tpu.memory_space<vmem>>, vector<16xf32>,
      %mul3A_115 = arith.mulf %gather3A, %get3A_114 : vector<16xf32>
      %get3A_116 = arith.index_cast %scan3A_20 : i32 to index
      %get3A_117 = arith.constant 112 : index
      %get3A_118 = tpu.vector_load %arg8[%get3A_116, %get3A_117] {strides = array<i32>} : memref<64x768xf32, #tpu.memory_space<vmem>>, vector<16xf32>,
      %mul3A_119 = arith.mulf %gather3A_29, %get3A_118 : vector<16xf32>
      %add3A_120 = arith.addf %mul3A_115, %mul3A_119 : vector<16xf32>
      %swap3A_121 = arith.index_cast %scan3A_20 : i32 to index
      %swap3A_122 = arith.constant 112 : index
      %swap3A_123 = tpu.vector_load %arg7[%swap3A_121, %swap3A_122] {strides = array<i32>} : memref<64x768xf32, #tpu.memory_space<vmem>>, vector<16xf32>,
      tpu.vector_store %arg7[%swap3A_121, %swap3A_122], %add3A_120 {strides = array<i32>} : memref<64x768xf32, #tpu.memory_space<vmem>>, vector<16xf32>,
      %get3A_124 = arith.index_cast %scan3A_20 : i32 to index
      %get3A_125 = arith.constant 128 : index
      %get3A_126 = tpu.vector_load %arg7[%get3A_124, %get3A_125] {strides = array<i32>} : memref<64x768xf32, #tpu.memory_space<vmem>>, vector<16xf32>,
      %mul3A_127 = arith.mulf %gather3A, %get3A_126 : vector<16xf32>
      %get3A_128 = arith.index_cast %scan3A_20 : i32 to index
      %get3A_129 = arith.constant 128 : index
      %get3A_130 = tpu.vector_load %arg8[%get3A_128, %get3A_129] {strides = array<i32>} : memref<64x768xf32, #tpu.memory_space<vmem>>, vector<16xf32>,
      %mul3A_131 = arith.mulf %gather3A_29, %get3A_130 : vector<16xf32>
      %add3A_132 = arith.addf %mul3A_127, %mul3A_131 : vector<16xf32>
      %swap3A_133 = arith.index_cast %scan3A_20 : i32 to index
      %swap3A_134 = arith.constant 128 : index
      %swap3A_135 = tpu.vector_load %arg7[%swap3A_133, %swap3A_134] {strides = array<i32>} : memref<64x768xf32, #tpu.memory_space<vmem>>, vector<16xf32>,
      tpu.vector_store %arg7[%swap3A_133, %swap3A_134], %add3A_132 {strides = array<i32>} : memref<64x768xf32, #tpu.memory_space<vmem>>, vector<16xf32>,
      %get3A_136 = arith.index_cast %scan3A_20 : i32 to index
      %get3A_137 = arith.constant 144 : index
      %get3A_138 = tpu.vector_load %arg7[%get3A_136, %get3A_137] {strides = array<i32>} : memref<64x768xf32, #tpu.memory_space<vmem>>, vector<16xf32>,
      %mul3A_139 = arith.mulf %gather3A, %get3A_138 : vector<16xf32>
      %get3A_140 = arith.index_cast %scan3A_20 : i32 to index
      %get3A_141 = arith.constant 144 : index
      %get3A_142 = tpu.vector_load %arg8[%get3A_140, %get3A_141] {strides = array<i32>} : memref<64x768xf32, #tpu.memory_space<vmem>>, vector<16xf32>,
      %mul3A_143 = arith.mulf %gather3A_29, %get3A_142 : vector<16xf32>
      %add3A_144 = arith.addf %mul3A_139, %mul3A_143 : vector<16xf32>
      %swap3A_145 = arith.index_cast %scan3A_20 : i32 to index
      %swap3A_146 = arith.constant 144 : index
      %swap3A_147 = tpu.vector_load %arg7[%swap3A_145, %swap3A_146] {strides = array<i32>} : memref<64x768xf32, #tpu.memory_space<vmem>>, vector<16xf32>,
      tpu.vector_store %arg7[%swap3A_145, %swap3A_146], %add3A_144 {strides = array<i32>} : memref<64x768xf32, #tpu.memory_space<vmem>>, vector<16xf32>,
      %get3A_148 = arith.index_cast %scan3A_20 : i32 to index
      %get3A_149 = arith.constant 160 : index
      %get3A_150 = tpu.vector_load %arg7[%get3A_148, %get3A_149] {strides = array<i32>} : memref<64x768xf32, #tpu.memory_space<vmem>>, vector<16xf32>,
      %mul3A_151 = arith.mulf %gather3A, %get3A_150 : vector<16xf32>
      %get3A_152 = arith.index_cast %scan3A_20 : i32 to index
      %get3A_153 = arith.constant 160 : index
      %get3A_154 = tpu.vector_load %arg8[%get3A_152, %get3A_153] {strides = array<i32>} : memref<64x768xf32, #tpu.memory_space<vmem>>, vector<16xf32>,
      %mul3A_155 = arith.mulf %gather3A_29, %get3A_154 : vector<16xf32>
      %add3A_156 = arith.addf %mul3A_151, %mul3A_155 : vector<16xf32>
      %swap3A_157 = arith.index_cast %scan3A_20 : i32 to index
      %swap3A_158 = arith.constant 160 : index
      %swap3A_159 = tpu.vector_load %arg7[%swap3A_157, %swap3A_158] {strides = array<i32>} : memref<64x768xf32, #tpu.memory_space<vmem>>, vector<16xf32>,
      tpu.vector_store %arg7[%swap3A_157, %swap3A_158], %add3A_156 {strides = array<i32>} : memref<64x768xf32, #tpu.memory_space<vmem>>, vector<16xf32>,
      %get3A_160 = arith.index_cast %scan3A_20 : i32 to index
      %get3A_161 = arith.constant 176 : index
      %get3A_162 = tpu.vector_load %arg7[%get3A_160, %get3A_161] {strides = array<i32>} : memref<64x768xf32, #tpu.memory_space<vmem>>, vector<16xf32>,
      %mul3A_163 = arith.mulf %gather3A, %get3A_162 : vector<16xf32>
      %get3A_164 = arith.index_cast %scan3A_20 : i32 to index
      %get3A_165 = arith.constant 176 : index
      %get3A_166 = tpu.vector_load %arg8[%get3A_164, %get3A_165] {strides = array<i32>} : memref<64x768xf32, #tpu.memory_space<vmem>>, vector<16xf32>,
      %mul3A_167 = arith.mulf %gather3A_29, %get3A_166 : vector<16xf32>
      %add3A_168 = arith.addf %mul3A_163, %mul3A_167 : vector<16xf32>
      %swap3A_169 = arith.index_cast %scan3A_20 : i32 to index
      %swap3A_170 = arith.constant 176 : index
      %swap3A_171 = tpu.vector_load %arg7[%swap3A_169, %swap3A_170] {strides = array<i32>} : memref<64x768xf32, #tpu.memory_space<vmem>>, vector<16xf32>,
      tpu.vector_store %arg7[%swap3A_169, %swap3A_170], %add3A_168 {strides = array<i32>} : memref<64x768xf32, #tpu.memory_space<vmem>>, vector<16xf32>,
      %get3A_172 = arith.index_cast %scan3A_20 : i32 to index
      %get3A_173 = arith.constant 192 : index
      %get3A_174 = tpu.vector_load %arg7[%get3A_172, %get3A_173] {strides = array<i32>} : memref<64x768xf32, #tpu.memory_space<vmem>>, vector<16xf32>,
      %mul3A_175 = arith.mulf %gather3A, %get3A_174 : vector<16xf32>
      %get3A_176 = arith.index_cast %scan3A_20 : i32 to index
      %get3A_177 = arith.constant 192 : index
      %get3A_178 = tpu.vector_load %arg8[%get3A_176, %get3A_177] {strides = array<i32>} : memref<64x768xf32, #tpu.memory_space<vmem>>, vector<16xf32>,
      %mul3A_179 = arith.mulf %gather3A_29, %get3A_178 : vector<16xf32>
      %add3A_180 = arith.addf %mul3A_175, %mul3A_179 : vector<16xf32>
      %swap3A_181 = arith.index_cast %scan3A_20 : i32 to index
      %swap3A_182 = arith.constant 192 : index
      %swap3A_183 = tpu.vector_load %arg7[%swap3A_181, %swap3A_182] {strides = array<i32>} : memref<64x768xf32, #tpu.memory_space<vmem>>, vector<16xf32>,
      tpu.vector_store %arg7[%swap3A_181, %swap3A_182], %add3A_180 {strides = array<i32>} : memref<64x768xf32, #tpu.memory_space<vmem>>, vector<16xf32>,
      %get3A_184 = arith.index_cast %scan3A_20 : i32 to index
      %get3A_185 = arith.constant 208 : index
      %get3A_186 = tpu.vector_load %arg7[%get3A_184, %get3A_185] {strides = array<i32>} : memref<64x768xf32, #tpu.memory_space<vmem>>, vector<16xf32>,
      %mul3A_187 = arith.mulf %gather3A, %get3A_186 : vector<16xf32>
      %get3A_188 = arith.index_cast %scan3A_20 : i32 to index
      %get3A_189 = arith.constant 208 : index
      %get3A_190 = tpu.vector_load %arg8[%get3A_188, %get3A_189] {strides = array<i32>} : memref<64x768xf32, #tpu.memory_space<vmem>>, vector<16xf32>,
      %mul3A_191 = arith.mulf %gather3A_29, %get3A_190 : vector<16xf32>
      %add3A_192 = arith.addf %mul3A_187, %mul3A_191 : vector<16xf32>
      %swap3A_193 = arith.index_cast %scan3A_20 : i32 to index
      %swap3A_194 = arith.constant 208 : index
      %swap3A_195 = tpu.vector_load %arg7[%swap3A_193, %swap3A_194] {strides = array<i32>} : memref<64x768xf32, #tpu.memory_space<vmem>>, vector<16xf32>,
      tpu.vector_store %arg7[%swap3A_193, %swap3A_194], %add3A_192 {strides = array<i32>} : memref<64x768xf32, #tpu.memory_space<vmem>>, vector<16xf32>,
      %get3A_196 = arith.index_cast %scan3A_20 : i32 to index
      %get3A_197 = arith.constant 224 : index
      %get3A_198 = tpu.vector_load %arg7[%get3A_196, %get3A_197] {strides = array<i32>} : memref<64x768xf32, #tpu.memory_space<vmem>>, vector<16xf32>,
      %mul3A_199 = arith.mulf %gather3A, %get3A_198 : vector<16xf32>
      %get3A_200 = arith.index_cast %scan3A_20 : i32 to index
      %get3A_201 = arith.constant 224 : index
      %get3A_202 = tpu.vector_load %arg8[%get3A_200, %get3A_201] {strides = array<i32>} : memref<64x768xf32, #tpu.memory_space<vmem>>, vector<16xf32>,
      %mul3A_203 = arith.mulf %gather3A_29, %get3A_202 : vector<16xf32>
      %add3A_204 = arith.addf %mul3A_199, %mul3A_203 : vector<16xf32>
      %swap3A_205 = arith.index_cast %scan3A_20 : i32 to index
      %swap3A_206 = arith.constant 224 : index
      %swap3A_207 = tpu.vector_load %arg7[%swap3A_205, %swap3A_206] {strides = array<i32>} : memref<64x768xf32, #tpu.memory_space<vmem>>, vector<16xf32>,
      tpu.vector_store %arg7[%swap3A_205, %swap3A_206], %add3A_204 {strides = array<i32>} : memref<64x768xf32, #tpu.memory_space<vmem>>, vector<16xf32>,
      %get3A_208 = arith.index_cast %scan3A_20 : i32 to index
      %get3A_209 = arith.constant 240 : index
      %get3A_210 = tpu.vector_load %arg7[%get3A_208, %get3A_209] {strides = array<i32>} : memref<64x768xf32, #tpu.memory_space<vmem>>, vector<16xf32>,
      %mul3A_211 = arith.mulf %gather3A, %get3A_210 : vector<16xf32>
      %get3A_212 = arith.index_cast %scan3A_20 : i32 to index
      %get3A_213 = arith.constant 240 : index
      %get3A_214 = tpu.vector_load %arg8[%get3A_212, %get3A_213] {strides = array<i32>} : memref<64x768xf32, #tpu.memory_space<vmem>>, vector<16xf32>,
      %mul3A_215 = arith.mulf %gather3A_29, %get3A_214 : vector<16xf32>
      %add3A_216 = arith.addf %mul3A_211, %mul3A_215 : vector<16xf32>
      %swap3A_217 = arith.index_cast %scan3A_20 : i32 to index
      %swap3A_218 = arith.constant 240 : index
      %swap3A_219 = tpu.vector_load %arg7[%swap3A_217, %swap3A_218] {strides = array<i32>} : memref<64x768xf32, #tpu.memory_space<vmem>>, vector<16xf32>,
      tpu.vector_store %arg7[%swap3A_217, %swap3A_218], %add3A_216 {strides = array<i32>} : memref<64x768xf32, #tpu.memory_space<vmem>>, vector<16xf32>,
      %get3A_220 = arith.index_cast %scan3A_20 : i32 to index
      %get3A_221 = arith.constant 256 : index
      %get3A_222 = tpu.vector_load %arg7[%get3A_220, %get3A_221] {strides = array<i32>} : memref<64x768xf32, #tpu.memory_space<vmem>>, vector<16xf32>,
      %mul3A_223 = arith.mulf %gather3A, %get3A_222 : vector<16xf32>
      %get3A_224 = arith.index_cast %scan3A_20 : i32 to index
      %get3A_225 = arith.constant 256 : index
      %get3A_226 = tpu.vector_load %arg8[%get3A_224, %get3A_225] {strides = array<i32>} : memref<64x768xf32, #tpu.memory_space<vmem>>, vector<16xf32>,
      %mul3A_227 = arith.mulf %gather3A_29, %get3A_226 : vector<16xf32>
      %add3A_228 = arith.addf %mul3A_223, %mul3A_227 : vector<16xf32>
      %swap3A_229 = arith.index_cast %scan3A_20 : i32 to index
      %swap3A_230 = arith.constant 256 : index
      %swap3A_231 = tpu.vector_load %arg7[%swap3A_229, %swap3A_230] {strides = array<i32>} : memref<64x768xf32, #tpu.memory_space<vmem>>, vector<16xf32>,
      tpu.vector_store %arg7[%swap3A_229, %swap3A_230], %add3A_228 {strides = array<i32>} : memref<64x768xf32, #tpu.memory_space<vmem>>, vector<16xf32>,
      %get3A_232 = arith.index_cast %scan3A_20 : i32 to index
      %get3A_233 = arith.constant 272 : index
      %get3A_234 = tpu.vector_load %arg7[%get3A_232, %get3A_233] {strides = array<i32>} : memref<64x768xf32, #tpu.memory_space<vmem>>, vector<16xf32>,
      %mul3A_235 = arith.mulf %gather3A, %get3A_234 : vector<16xf32>
      %get3A_236 = arith.index_cast %scan3A_20 : i32 to index
      %get3A_237 = arith.constant 272 : index
      %get3A_238 = tpu.vector_load %arg8[%get3A_236, %get3A_237] {strides = array<i32>} : memref<64x768xf32, #tpu.memory_space<vmem>>, vector<16xf32>,
      %mul3A_239 = arith.mulf %gather3A_29, %get3A_238 : vector<16xf32>
      %add3A_240 = arith.addf %mul3A_235, %mul3A_239 : vector<16xf32>
      %swap3A_241 = arith.index_cast %scan3A_20 : i32 to index
      %swap3A_242 = arith.constant 272 : index
      %swap3A_243 = tpu.vector_load %arg7[%swap3A_241, %swap3A_242] {strides = array<i32>} : memref<64x768xf32, #tpu.memory_space<vmem>>, vector<16xf32>,
      tpu.vector_store %arg7[%swap3A_241, %swap3A_242], %add3A_240 {strides = array<i32>} : memref<64x768xf32, #tpu.memory_space<vmem>>, vector<16xf32>,
      %get3A_244 = arith.index_cast %scan3A_20 : i32 to index
      %get3A_245 = arith.constant 288 : index
      %get3A_246 = tpu.vector_load %arg7[%get3A_244, %get3A_245] {strides = array<i32>} : memref<64x768xf32, #tpu.memory_space<vmem>>, vector<16xf32>,
      %mul3A_247 = arith.mulf %gather3A, %get3A_246 : vector<16xf32>
      %get3A_248 = arith.index_cast %scan3A_20 : i32 to index
      %get3A_249 = arith.constant 288 : index
      %get3A_250 = tpu.vector_load %arg8[%get3A_248, %get3A_249] {strides = array<i32>} : memref<64x768xf32, #tpu.memory_space<vmem>>, vector<16xf32>,
      %mul3A_251 = arith.mulf %gather3A_29, %get3A_250 : vector<16xf32>
      %add3A_252 = arith.addf %mul3A_247, %mul3A_251 : vector<16xf32>
      %swap3A_253 = arith.index_cast %scan3A_20 : i32 to index
      %swap3A_254 = arith.constant 288 : index
      %swap3A_255 = tpu.vector_load %arg7[%swap3A_253, %swap3A_254] {strides = array<i32>} : memref<64x768xf32, #tpu.memory_space<vmem>>, vector<16xf32>,
      tpu.vector_store %arg7[%swap3A_253, %swap3A_254], %add3A_252 {strides = array<i32>} : memref<64x768xf32, #tpu.memory_space<vmem>>, vector<16xf32>,
      %get3A_256 = arith.index_cast %scan3A_20 : i32 to index
      %get3A_257 = arith.constant 304 : index
      %get3A_258 = tpu.vector_load %arg7[%get3A_256, %get3A_257] {strides = array<i32>} : memref<64x768xf32, #tpu.memory_space<vmem>>, vector<16xf32>,
      %mul3A_259 = arith.mulf %gather3A, %get3A_258 : vector<16xf32>
      %get3A_260 = arith.index_cast %scan3A_20 : i32 to index
      %get3A_261 = arith.constant 304 : index
      %get3A_262 = tpu.vector_load %arg8[%get3A_260, %get3A_261] {strides = array<i32>} : memref<64x768xf32, #tpu.memory_space<vmem>>, vector<16xf32>,
      %mul3A_263 = arith.mulf %gather3A_29, %get3A_262 : vector<16xf32>
      %add3A_264 = arith.addf %mul3A_259, %mul3A_263 : vector<16xf32>
      %swap3A_265 = arith.index_cast %scan3A_20 : i32 to index
      %swap3A_266 = arith.constant 304 : index
      %swap3A_267 = tpu.vector_load %arg7[%swap3A_265, %swap3A_266] {strides = array<i32>} : memref<64x768xf32, #tpu.memory_space<vmem>>, vector<16xf32>,
      tpu.vector_store %arg7[%swap3A_265, %swap3A_266], %add3A_264 {strides = array<i32>} : memref<64x768xf32, #tpu.memory_space<vmem>>, vector<16xf32>,
      %get3A_268 = arith.index_cast %scan3A_20 : i32 to index
      %get3A_269 = arith.constant 320 : index
      %get3A_270 = tpu.vector_load %arg7[%get3A_268, %get3A_269] {strides = array<i32>} : memref<64x768xf32, #tpu.memory_space<vmem>>, vector<16xf32>,
      %mul3A_271 = arith.mulf %gather3A, %get3A_270 : vector<16xf32>
      %get3A_272 = arith.index_cast %scan3A_20 : i32 to index
      %get3A_273 = arith.constant 320 : index
      %get3A_274 = tpu.vector_load %arg8[%get3A_272, %get3A_273] {strides = array<i32>} : memref<64x768xf32, #tpu.memory_space<vmem>>, vector<16xf32>,
      %mul3A_275 = arith.mulf %gather3A_29, %get3A_274 : vector<16xf32>
      %add3A_276 = arith.addf %mul3A_271, %mul3A_275 : vector<16xf32>
      %swap3A_277 = arith.index_cast %scan3A_20 : i32 to index
      %swap3A_278 = arith.constant 320 : index
      %swap3A_279 = tpu.vector_load %arg7[%swap3A_277, %swap3A_278] {strides = array<i32>} : memref<64x768xf32, #tpu.memory_space<vmem>>, vector<16xf32>,
      tpu.vector_store %arg7[%swap3A_277, %swap3A_278], %add3A_276 {strides = array<i32>} : memref<64x768xf32, #tpu.memory_space<vmem>>, vector<16xf32>,
      %get3A_280 = arith.index_cast %scan3A_20 : i32 to index
      %get3A_281 = arith.constant 336 : index
      %get3A_282 = tpu.vector_load %arg7[%get3A_280, %get3A_281] {strides = array<i32>} : memref<64x768xf32, #tpu.memory_space<vmem>>, vector<16xf32>,
      %mul3A_283 = arith.mulf %gather3A, %get3A_282 : vector<16xf32>
      %get3A_284 = arith.index_cast %scan3A_20 : i32 to index
      %get3A_285 = arith.constant 336 : index
      %get3A_286 = tpu.vector_load %arg8[%get3A_284, %get3A_285] {strides = array<i32>} : memref<64x768xf32, #tpu.memory_space<vmem>>, vector<16xf32>,
      %mul3A_287 = arith.mulf %gather3A_29, %get3A_286 : vector<16xf32>
      %add3A_288 = arith.addf %mul3A_283, %mul3A_287 : vector<16xf32>
      %swap3A_289 = arith.index_cast %scan3A_20 : i32 to index
      %swap3A_290 = arith.constant 336 : index
      %swap3A_291 = tpu.vector_load %arg7[%swap3A_289, %swap3A_290] {strides = array<i32>} : memref<64x768xf32, #tpu.memory_space<vmem>>, vector<16xf32>,
      tpu.vector_store %arg7[%swap3A_289, %swap3A_290], %add3A_288 {strides = array<i32>} : memref<64x768xf32, #tpu.memory_space<vmem>>, vector<16xf32>,
      %get3A_292 = arith.index_cast %scan3A_20 : i32 to index
      %get3A_293 = arith.constant 352 : index
      %get3A_294 = tpu.vector_load %arg7[%get3A_292, %get3A_293] {strides = array<i32>} : memref<64x768xf32, #tpu.memory_space<vmem>>, vector<16xf32>,
      %mul3A_295 = arith.mulf %gather3A, %get3A_294 : vector<16xf32>
      %get3A_296 = arith.index_cast %scan3A_20 : i32 to index
      %get3A_297 = arith.constant 352 : index
      %get3A_298 = tpu.vector_load %arg8[%get3A_296, %get3A_297] {strides = array<i32>} : memref<64x768xf32, #tpu.memory_space<vmem>>, vector<16xf32>,
      %mul3A_299 = arith.mulf %gather3A_29, %get3A_298 : vector<16xf32>
      %add3A_300 = arith.addf %mul3A_295, %mul3A_299 : vector<16xf32>
      %swap3A_301 = arith.index_cast %scan3A_20 : i32 to index
      %swap3A_302 = arith.constant 352 : index
      %swap3A_303 = tpu.vector_load %arg7[%swap3A_301, %swap3A_302] {strides = array<i32>} : memref<64x768xf32, #tpu.memory_space<vmem>>, vector<16xf32>,
      tpu.vector_store %arg7[%swap3A_301, %swap3A_302], %add3A_300 {strides = array<i32>} : memref<64x768xf32, #tpu.memory_space<vmem>>, vector<16xf32>,
      %get3A_304 = arith.index_cast %scan3A_20 : i32 to index
      %get3A_305 = arith.constant 368 : index
      %get3A_306 = tpu.vector_load %arg7[%get3A_304, %get3A_305] {strides = array<i32>} : memref<64x768xf32, #tpu.memory_space<vmem>>, vector<16xf32>,
      %mul3A_307 = arith.mulf %gather3A, %get3A_306 : vector<16xf32>
      %get3A_308 = arith.index_cast %scan3A_20 : i32 to index
      %get3A_309 = arith.constant 368 : index
      %get3A_310 = tpu.vector_load %arg8[%get3A_308, %get3A_309] {strides = array<i32>} : memref<64x768xf32, #tpu.memory_space<vmem>>, vector<16xf32>,
      %mul3A_311 = arith.mulf %gather3A_29, %get3A_310 : vector<16xf32>
      %add3A_312 = arith.addf %mul3A_307, %mul3A_311 : vector<16xf32>
      %swap3A_313 = arith.index_cast %scan3A_20 : i32 to index
      %swap3A_314 = arith.constant 368 : index
      %swap3A_315 = tpu.vector_load %arg7[%swap3A_313, %swap3A_314] {strides = array<i32>} : memref<64x768xf32, #tpu.memory_space<vmem>>, vector<16xf32>,
      tpu.vector_store %arg7[%swap3A_313, %swap3A_314], %add3A_312 {strides = array<i32>} : memref<64x768xf32, #tpu.memory_space<vmem>>, vector<16xf32>,
      %get3A_316 = arith.index_cast %scan3A_20 : i32 to index
      %get3A_317 = arith.constant 384 : index
      %get3A_318 = tpu.vector_load %arg7[%get3A_316, %get3A_317] {strides = array<i32>} : memref<64x768xf32, #tpu.memory_space<vmem>>, vector<16xf32>,
      %mul3A_319 = arith.mulf %gather3A, %get3A_318 : vector<16xf32>
      %get3A_320 = arith.index_cast %scan3A_20 : i32 to index
      %get3A_321 = arith.constant 384 : index
      %get3A_322 = tpu.vector_load %arg8[%get3A_320, %get3A_321] {strides = array<i32>} : memref<64x768xf32, #tpu.memory_space<vmem>>, vector<16xf32>,
      %mul3A_323 = arith.mulf %gather3A_29, %get3A_322 : vector<16xf32>
      %add3A_324 = arith.addf %mul3A_319, %mul3A_323 : vector<16xf32>
      %swap3A_325 = arith.index_cast %scan3A_20 : i32 to index
      %swap3A_326 = arith.constant 384 : index
      %swap3A_327 = tpu.vector_load %arg7[%swap3A_325, %swap3A_326] {strides = array<i32>} : memref<64x768xf32, #tpu.memory_space<vmem>>, vector<16xf32>,
      tpu.vector_store %arg7[%swap3A_325, %swap3A_326], %add3A_324 {strides = array<i32>} : memref<64x768xf32, #tpu.memory_space<vmem>>, vector<16xf32>,
      %get3A_328 = arith.index_cast %scan3A_20 : i32 to index
      %get3A_329 = arith.constant 400 : index
      %get3A_330 = tpu.vector_load %arg7[%get3A_328, %get3A_329] {strides = array<i32>} : memref<64x768xf32, #tpu.memory_space<vmem>>, vector<16xf32>,
      %mul3A_331 = arith.mulf %gather3A, %get3A_330 : vector<16xf32>
      %get3A_332 = arith.index_cast %scan3A_20 : i32 to index
      %get3A_333 = arith.constant 400 : index
      %get3A_334 = tpu.vector_load %arg8[%get3A_332, %get3A_333] {strides = array<i32>} : memref<64x768xf32, #tpu.memory_space<vmem>>, vector<16xf32>,
      %mul3A_335 = arith.mulf %gather3A_29, %get3A_334 : vector<16xf32>
      %add3A_336 = arith.addf %mul3A_331, %mul3A_335 : vector<16xf32>
      %swap3A_337 = arith.index_cast %scan3A_20 : i32 to index
      %swap3A_338 = arith.constant 400 : index
      %swap3A_339 = tpu.vector_load %arg7[%swap3A_337, %swap3A_338] {strides = array<i32>} : memref<64x768xf32, #tpu.memory_space<vmem>>, vector<16xf32>,
      tpu.vector_store %arg7[%swap3A_337, %swap3A_338], %add3A_336 {strides = array<i32>} : memref<64x768xf32, #tpu.memory_space<vmem>>, vector<16xf32>,
      %get3A_340 = arith.index_cast %scan3A_20 : i32 to index
      %get3A_341 = arith.constant 416 : index
      %get3A_342 = tpu.vector_load %arg7[%get3A_340, %get3A_341] {strides = array<i32>} : memref<64x768xf32, #tpu.memory_space<vmem>>, vector<16xf32>,
      %mul3A_343 = arith.mulf %gather3A, %get3A_342 : vector<16xf32>
      %get3A_344 = arith.index_cast %scan3A_20 : i32 to index
      %get3A_345 = arith.constant 416 : index
      %get3A_346 = tpu.vector_load %arg8[%get3A_344, %get3A_345] {strides = array<i32>} : memref<64x768xf32, #tpu.memory_space<vmem>>, vector<16xf32>,
      %mul3A_347 = arith.mulf %gather3A_29, %get3A_346 : vector<16xf32>
      %add3A_348 = arith.addf %mul3A_343, %mul3A_347 : vector<16xf32>
      %swap3A_349 = arith.index_cast %scan3A_20 : i32 to index
      %swap3A_350 = arith.constant 416 : index
      %swap3A_351 = tpu.vector_load %arg7[%swap3A_349, %swap3A_350] {strides = array<i32>} : memref<64x768xf32, #tpu.memory_space<vmem>>, vector<16xf32>,
      tpu.vector_store %arg7[%swap3A_349, %swap3A_350], %add3A_348 {strides = array<i32>} : memref<64x768xf32, #tpu.memory_space<vmem>>, vector<16xf32>,
      %get3A_352 = arith.index_cast %scan3A_20 : i32 to index
      %get3A_353 = arith.constant 432 : index
      %get3A_354 = tpu.vector_load %arg7[%get3A_352, %get3A_353] {strides = array<i32>} : memref<64x768xf32, #tpu.memory_space<vmem>>, vector<16xf32>,
      %mul3A_355 = arith.mulf %gather3A, %get3A_354 : vector<16xf32>
      %get3A_356 = arith.index_cast %scan3A_20 : i32 to index
      %get3A_357 = arith.constant 432 : index
      %get3A_358 = tpu.vector_load %arg8[%get3A_356, %get3A_357] {strides = array<i32>} : memref<64x768xf32, #tpu.memory_space<vmem>>, vector<16xf32>,
      %mul3A_359 = arith.mulf %gather3A_29, %get3A_358 : vector<16xf32>
      %add3A_360 = arith.addf %mul3A_355, %mul3A_359 : vector<16xf32>
      %swap3A_361 = arith.index_cast %scan3A_20 : i32 to index
      %swap3A_362 = arith.constant 432 : index
      %swap3A_363 = tpu.vector_load %arg7[%swap3A_361, %swap3A_362] {strides = array<i32>} : memref<64x768xf32, #tpu.memory_space<vmem>>, vector<16xf32>,
      tpu.vector_store %arg7[%swap3A_361, %swap3A_362], %add3A_360 {strides = array<i32>} : memref<64x768xf32, #tpu.memory_space<vmem>>, vector<16xf32>,
      %get3A_364 = arith.index_cast %scan3A_20 : i32 to index
      %get3A_365 = arith.constant 448 : index
      %get3A_366 = tpu.vector_load %arg7[%get3A_364, %get3A_365] {strides = array<i32>} : memref<64x768xf32, #tpu.memory_space<vmem>>, vector<16xf32>,
      %mul3A_367 = arith.mulf %gather3A, %get3A_366 : vector<16xf32>
      %get3A_368 = arith.index_cast %scan3A_20 : i32 to index
      %get3A_369 = arith.constant 448 : index
      %get3A_370 = tpu.vector_load %arg8[%get3A_368, %get3A_369] {strides = array<i32>} : memref<64x768xf32, #tpu.memory_space<vmem>>, vector<16xf32>,
      %mul3A_371 = arith.mulf %gather3A_29, %get3A_370 : vector<16xf32>
      %add3A_372 = arith.addf %mul3A_367, %mul3A_371 : vector<16xf32>
      %swap3A_373 = arith.index_cast %scan3A_20 : i32 to index
      %swap3A_374 = arith.constant 448 : index
      %swap3A_375 = tpu.vector_load %arg7[%swap3A_373, %swap3A_374] {strides = array<i32>} : memref<64x768xf32, #tpu.memory_space<vmem>>, vector<16xf32>,
      tpu.vector_store %arg7[%swap3A_373, %swap3A_374], %add3A_372 {strides = array<i32>} : memref<64x768xf32, #tpu.memory_space<vmem>>, vector<16xf32>,
      %get3A_376 = arith.index_cast %scan3A_20 : i32 to index
      %get3A_377 = arith.constant 464 : index
      %get3A_378 = tpu.vector_load %arg7[%get3A_376, %get3A_377] {strides = array<i32>} : memref<64x768xf32, #tpu.memory_space<vmem>>, vector<16xf32>,
      %mul3A_379 = arith.mulf %gather3A, %get3A_378 : vector<16xf32>
      %get3A_380 = arith.index_cast %scan3A_20 : i32 to index
      %get3A_381 = arith.constant 464 : index
      %get3A_382 = tpu.vector_load %arg8[%get3A_380, %get3A_381] {strides = array<i32>} : memref<64x768xf32, #tpu.memory_space<vmem>>, vector<16xf32>,
      %mul3A_383 = arith.mulf %gather3A_29, %get3A_382 : vector<16xf32>
      %add3A_384 = arith.addf %mul3A_379, %mul3A_383 : vector<16xf32>
      %swap3A_385 = arith.index_cast %scan3A_20 : i32 to index
      %swap3A_386 = arith.constant 464 : index
      %swap3A_387 = tpu.vector_load %arg7[%swap3A_385, %swap3A_386] {strides = array<i32>} : memref<64x768xf32, #tpu.memory_space<vmem>>, vector<16xf32>,
      tpu.vector_store %arg7[%swap3A_385, %swap3A_386], %add3A_384 {strides = array<i32>} : memref<64x768xf32, #tpu.memory_space<vmem>>, vector<16xf32>,
      %get3A_388 = arith.index_cast %scan3A_20 : i32 to index
      %get3A_389 = arith.constant 480 : index
      %get3A_390 = tpu.vector_load %arg7[%get3A_388, %get3A_389] {strides = array<i32>} : memref<64x768xf32, #tpu.memory_space<vmem>>, vector<16xf32>,
      %mul3A_391 = arith.mulf %gather3A, %get3A_390 : vector<16xf32>
      %get3A_392 = arith.index_cast %scan3A_20 : i32 to index
      %get3A_393 = arith.constant 480 : index
      %get3A_394 = tpu.vector_load %arg8[%get3A_392, %get3A_393] {strides = array<i32>} : memref<64x768xf32, #tpu.memory_space<vmem>>, vector<16xf32>,
      %mul3A_395 = arith.mulf %gather3A_29, %get3A_394 : vector<16xf32>
      %add3A_396 = arith.addf %mul3A_391, %mul3A_395 : vector<16xf32>
      %swap3A_397 = arith.index_cast %scan3A_20 : i32 to index
      %swap3A_398 = arith.constant 480 : index
      %swap3A_399 = tpu.vector_load %arg7[%swap3A_397, %swap3A_398] {strides = array<i32>} : memref<64x768xf32, #tpu.memory_space<vmem>>, vector<16xf32>,
      tpu.vector_store %arg7[%swap3A_397, %swap3A_398], %add3A_396 {strides = array<i32>} : memref<64x768xf32, #tpu.memory_space<vmem>>, vector<16xf32>,
      %get3A_400 = arith.index_cast %scan3A_20 : i32 to index
      %get3A_401 = arith.constant 496 : index
      %get3A_402 = tpu.vector_load %arg7[%get3A_400, %get3A_401] {strides = array<i32>} : memref<64x768xf32, #tpu.memory_space<vmem>>, vector<16xf32>,
      %mul3A_403 = arith.mulf %gather3A, %get3A_402 : vector<16xf32>
      %get3A_404 = arith.index_cast %scan3A_20 : i32 to index
      %get3A_405 = arith.constant 496 : index
      %get3A_406 = tpu.vector_load %arg8[%get3A_404, %get3A_405] {strides = array<i32>} : memref<64x768xf32, #tpu.memory_space<vmem>>, vector<16xf32>,
      %mul3A_407 = arith.mulf %gather3A_29, %get3A_406 : vector<16xf32>
      %add3A_408 = arith.addf %mul3A_403, %mul3A_407 : vector<16xf32>
      %swap3A_409 = arith.index_cast %scan3A_20 : i32 to index
      %swap3A_410 = arith.constant 496 : index
      %swap3A_411 = tpu.vector_load %arg7[%swap3A_409, %swap3A_410] {strides = array<i32>} : memref<64x768xf32, #tpu.memory_space<vmem>>, vector<16xf32>,
      tpu.vector_store %arg7[%swap3A_409, %swap3A_410], %add3A_408 {strides = array<i32>} : memref<64x768xf32, #tpu.memory_space<vmem>>, vector<16xf32>,
      %get3A_412 = arith.index_cast %scan3A_20 : i32 to index
      %get3A_413 = arith.constant 512 : index
      %get3A_414 = tpu.vector_load %arg7[%get3A_412, %get3A_413] {strides = array<i32>} : memref<64x768xf32, #tpu.memory_space<vmem>>, vector<16xf32>,
      %mul3A_415 = arith.mulf %gather3A, %get3A_414 : vector<16xf32>
      %get3A_416 = arith.index_cast %scan3A_20 : i32 to index
      %get3A_417 = arith.constant 512 : index
      %get3A_418 = tpu.vector_load %arg8[%get3A_416, %get3A_417] {strides = array<i32>} : memref<64x768xf32, #tpu.memory_space<vmem>>, vector<16xf32>,
      %mul3A_419 = arith.mulf %gather3A_29, %get3A_418 : vector<16xf32>
      %add3A_420 = arith.addf %mul3A_415, %mul3A_419 : vector<16xf32>
      %swap3A_421 = arith.index_cast %scan3A_20 : i32 to index
      %swap3A_422 = arith.constant 512 : index
      %swap3A_423 = tpu.vector_load %arg7[%swap3A_421, %swap3A_422] {strides = array<i32>} : memref<64x768xf32, #tpu.memory_space<vmem>>, vector<16xf32>,
      tpu.vector_store %arg7[%swap3A_421, %swap3A_422], %add3A_420 {strides = array<i32>} : memref<64x768xf32, #tpu.memory_space<vmem>>, vector<16xf32>,
      %get3A_424 = arith.index_cast %scan3A_20 : i32 to index
      %get3A_425 = arith.constant 528 : index
      %get3A_426 = tpu.vector_load %arg7[%get3A_424, %get3A_425] {strides = array<i32>} : memref<64x768xf32, #tpu.memory_space<vmem>>, vector<16xf32>,
      %mul3A_427 = arith.mulf %gather3A, %get3A_426 : vector<16xf32>
      %get3A_428 = arith.index_cast %scan3A_20 : i32 to index
      %get3A_429 = arith.constant 528 : index
      %get3A_430 = tpu.vector_load %arg8[%get3A_428, %get3A_429] {strides = array<i32>} : memref<64x768xf32, #tpu.memory_space<vmem>>, vector<16xf32>,
      %mul3A_431 = arith.mulf %gather3A_29, %get3A_430 : vector<16xf32>
      %add3A_432 = arith.addf %mul3A_427, %mul3A_431 : vector<16xf32>
      %swap3A_433 = arith.index_cast %scan3A_20 : i32 to index
      %swap3A_434 = arith.constant 528 : index
      %swap3A_435 = tpu.vector_load %arg7[%swap3A_433, %swap3A_434] {strides = array<i32>} : memref<64x768xf32, #tpu.memory_space<vmem>>, vector<16xf32>,
      tpu.vector_store %arg7[%swap3A_433, %swap3A_434], %add3A_432 {strides = array<i32>} : memref<64x768xf32, #tpu.memory_space<vmem>>, vector<16xf32>,
      %get3A_436 = arith.index_cast %scan3A_20 : i32 to index
      %get3A_437 = arith.constant 544 : index
      %get3A_438 = tpu.vector_load %arg7[%get3A_436, %get3A_437] {strides = array<i32>} : memref<64x768xf32, #tpu.memory_space<vmem>>, vector<16xf32>,
      %mul3A_439 = arith.mulf %gather3A, %get3A_438 : vector<16xf32>
      %get3A_440 = arith.index_cast %scan3A_20 : i32 to index
      %get3A_441 = arith.constant 544 : index
      %get3A_442 = tpu.vector_load %arg8[%get3A_440, %get3A_441] {strides = array<i32>} : memref<64x768xf32, #tpu.memory_space<vmem>>, vector<16xf32>,
      %mul3A_443 = arith.mulf %gather3A_29, %get3A_442 : vector<16xf32>
      %add3A_444 = arith.addf %mul3A_439, %mul3A_443 : vector<16xf32>
      %swap3A_445 = arith.index_cast %scan3A_20 : i32 to index
      %swap3A_446 = arith.constant 544 : index
      %swap3A_447 = tpu.vector_load %arg7[%swap3A_445, %swap3A_446] {strides = array<i32>} : memref<64x768xf32, #tpu.memory_space<vmem>>, vector<16xf32>,
      tpu.vector_store %arg7[%swap3A_445, %swap3A_446], %add3A_444 {strides = array<i32>} : memref<64x768xf32, #tpu.memory_space<vmem>>, vector<16xf32>,
      %get3A_448 = arith.index_cast %scan3A_20 : i32 to index
      %get3A_449 = arith.constant 560 : index
      %get3A_450 = tpu.vector_load %arg7[%get3A_448, %get3A_449] {strides = array<i32>} : memref<64x768xf32, #tpu.memory_space<vmem>>, vector<16xf32>,
      %mul3A_451 = arith.mulf %gather3A, %get3A_450 : vector<16xf32>
      %get3A_452 = arith.index_cast %scan3A_20 : i32 to index
      %get3A_453 = arith.constant 560 : index
      %get3A_454 = tpu.vector_load %arg8[%get3A_452, %get3A_453] {strides = array<i32>} : memref<64x768xf32, #tpu.memory_space<vmem>>, vector<16xf32>,
      %mul3A_455 = arith.mulf %gather3A_29, %get3A_454 : vector<16xf32>
      %add3A_456 = arith.addf %mul3A_451, %mul3A_455 : vector<16xf32>
      %swap3A_457 = arith.index_cast %scan3A_20 : i32 to index
      %swap3A_458 = arith.constant 560 : index
      %swap3A_459 = tpu.vector_load %arg7[%swap3A_457, %swap3A_458] {strides = array<i32>} : memref<64x768xf32, #tpu.memory_space<vmem>>, vector<16xf32>,
      tpu.vector_store %arg7[%swap3A_457, %swap3A_458], %add3A_456 {strides = array<i32>} : memref<64x768xf32, #tpu.memory_space<vmem>>, vector<16xf32>,
      %get3A_460 = arith.index_cast %scan3A_20 : i32 to index
      %get3A_461 = arith.constant 576 : index
      %get3A_462 = tpu.vector_load %arg7[%get3A_460, %get3A_461] {strides = array<i32>} : memref<64x768xf32, #tpu.memory_space<vmem>>, vector<16xf32>,
      %mul3A_463 = arith.mulf %gather3A, %get3A_462 : vector<16xf32>
      %get3A_464 = arith.index_cast %scan3A_20 : i32 to index
      %get3A_465 = arith.constant 576 : index
      %get3A_466 = tpu.vector_load %arg8[%get3A_464, %get3A_465] {strides = array<i32>} : memref<64x768xf32, #tpu.memory_space<vmem>>, vector<16xf32>,
      %mul3A_467 = arith.mulf %gather3A_29, %get3A_466 : vector<16xf32>
      %add3A_468 = arith.addf %mul3A_463, %mul3A_467 : vector<16xf32>
      %swap3A_469 = arith.index_cast %scan3A_20 : i32 to index
      %swap3A_470 = arith.constant 576 : index
      %swap3A_471 = tpu.vector_load %arg7[%swap3A_469, %swap3A_470] {strides = array<i32>} : memref<64x768xf32, #tpu.memory_space<vmem>>, vector<16xf32>,
      tpu.vector_store %arg7[%swap3A_469, %swap3A_470], %add3A_468 {strides = array<i32>} : memref<64x768xf32, #tpu.memory_space<vmem>>, vector<16xf32>,
      %get3A_472 = arith.index_cast %scan3A_20 : i32 to index
      %get3A_473 = arith.constant 592 : index
      %get3A_474 = tpu.vector_load %arg7[%get3A_472, %get3A_473] {strides = array<i32>} : memref<64x768xf32, #tpu.memory_space<vmem>>, vector<16xf32>,
      %mul3A_475 = arith.mulf %gather3A, %get3A_474 : vector<16xf32>
      %get3A_476 = arith.index_cast %scan3A_20 : i32 to index
      %get3A_477 = arith.constant 592 : index
      %get3A_478 = tpu.vector_load %arg8[%get3A_476, %get3A_477] {strides = array<i32>} : memref<64x768xf32, #tpu.memory_space<vmem>>, vector<16xf32>,
      %mul3A_479 = arith.mulf %gather3A_29, %get3A_478 : vector<16xf32>
      %add3A_480 = arith.addf %mul3A_475, %mul3A_479 : vector<16xf32>
      %swap3A_481 = arith.index_cast %scan3A_20 : i32 to index
      %swap3A_482 = arith.constant 592 : index
      %swap3A_483 = tpu.vector_load %arg7[%swap3A_481, %swap3A_482] {strides = array<i32>} : memref<64x768xf32, #tpu.memory_space<vmem>>, vector<16xf32>,
      tpu.vector_store %arg7[%swap3A_481, %swap3A_482], %add3A_480 {strides = array<i32>} : memref<64x768xf32, #tpu.memory_space<vmem>>, vector<16xf32>,
      %get3A_484 = arith.index_cast %scan3A_20 : i32 to index
      %get3A_485 = arith.constant 608 : index
      %get3A_486 = tpu.vector_load %arg7[%get3A_484, %get3A_485] {strides = array<i32>} : memref<64x768xf32, #tpu.memory_space<vmem>>, vector<16xf32>,
      %mul3A_487 = arith.mulf %gather3A, %get3A_486 : vector<16xf32>
      %get3A_488 = arith.index_cast %scan3A_20 : i32 to index
      %get3A_489 = arith.constant 608 : index
      %get3A_490 = tpu.vector_load %arg8[%get3A_488, %get3A_489] {strides = array<i32>} : memref<64x768xf32, #tpu.memory_space<vmem>>, vector<16xf32>,
      %mul3A_491 = arith.mulf %gather3A_29, %get3A_490 : vector<16xf32>
      %add3A_492 = arith.addf %mul3A_487, %mul3A_491 : vector<16xf32>
      %swap3A_493 = arith.index_cast %scan3A_20 : i32 to index
      %swap3A_494 = arith.constant 608 : index
      %swap3A_495 = tpu.vector_load %arg7[%swap3A_493, %swap3A_494] {strides = array<i32>} : memref<64x768xf32, #tpu.memory_space<vmem>>, vector<16xf32>,
      tpu.vector_store %arg7[%swap3A_493, %swap3A_494], %add3A_492 {strides = array<i32>} : memref<64x768xf32, #tpu.memory_space<vmem>>, vector<16xf32>,
      %get3A_496 = arith.index_cast %scan3A_20 : i32 to index
      %get3A_497 = arith.constant 624 : index
      %get3A_498 = tpu.vector_load %arg7[%get3A_496, %get3A_497] {strides = array<i32>} : memref<64x768xf32, #tpu.memory_space<vmem>>, vector<16xf32>,
      %mul3A_499 = arith.mulf %gather3A, %get3A_498 : vector<16xf32>
      %get3A_500 = arith.index_cast %scan3A_20 : i32 to index
      %get3A_501 = arith.constant 624 : index
      %get3A_502 = tpu.vector_load %arg8[%get3A_500, %get3A_501] {strides = array<i32>} : memref<64x768xf32, #tpu.memory_space<vmem>>, vector<16xf32>,
      %mul3A_503 = arith.mulf %gather3A_29, %get3A_502 : vector<16xf32>
      %add3A_504 = arith.addf %mul3A_499, %mul3A_503 : vector<16xf32>
      %swap3A_505 = arith.index_cast %scan3A_20 : i32 to index
      %swap3A_506 = arith.constant 624 : index
      %swap3A_507 = tpu.vector_load %arg7[%swap3A_505, %swap3A_506] {strides = array<i32>} : memref<64x768xf32, #tpu.memory_space<vmem>>, vector<16xf32>,
      tpu.vector_store %arg7[%swap3A_505, %swap3A_506], %add3A_504 {strides = array<i32>} : memref<64x768xf32, #tpu.memory_space<vmem>>, vector<16xf32>,
      %get3A_508 = arith.index_cast %scan3A_20 : i32 to index
      %get3A_509 = arith.constant 640 : index
      %get3A_510 = tpu.vector_load %arg7[%get3A_508, %get3A_509] {strides = array<i32>} : memref<64x768xf32, #tpu.memory_space<vmem>>, vector<16xf32>,
      %mul3A_511 = arith.mulf %gather3A, %get3A_510 : vector<16xf32>
      %get3A_512 = arith.index_cast %scan3A_20 : i32 to index
      %get3A_513 = arith.constant 640 : index
      %get3A_514 = tpu.vector_load %arg8[%get3A_512, %get3A_513] {strides = array<i32>} : memref<64x768xf32, #tpu.memory_space<vmem>>, vector<16xf32>,
      %mul3A_515 = arith.mulf %gather3A_29, %get3A_514 : vector<16xf32>
      %add3A_516 = arith.addf %mul3A_511, %mul3A_515 : vector<16xf32>
      %swap3A_517 = arith.index_cast %scan3A_20 : i32 to index
      %swap3A_518 = arith.constant 640 : index
      %swap3A_519 = tpu.vector_load %arg7[%swap3A_517, %swap3A_518] {strides = array<i32>} : memref<64x768xf32, #tpu.memory_space<vmem>>, vector<16xf32>,
      tpu.vector_store %arg7[%swap3A_517, %swap3A_518], %add3A_516 {strides = array<i32>} : memref<64x768xf32, #tpu.memory_space<vmem>>, vector<16xf32>,
      %get3A_520 = arith.index_cast %scan3A_20 : i32 to index
      %get3A_521 = arith.constant 656 : index
      %get3A_522 = tpu.vector_load %arg7[%get3A_520, %get3A_521] {strides = array<i32>} : memref<64x768xf32, #tpu.memory_space<vmem>>, vector<16xf32>,
      %mul3A_523 = arith.mulf %gather3A, %get3A_522 : vector<16xf32>
      %get3A_524 = arith.index_cast %scan3A_20 : i32 to index
      %get3A_525 = arith.constant 656 : index
      %get3A_526 = tpu.vector_load %arg8[%get3A_524, %get3A_525] {strides = array<i32>} : memref<64x768xf32, #tpu.memory_space<vmem>>, vector<16xf32>,
      %mul3A_527 = arith.mulf %gather3A_29, %get3A_526 : vector<16xf32>
      %add3A_528 = arith.addf %mul3A_523, %mul3A_527 : vector<16xf32>
      %swap3A_529 = arith.index_cast %scan3A_20 : i32 to index
      %swap3A_530 = arith.constant 656 : index
      %swap3A_531 = tpu.vector_load %arg7[%swap3A_529, %swap3A_530] {strides = array<i32>} : memref<64x768xf32, #tpu.memory_space<vmem>>, vector<16xf32>,
      tpu.vector_store %arg7[%swap3A_529, %swap3A_530], %add3A_528 {strides = array<i32>} : memref<64x768xf32, #tpu.memory_space<vmem>>, vector<16xf32>,
      %get3A_532 = arith.index_cast %scan3A_20 : i32 to index
      %get3A_533 = arith.constant 672 : index
      %get3A_534 = tpu.vector_load %arg7[%get3A_532, %get3A_533] {strides = array<i32>} : memref<64x768xf32, #tpu.memory_space<vmem>>, vector<16xf32>,
      %mul3A_535 = arith.mulf %gather3A, %get3A_534 : vector<16xf32>
      %get3A_536 = arith.index_cast %scan3A_20 : i32 to index
      %get3A_537 = arith.constant 672 : index
      %get3A_538 = tpu.vector_load %arg8[%get3A_536, %get3A_537] {strides = array<i32>} : memref<64x768xf32, #tpu.memory_space<vmem>>, vector<16xf32>,
      %mul3A_539 = arith.mulf %gather3A_29, %get3A_538 : vector<16xf32>
      %add3A_540 = arith.addf %mul3A_535, %mul3A_539 : vector<16xf32>
      %swap3A_541 = arith.index_cast %scan3A_20 : i32 to index
      %swap3A_542 = arith.constant 672 : index
      %swap3A_543 = tpu.vector_load %arg7[%swap3A_541, %swap3A_542] {strides = array<i32>} : memref<64x768xf32, #tpu.memory_space<vmem>>, vector<16xf32>,
      tpu.vector_store %arg7[%swap3A_541, %swap3A_542], %add3A_540 {strides = array<i32>} : memref<64x768xf32, #tpu.memory_space<vmem>>, vector<16xf32>,
      %get3A_544 = arith.index_cast %scan3A_20 : i32 to index
      %get3A_545 = arith.constant 688 : index
      %get3A_546 = tpu.vector_load %arg7[%get3A_544, %get3A_545] {strides = array<i32>} : memref<64x768xf32, #tpu.memory_space<vmem>>, vector<16xf32>,
      %mul3A_547 = arith.mulf %gather3A, %get3A_546 : vector<16xf32>
      %get3A_548 = arith.index_cast %scan3A_20 : i32 to index
      %get3A_549 = arith.constant 688 : index
      %get3A_550 = tpu.vector_load %arg8[%get3A_548, %get3A_549] {strides = array<i32>} : memref<64x768xf32, #tpu.memory_space<vmem>>, vector<16xf32>,
      %mul3A_551 = arith.mulf %gather3A_29, %get3A_550 : vector<16xf32>
      %add3A_552 = arith.addf %mul3A_547, %mul3A_551 : vector<16xf32>
      %swap3A_553 = arith.index_cast %scan3A_20 : i32 to index
      %swap3A_554 = arith.constant 688 : index
      %swap3A_555 = tpu.vector_load %arg7[%swap3A_553, %swap3A_554] {strides = array<i32>} : memref<64x768xf32, #tpu.memory_space<vmem>>, vector<16xf32>,
      tpu.vector_store %arg7[%swap3A_553, %swap3A_554], %add3A_552 {strides = array<i32>} : memref<64x768xf32, #tpu.memory_space<vmem>>, vector<16xf32>,
      %get3A_556 = arith.index_cast %scan3A_20 : i32 to index
      %get3A_557 = arith.constant 704 : index
      %get3A_558 = tpu.vector_load %arg7[%get3A_556, %get3A_557] {strides = array<i32>} : memref<64x768xf32, #tpu.memory_space<vmem>>, vector<16xf32>,
      %mul3A_559 = arith.mulf %gather3A, %get3A_558 : vector<16xf32>
      %get3A_560 = arith.index_cast %scan3A_20 : i32 to index
      %get3A_561 = arith.constant 704 : index
      %get3A_562 = tpu.vector_load %arg8[%get3A_560, %get3A_561] {strides = array<i32>} : memref<64x768xf32, #tpu.memory_space<vmem>>, vector<16xf32>,
      %mul3A_563 = arith.mulf %gather3A_29, %get3A_562 : vector<16xf32>
      %add3A_564 = arith.addf %mul3A_559, %mul3A_563 : vector<16xf32>
      %swap3A_565 = arith.index_cast %scan3A_20 : i32 to index
      %swap3A_566 = arith.constant 704 : index
      %swap3A_567 = tpu.vector_load %arg7[%swap3A_565, %swap3A_566] {strides = array<i32>} : memref<64x768xf32, #tpu.memory_space<vmem>>, vector<16xf32>,
      tpu.vector_store %arg7[%swap3A_565, %swap3A_566], %add3A_564 {strides = array<i32>} : memref<64x768xf32, #tpu.memory_space<vmem>>, vector<16xf32>,
      %get3A_568 = arith.index_cast %scan3A_20 : i32 to index
      %get3A_569 = arith.constant 720 : index
      %get3A_570 = tpu.vector_load %arg7[%get3A_568, %get3A_569] {strides = array<i32>} : memref<64x768xf32, #tpu.memory_space<vmem>>, vector<16xf32>,
      %mul3A_571 = arith.mulf %gather3A, %get3A_570 : vector<16xf32>
      %get3A_572 = arith.index_cast %scan3A_20 : i32 to index
      %get3A_573 = arith.constant 720 : index
      %get3A_574 = tpu.vector_load %arg8[%get3A_572, %get3A_573] {strides = array<i32>} : memref<64x768xf32, #tpu.memory_space<vmem>>, vector<16xf32>,
      %mul3A_575 = arith.mulf %gather3A_29, %get3A_574 : vector<16xf32>
      %add3A_576 = arith.addf %mul3A_571, %mul3A_575 : vector<16xf32>
      %swap3A_577 = arith.index_cast %scan3A_20 : i32 to index
      %swap3A_578 = arith.constant 720 : index
      %swap3A_579 = tpu.vector_load %arg7[%swap3A_577, %swap3A_578] {strides = array<i32>} : memref<64x768xf32, #tpu.memory_space<vmem>>, vector<16xf32>,
      tpu.vector_store %arg7[%swap3A_577, %swap3A_578], %add3A_576 {strides = array<i32>} : memref<64x768xf32, #tpu.memory_space<vmem>>, vector<16xf32>,
      %get3A_580 = arith.index_cast %scan3A_20 : i32 to index
      %get3A_581 = arith.constant 736 : index
      %get3A_582 = tpu.vector_load %arg7[%get3A_580, %get3A_581] {strides = array<i32>} : memref<64x768xf32, #tpu.memory_space<vmem>>, vector<16xf32>,
      %mul3A_583 = arith.mulf %gather3A, %get3A_582 : vector<16xf32>
      %get3A_584 = arith.index_cast %scan3A_20 : i32 to index
      %get3A_585 = arith.constant 736 : index
      %get3A_586 = tpu.vector_load %arg8[%get3A_584, %get3A_585] {strides = array<i32>} : memref<64x768xf32, #tpu.memory_space<vmem>>, vector<16xf32>,
      %mul3A_587 = arith.mulf %gather3A_29, %get3A_586 : vector<16xf32>
      %add3A_588 = arith.addf %mul3A_583, %mul3A_587 : vector<16xf32>
      %swap3A_589 = arith.index_cast %scan3A_20 : i32 to index
      %swap3A_590 = arith.constant 736 : index
      %swap3A_591 = tpu.vector_load %arg7[%swap3A_589, %swap3A_590] {strides = array<i32>} : memref<64x768xf32, #tpu.memory_space<vmem>>, vector<16xf32>,
      tpu.vector_store %arg7[%swap3A_589, %swap3A_590], %add3A_588 {strides = array<i32>} : memref<64x768xf32, #tpu.memory_space<vmem>>, vector<16xf32>,
      %get3A_592 = arith.index_cast %scan3A_20 : i32 to index
      %get3A_593 = arith.constant 752 : index
      %get3A_594 = tpu.vector_load %arg7[%get3A_592, %get3A_593] {strides = array<i32>} : memref<64x768xf32, #tpu.memory_space<vmem>>, vector<16xf32>,
      %mul3A_595 = arith.mulf %gather3A, %get3A_594 : vector<16xf32>
      %get3A_596 = arith.index_cast %scan3A_20 : i32 to index
      %get3A_597 = arith.constant 752 : index
      %get3A_598 = tpu.vector_load %arg8[%get3A_596, %get3A_597] {strides = array<i32>} : memref<64x768xf32, #tpu.memory_space<vmem>>, vector<16xf32>,
      %mul3A_599 = arith.mulf %gather3A_29, %get3A_598 : vector<16xf32>
      %add3A_600 = arith.addf %mul3A_595, %mul3A_599 : vector<16xf32>
      %swap3A_601 = arith.index_cast %scan3A_20 : i32 to index
      %swap3A_602 = arith.constant 752 : index
      %swap3A_603 = tpu.vector_load %arg7[%swap3A_601, %swap3A_602] {strides = array<i32>} : memref<64x768xf32, #tpu.memory_space<vmem>>, vector<16xf32>,
      tpu.vector_store %arg7[%swap3A_601, %swap3A_602], %add3A_600 {strides = array<i32>} : memref<64x768xf32, #tpu.memory_space<vmem>>, vector<16xf32>,
    }
    %scan3A_19 = arith.constant 64 : i32
    "tpu.region"() ({
      %run_scoped3A = tpu.sem_alloc : memref<!tpu.dma_semaphore, #tpu.memory_space<semaphore_mem>>
      %dma_start3A_20 = arith.constant 0 : i32
      %dma_start3A_21 = tpu.memref_slice %arg6[%mul3A_2, %dma_start3A_20] : memref<2048x768xf32, #tpu.memory_space<hbm>> -> memref<64x768xf32, #tpu.memory_space<hbm>>
      %dma_start3A_22 = arith.constant 0 : i32
      %dma_start3A_23 = tpu.memref_slice %arg6[%mul3A_2, %dma_start3A_22] : memref<2048x768xf32, #tpu.memory_space<hbm>> -> memref<64x768xf32, #tpu.memory_space<hbm>>
      tpu.enqueue_dma source(%arg7 : memref<64x768xf32, #tpu.memory_space<vmem>>) target(%dma_start3A_23 : memref<64x768xf32, #tpu.memory_space<hbm>>) target_semaphore(%run_scoped3A : memref<!tpu.dma_semaphore, #tpu.memory_space<semaphore_mem>>)
      %dma_wait3A_24 = arith.constant 0 : i32
      %dma_wait3A_25 = tpu.memref_slice %arg6[%mul3A_2, %dma_wait3A_24] : memref<2048x768xf32, #tpu.memory_space<hbm>> -> memref<64x768xf32, #tpu.memory_space<hbm>>
      %dma_wait3A_26 = arith.constant 0 : i32
      %dma_wait3A_27 = tpu.memref_slice %arg6[%mul3A_2, %dma_wait3A_26] : memref<2048x768xf32, #tpu.memory_space<hbm>> -> memref<64x768xf32, #tpu.memory_space<hbm>>
      tpu.wait_dma2 semaphore(%run_scoped3A : memref<!tpu.dma_semaphore, #tpu.memory_space<semaphore_mem>>) src(%arg7 : memref<64x768xf32, #tpu.memory_space<vmem>>) dst(%dma_wait3A_27 : memref<64x768xf32, #tpu.memory_space<hbm>>)
      tpu.yield
    }) : () -> ()
    return
  }
}

#map = affine_map<(d0, d1) -> (0)>
module attributes {stable_mosaic.version = 14 : i64} {
  func.func @_group_body(%arg0: i32, %arg1: i32, %arg2: memref<4096xi32, #tpu.memory_space<hbm>>, %arg3: memref<2048xi32, #tpu.memory_space<hbm>>, %arg4: memref<2048xi32, #tpu.memory_space<hbm>>, %arg5: memref<16xi32, #tpu.memory_space<hbm>>, %arg6: memref<16xi32, #tpu.memory_space<hbm>>, %arg7: memref<256xi32, #tpu.memory_space<vmem>>, %arg8: memref<16xi32, #tpu.memory_space<vmem>>, %arg9: memref<256xi32, #tpu.memory_space<vmem>>, %arg10: memref<256xi32, #tpu.memory_space<vmem_shared>>, %arg11: memref<256xi32, #tpu.memory_space<vmem>>) attributes {dimension_semantics = [#tpu.dimension_semantics<core_parallel>, #tpu.dimension_semantics<subcore_parallel>], iteration_bounds = array<i64: 1, 16>, scalar_prefetch = 0 : i64, scratch_operands = 5 : i64, tpu.core_type = #tpu.core_type<sc_vector_subcore>, window_params = [{transform_indices = #map}, {transform_indices = #map}, {transform_indices = #map}, {transform_indices = #map}, {transform_indices = #map}]} {
    %iota3A = tpu.iota {dimensions = array<i32: 0>} : vector<16xi32>
    %mul3A = arith.constant 256 : i32
    %mul3A_0 = arith.muli %arg1, %mul3A : i32
    "tpu.region"() ({
      %run_scoped3A = tpu.sem_alloc : memref<!tpu.dma_semaphore, #tpu.memory_space<semaphore_mem>>
      %dma_start3A = tpu.memref_slice %arg2[%mul3A_0] : memref<4096xi32, #tpu.memory_space<hbm>> -> memref<256xi32, #tpu.memory_space<hbm>>
      %dma_start3A_37 = tpu.memref_slice %arg2[%mul3A_0] : memref<4096xi32, #tpu.memory_space<hbm>> -> memref<256xi32, #tpu.memory_space<hbm>>
      tpu.enqueue_dma source(%dma_start3A_37 : memref<256xi32, #tpu.memory_space<hbm>>) target(%arg7 : memref<256xi32, #tpu.memory_space<vmem>>) target_semaphore(%run_scoped3A : memref<!tpu.dma_semaphore, #tpu.memory_space<semaphore_mem>>)
      %dma_wait3A = tpu.memref_slice %arg2[%mul3A_0] : memref<4096xi32, #tpu.memory_space<hbm>> -> memref<256xi32, #tpu.memory_space<hbm>>
      %dma_wait3A_38 = tpu.memref_slice %arg2[%mul3A_0] : memref<4096xi32, #tpu.memory_space<hbm>> -> memref<256xi32, #tpu.memory_space<hbm>>
      tpu.wait_dma2 semaphore(%run_scoped3A : memref<!tpu.dma_semaphore, #tpu.memory_space<semaphore_mem>>) src(%dma_wait3A_38 : memref<256xi32, #tpu.memory_space<hbm>>) dst(%arg7 : memref<256xi32, #tpu.memory_space<vmem>>)
      tpu.yield
    }) : () -> ()
    %broadcast_in_dim3A = arith.constant 0 : i32
    %broadcast_in_dim3A_1 = vector.broadcast %broadcast_in_dim3A : i32 to vector<16xi32>
    %scan3A = arith.constant 0 : i32
    %scan3A_2 = arith.constant 16 : i32
    %scan3A_3 = arith.addi %scan3A, %scan3A_2 : i32
    %scan3A_4 = arith.constant 1 : i32
    %scan3A_5 = scf.for %scan3A_37 = %scan3A to %scan3A_3 step %scan3A_4 iter_args(%scan3A_38 = %broadcast_in_dim3A_1) -> (vector<16xi32>)  : i32 {
      %mul3A_39 = arith.constant 16 : i32
      %mul3A_40 = arith.muli %scan3A_37, %mul3A_39 : i32
      %get3A = arith.index_cast %mul3A_40 : i32 to index
      %get3A_41 = tpu.vector_load %arg7[%get3A] {strides = array<i32>} : memref<256xi32, #tpu.memory_space<vmem>>, vector<16xi32>,
      %eq3A_42 = arith.constant 0 : i32
      %eq3A_43 = vector.broadcast %eq3A_42 : i32 to vector<16xi32>
      %eq3A_44 = arith.cmpi eq, %get3A_41, %eq3A_43 : vector<16xi32>
      %convert_element_type3A_45 = arith.extui %eq3A_44 : vector<16xi1> to vector<16xi32>
      %reduce_sum3A = arith.constant true
      %reduce_sum3A_46 = vector.broadcast %reduce_sum3A : i1 to vector<16xi1>
      %reduce_sum3A_47 = tpu.scan <sum>, %convert_element_type3A_45 masked %reduce_sum3A_46 : vector<16xi32>, vector<16xi1> -> vector<16xi32>
      %reduce_sum3A_48 = vector.extract %reduce_sum3A_47[15] : i32 from vector<16xi32>
      %eq3A_49 = arith.constant 0 : i32
      %eq3A_50 = vector.broadcast %eq3A_49 : i32 to vector<16xi32>
      %eq3A_51 = arith.cmpi eq, %iota3A, %eq3A_50 : vector<16xi32>
      %jit3A = arith.constant 0 : i32
      %broadcast_in_dim3A_52 = vector.broadcast %reduce_sum3A_48 : i32 to vector<16xi32>
      %broadcast_in_dim3A_53 = vector.broadcast %jit3A : i32 to vector<16xi32>
      %select_n3A = arith.select %eq3A_51, %broadcast_in_dim3A_52, %broadcast_in_dim3A_53 : vector<16xi1>, vector<16xi32>
      %add3A_54 = arith.addi %scan3A_38, %select_n3A : vector<16xi32>
      %eq3A_55 = arith.constant 1 : i32
      %eq3A_56 = vector.broadcast %eq3A_55 : i32 to vector<16xi32>
      %eq3A_57 = arith.cmpi eq, %get3A_41, %eq3A_56 : vector<16xi32>
      %convert_element_type3A_58 = arith.extui %eq3A_57 : vector<16xi1> to vector<16xi32>
      %reduce_sum3A_59 = arith.constant true
      %reduce_sum3A_60 = vector.broadcast %reduce_sum3A_59 : i1 to vector<16xi1>
      %reduce_sum3A_61 = tpu.scan <sum>, %convert_element_type3A_58 masked %reduce_sum3A_60 : vector<16xi32>, vector<16xi1> -> vector<16xi32>
      %reduce_sum3A_62 = vector.extract %reduce_sum3A_61[15] : i32 from vector<16xi32>
      %eq3A_63 = arith.constant 1 : i32
      %eq3A_64 = vector.broadcast %eq3A_63 : i32 to vector<16xi32>
      %eq3A_65 = arith.cmpi eq, %iota3A, %eq3A_64 : vector<16xi32>
      %jit3A_66 = arith.constant 0 : i32
      %broadcast_in_dim3A_67 = vector.broadcast %reduce_sum3A_62 : i32 to vector<16xi32>
      %broadcast_in_dim3A_68 = vector.broadcast %jit3A_66 : i32 to vector<16xi32>
      %select_n3A_69 = arith.select %eq3A_65, %broadcast_in_dim3A_67, %broadcast_in_dim3A_68 : vector<16xi1>, vector<16xi32>
      %add3A_70 = arith.addi %add3A_54, %select_n3A_69 : vector<16xi32>
      %eq3A_71 = arith.constant 2 : i32
      %eq3A_72 = vector.broadcast %eq3A_71 : i32 to vector<16xi32>
      %eq3A_73 = arith.cmpi eq, %get3A_41, %eq3A_72 : vector<16xi32>
      %convert_element_type3A_74 = arith.extui %eq3A_73 : vector<16xi1> to vector<16xi32>
      %reduce_sum3A_75 = arith.constant true
      %reduce_sum3A_76 = vector.broadcast %reduce_sum3A_75 : i1 to vector<16xi1>
      %reduce_sum3A_77 = tpu.scan <sum>, %convert_element_type3A_74 masked %reduce_sum3A_76 : vector<16xi32>, vector<16xi1> -> vector<16xi32>
      %reduce_sum3A_78 = vector.extract %reduce_sum3A_77[15] : i32 from vector<16xi32>
      %eq3A_79 = arith.constant 2 : i32
      %eq3A_80 = vector.broadcast %eq3A_79 : i32 to vector<16xi32>
      %eq3A_81 = arith.cmpi eq, %iota3A, %eq3A_80 : vector<16xi32>
      %jit3A_82 = arith.constant 0 : i32
      %broadcast_in_dim3A_83 = vector.broadcast %reduce_sum3A_78 : i32 to vector<16xi32>
      %broadcast_in_dim3A_84 = vector.broadcast %jit3A_82 : i32 to vector<16xi32>
      %select_n3A_85 = arith.select %eq3A_81, %broadcast_in_dim3A_83, %broadcast_in_dim3A_84 : vector<16xi1>, vector<16xi32>
      %add3A_86 = arith.addi %add3A_70, %select_n3A_85 : vector<16xi32>
      %eq3A_87 = arith.constant 3 : i32
      %eq3A_88 = vector.broadcast %eq3A_87 : i32 to vector<16xi32>
      %eq3A_89 = arith.cmpi eq, %get3A_41, %eq3A_88 : vector<16xi32>
      %convert_element_type3A_90 = arith.extui %eq3A_89 : vector<16xi1> to vector<16xi32>
      %reduce_sum3A_91 = arith.constant true
      %reduce_sum3A_92 = vector.broadcast %reduce_sum3A_91 : i1 to vector<16xi1>
      %reduce_sum3A_93 = tpu.scan <sum>, %convert_element_type3A_90 masked %reduce_sum3A_92 : vector<16xi32>, vector<16xi1> -> vector<16xi32>
      %reduce_sum3A_94 = vector.extract %reduce_sum3A_93[15] : i32 from vector<16xi32>
      %eq3A_95 = arith.constant 3 : i32
      %eq3A_96 = vector.broadcast %eq3A_95 : i32 to vector<16xi32>
      %eq3A_97 = arith.cmpi eq, %iota3A, %eq3A_96 : vector<16xi32>
      %jit3A_98 = arith.constant 0 : i32
      %broadcast_in_dim3A_99 = vector.broadcast %reduce_sum3A_94 : i32 to vector<16xi32>
      %broadcast_in_dim3A_100 = vector.broadcast %jit3A_98 : i32 to vector<16xi32>
      %select_n3A_101 = arith.select %eq3A_97, %broadcast_in_dim3A_99, %broadcast_in_dim3A_100 : vector<16xi1>, vector<16xi32>
      %add3A_102 = arith.addi %add3A_86, %select_n3A_101 : vector<16xi32>
      %eq3A_103 = arith.constant 4 : i32
      %eq3A_104 = vector.broadcast %eq3A_103 : i32 to vector<16xi32>
      %eq3A_105 = arith.cmpi eq, %get3A_41, %eq3A_104 : vector<16xi32>
      %convert_element_type3A_106 = arith.extui %eq3A_105 : vector<16xi1> to vector<16xi32>
      %reduce_sum3A_107 = arith.constant true
      %reduce_sum3A_108 = vector.broadcast %reduce_sum3A_107 : i1 to vector<16xi1>
      %reduce_sum3A_109 = tpu.scan <sum>, %convert_element_type3A_106 masked %reduce_sum3A_108 : vector<16xi32>, vector<16xi1> -> vector<16xi32>
      %reduce_sum3A_110 = vector.extract %reduce_sum3A_109[15] : i32 from vector<16xi32>
      %eq3A_111 = arith.constant 4 : i32
      %eq3A_112 = vector.broadcast %eq3A_111 : i32 to vector<16xi32>
      %eq3A_113 = arith.cmpi eq, %iota3A, %eq3A_112 : vector<16xi32>
      %jit3A_114 = arith.constant 0 : i32
      %broadcast_in_dim3A_115 = vector.broadcast %reduce_sum3A_110 : i32 to vector<16xi32>
      %broadcast_in_dim3A_116 = vector.broadcast %jit3A_114 : i32 to vector<16xi32>
      %select_n3A_117 = arith.select %eq3A_113, %broadcast_in_dim3A_115, %broadcast_in_dim3A_116 : vector<16xi1>, vector<16xi32>
      %add3A_118 = arith.addi %add3A_102, %select_n3A_117 : vector<16xi32>
      %eq3A_119 = arith.constant 5 : i32
      %eq3A_120 = vector.broadcast %eq3A_119 : i32 to vector<16xi32>
      %eq3A_121 = arith.cmpi eq, %get3A_41, %eq3A_120 : vector<16xi32>
      %convert_element_type3A_122 = arith.extui %eq3A_121 : vector<16xi1> to vector<16xi32>
      %reduce_sum3A_123 = arith.constant true
      %reduce_sum3A_124 = vector.broadcast %reduce_sum3A_123 : i1 to vector<16xi1>
      %reduce_sum3A_125 = tpu.scan <sum>, %convert_element_type3A_122 masked %reduce_sum3A_124 : vector<16xi32>, vector<16xi1> -> vector<16xi32>
      %reduce_sum3A_126 = vector.extract %reduce_sum3A_125[15] : i32 from vector<16xi32>
      %eq3A_127 = arith.constant 5 : i32
      %eq3A_128 = vector.broadcast %eq3A_127 : i32 to vector<16xi32>
      %eq3A_129 = arith.cmpi eq, %iota3A, %eq3A_128 : vector<16xi32>
      %jit3A_130 = arith.constant 0 : i32
      %broadcast_in_dim3A_131 = vector.broadcast %reduce_sum3A_126 : i32 to vector<16xi32>
      %broadcast_in_dim3A_132 = vector.broadcast %jit3A_130 : i32 to vector<16xi32>
      %select_n3A_133 = arith.select %eq3A_129, %broadcast_in_dim3A_131, %broadcast_in_dim3A_132 : vector<16xi1>, vector<16xi32>
      %add3A_134 = arith.addi %add3A_118, %select_n3A_133 : vector<16xi32>
      %eq3A_135 = arith.constant 6 : i32
      %eq3A_136 = vector.broadcast %eq3A_135 : i32 to vector<16xi32>
      %eq3A_137 = arith.cmpi eq, %get3A_41, %eq3A_136 : vector<16xi32>
      %convert_element_type3A_138 = arith.extui %eq3A_137 : vector<16xi1> to vector<16xi32>
      %reduce_sum3A_139 = arith.constant true
      %reduce_sum3A_140 = vector.broadcast %reduce_sum3A_139 : i1 to vector<16xi1>
      %reduce_sum3A_141 = tpu.scan <sum>, %convert_element_type3A_138 masked %reduce_sum3A_140 : vector<16xi32>, vector<16xi1> -> vector<16xi32>
      %reduce_sum3A_142 = vector.extract %reduce_sum3A_141[15] : i32 from vector<16xi32>
      %eq3A_143 = arith.constant 6 : i32
      %eq3A_144 = vector.broadcast %eq3A_143 : i32 to vector<16xi32>
      %eq3A_145 = arith.cmpi eq, %iota3A, %eq3A_144 : vector<16xi32>
      %jit3A_146 = arith.constant 0 : i32
      %broadcast_in_dim3A_147 = vector.broadcast %reduce_sum3A_142 : i32 to vector<16xi32>
      %broadcast_in_dim3A_148 = vector.broadcast %jit3A_146 : i32 to vector<16xi32>
      %select_n3A_149 = arith.select %eq3A_145, %broadcast_in_dim3A_147, %broadcast_in_dim3A_148 : vector<16xi1>, vector<16xi32>
      %add3A_150 = arith.addi %add3A_134, %select_n3A_149 : vector<16xi32>
      %eq3A_151 = arith.constant 7 : i32
      %eq3A_152 = vector.broadcast %eq3A_151 : i32 to vector<16xi32>
      %eq3A_153 = arith.cmpi eq, %get3A_41, %eq3A_152 : vector<16xi32>
      %convert_element_type3A_154 = arith.extui %eq3A_153 : vector<16xi1> to vector<16xi32>
      %reduce_sum3A_155 = arith.constant true
      %reduce_sum3A_156 = vector.broadcast %reduce_sum3A_155 : i1 to vector<16xi1>
      %reduce_sum3A_157 = tpu.scan <sum>, %convert_element_type3A_154 masked %reduce_sum3A_156 : vector<16xi32>, vector<16xi1> -> vector<16xi32>
      %reduce_sum3A_158 = vector.extract %reduce_sum3A_157[15] : i32 from vector<16xi32>
      %eq3A_159 = arith.constant 7 : i32
      %eq3A_160 = vector.broadcast %eq3A_159 : i32 to vector<16xi32>
      %eq3A_161 = arith.cmpi eq, %iota3A, %eq3A_160 : vector<16xi32>
      %jit3A_162 = arith.constant 0 : i32
      %broadcast_in_dim3A_163 = vector.broadcast %reduce_sum3A_158 : i32 to vector<16xi32>
      %broadcast_in_dim3A_164 = vector.broadcast %jit3A_162 : i32 to vector<16xi32>
      %select_n3A_165 = arith.select %eq3A_161, %broadcast_in_dim3A_163, %broadcast_in_dim3A_164 : vector<16xi1>, vector<16xi32>
      %add3A_166 = arith.addi %add3A_150, %select_n3A_165 : vector<16xi32>
      scf.yield %add3A_166 : vector<16xi32>
    }
    %scan3A_6 = arith.constant 16 : i32
    %swap3A = arith.constant 0 : index
    %swap3A_7 = tpu.vector_load %arg8[%swap3A] {strides = array<i32>} : memref<16xi32, #tpu.memory_space<vmem>>, vector<16xi32>,
    tpu.vector_store %arg8[%swap3A], %scan3A_5 {strides = array<i32>} : memref<16xi32, #tpu.memory_space<vmem>>, vector<16xi32>,
    %mul3A_8 = arith.constant 16 : i32
    %mul3A_9 = arith.muli %arg1, %mul3A_8 : i32
    "tpu.region"() ({
      %run_scoped3A = tpu.sem_alloc : memref<!tpu.dma_semaphore, #tpu.memory_space<semaphore_mem>>
      %dma_start3A = tpu.memref_slice %arg10[%mul3A_9] : memref<256xi32, #tpu.memory_space<vmem_shared>> -> memref<16xi32, #tpu.memory_space<vmem_shared>>
      %dma_start3A_37 = tpu.memref_slice %arg10[%mul3A_9] : memref<256xi32, #tpu.memory_space<vmem_shared>> -> memref<16xi32, #tpu.memory_space<vmem_shared>>
      tpu.enqueue_dma source(%arg8 : memref<16xi32, #tpu.memory_space<vmem>>) target(%dma_start3A_37 : memref<16xi32, #tpu.memory_space<vmem_shared>>) target_semaphore(%run_scoped3A : memref<!tpu.dma_semaphore, #tpu.memory_space<semaphore_mem>>)
      %dma_wait3A = tpu.memref_slice %arg10[%mul3A_9] : memref<256xi32, #tpu.memory_space<vmem_shared>> -> memref<16xi32, #tpu.memory_space<vmem_shared>>
      %dma_wait3A_38 = tpu.memref_slice %arg10[%mul3A_9] : memref<256xi32, #tpu.memory_space<vmem_shared>> -> memref<16xi32, #tpu.memory_space<vmem_shared>>
      tpu.wait_dma2 semaphore(%run_scoped3A : memref<!tpu.dma_semaphore, #tpu.memory_space<semaphore_mem>>) src(%arg8 : memref<16xi32, #tpu.memory_space<vmem>>) dst(%dma_wait3A_38 : memref<16xi32, #tpu.memory_space<vmem_shared>>)
      tpu.yield
    }) : () -> ()
    %barrier3A = arith.constant 0 : index
    tpu.barrier barrier_id(%barrier3A)
    "tpu.region"() ({
      %run_scoped3A = tpu.sem_alloc : memref<!tpu.dma_semaphore, #tpu.memory_space<semaphore_mem>>
      tpu.enqueue_dma source(%arg10 : memref<256xi32, #tpu.memory_space<vmem_shared>>) target(%arg11 : memref<256xi32, #tpu.memory_space<vmem>>) target_semaphore(%run_scoped3A : memref<!tpu.dma_semaphore, #tpu.memory_space<semaphore_mem>>)
      tpu.wait_dma2 semaphore(%run_scoped3A : memref<!tpu.dma_semaphore, #tpu.memory_space<semaphore_mem>>) src(%arg10 : memref<256xi32, #tpu.memory_space<vmem_shared>>) dst(%arg11 : memref<256xi32, #tpu.memory_space<vmem>>)
      tpu.yield
    }) : () -> ()
    %broadcast_in_dim3A_10 = arith.constant 0 : i32
    %broadcast_in_dim3A_11 = vector.broadcast %broadcast_in_dim3A_10 : i32 to vector<16xi32>
    %broadcast_in_dim3A_12 = arith.constant 0 : i32
    %broadcast_in_dim3A_13 = vector.broadcast %broadcast_in_dim3A_12 : i32 to vector<16xi32>
    %scan3A_14 = arith.constant 0 : i32
    %scan3A_15 = arith.constant 16 : i32
    %scan3A_16 = arith.addi %scan3A_14, %scan3A_15 : i32
    %scan3A_17 = arith.constant 1 : i32
    %scan3A_18:2 = scf.for %scan3A_37 = %scan3A_14 to %scan3A_16 step %scan3A_17 iter_args(%scan3A_38 = %broadcast_in_dim3A_11, %scan3A_39 = %broadcast_in_dim3A_13) -> (vector<16xi32>, vector<16xi32>)  : i32 {
      %mul3A_40 = arith.constant 16 : i32
      %mul3A_41 = arith.muli %scan3A_37, %mul3A_40 : i32
      %get3A = arith.index_cast %mul3A_41 : i32 to index
      %get3A_42 = tpu.vector_load %arg11[%get3A] {strides = array<i32>} : memref<256xi32, #tpu.memory_space<vmem>>, vector<16xi32>,
      %broadcast_in_dim3A_43 = arith.constant 0 : i32
      %broadcast_in_dim3A_44 = vector.broadcast %broadcast_in_dim3A_43 : i32 to vector<16xi32>
      %add3A_45 = vector.broadcast %scan3A_37 : i32 to vector<16xi32>
      %add3A_46 = arith.addi %broadcast_in_dim3A_44, %add3A_45 : vector<16xi32>
      %add3A_47 = arith.addi %scan3A_38, %get3A_42 : vector<16xi32>
      %lt3A = vector.broadcast %arg1 : i32 to vector<16xi32>
      %lt3A_48 = arith.cmpi slt, %add3A_46, %lt3A : vector<16xi32>
      %jit3A = arith.constant 0 : i32
      %broadcast_in_dim3A_49 = vector.broadcast %jit3A : i32 to vector<16xi32>
      %select_n3A = arith.select %lt3A_48, %get3A_42, %broadcast_in_dim3A_49 : vector<16xi1>, vector<16xi32>
      %add3A_50 = arith.addi %scan3A_39, %select_n3A : vector<16xi32>
      scf.yield %add3A_47, %add3A_50 : vector<16xi32>, vector<16xi32>
    }
    %scan3A_19 = arith.constant 16 : i32
    %add3A = arith.constant 7 : i32
    %add3A_20 = vector.broadcast %add3A : i32 to vector<16xi32>
    %add3A_21 = arith.addi %scan3A_18#0, %add3A_20 : vector<16xi32>
    %and3A = arith.constant -8 : i32
    %and3A_22 = vector.broadcast %and3A : i32 to vector<16xi32>
    %and3A_23 = arith.andi %add3A_21, %and3A_22 : vector<16xi32>
    %broadcast_in_dim3A_24 = arith.constant true
    %broadcast_in_dim3A_25 = vector.broadcast %broadcast_in_dim3A_24 : i1 to vector<16xi1>
    %masked_cumsum3A = tpu.scan <sum>, %and3A_23 masked %broadcast_in_dim3A_25 : vector<16xi32>, vector<16xi1> -> vector<16xi32>
    %sub3A = arith.subi %masked_cumsum3A, %and3A_23 : vector<16xi32>
    %add3A_26 = arith.addi %sub3A, %scan3A_18#1 : vector<16xi32>
    %eq3A = arith.constant 0 : i32
    %eq3A_27 = arith.cmpi eq, %arg1, %eq3A : i32
    %convert_element_type3A = arith.extui %eq3A_27 : i1 to i32
    %cond3A = arith.constant 0 : i32
    %cond3A_28 = arith.cmpi ne, %convert_element_type3A, %cond3A : i32
    scf.if %cond3A_28 {
      %swap3A_37 = arith.constant 0 : index
      %swap3A_38 = tpu.vector_load %arg8[%swap3A_37] {strides = array<i32>} : memref<16xi32, #tpu.memory_space<vmem>>, vector<16xi32>,
      tpu.vector_store %arg8[%swap3A_37], %sub3A {strides = array<i32>} : memref<16xi32, #tpu.memory_space<vmem>>, vector<16xi32>,
      "tpu.region"() ({
        %run_scoped3A = tpu.sem_alloc : memref<!tpu.dma_semaphore, #tpu.memory_space<semaphore_mem>>
        tpu.enqueue_dma source(%arg8 : memref<16xi32, #tpu.memory_space<vmem>>) target(%arg5 : memref<16xi32, #tpu.memory_space<hbm>>) target_semaphore(%run_scoped3A : memref<!tpu.dma_semaphore, #tpu.memory_space<semaphore_mem>>)
        tpu.wait_dma2 semaphore(%run_scoped3A : memref<!tpu.dma_semaphore, #tpu.memory_space<semaphore_mem>>) src(%arg8 : memref<16xi32, #tpu.memory_space<vmem>>) dst(%arg5 : memref<16xi32, #tpu.memory_space<hbm>>)
        tpu.yield
      }) : () -> ()
      %swap3A_39 = arith.constant 0 : index
      %swap3A_40 = tpu.vector_load %arg8[%swap3A_39] {strides = array<i32>} : memref<16xi32, #tpu.memory_space<vmem>>, vector<16xi32>,
      tpu.vector_store %arg8[%swap3A_39], %and3A_23 {strides = array<i32>} : memref<16xi32, #tpu.memory_space<vmem>>, vector<16xi32>,
      "tpu.region"() ({
        %run_scoped3A = tpu.sem_alloc : memref<!tpu.dma_semaphore, #tpu.memory_space<semaphore_mem>>
        tpu.enqueue_dma source(%arg8 : memref<16xi32, #tpu.memory_space<vmem>>) target(%arg6 : memref<16xi32, #tpu.memory_space<hbm>>) target_semaphore(%run_scoped3A : memref<!tpu.dma_semaphore, #tpu.memory_space<semaphore_mem>>)
        tpu.wait_dma2 semaphore(%run_scoped3A : memref<!tpu.dma_semaphore, #tpu.memory_space<semaphore_mem>>) src(%arg8 : memref<16xi32, #tpu.memory_space<vmem>>) dst(%arg6 : memref<16xi32, #tpu.memory_space<hbm>>)
        tpu.yield
      }) : () -> ()
    } else {
    }
    %scan3A_29 = arith.constant 0 : i32
    %scan3A_30 = arith.constant 16 : i32
    %scan3A_31 = arith.addi %scan3A_29, %scan3A_30 : i32
    %scan3A_32 = arith.constant 1 : i32
    %scan3A_33 = scf.for %scan3A_37 = %scan3A_29 to %scan3A_31 step %scan3A_32 iter_args(%scan3A_38 = %add3A_26) -> (vector<16xi32>)  : i32 {
      %mul3A_39 = arith.constant 16 : i32
      %mul3A_40 = arith.muli %scan3A_37, %mul3A_39 : i32
      %get3A = arith.index_cast %mul3A_40 : i32 to index
      %get3A_41 = tpu.vector_load %arg7[%get3A] {strides = array<i32>} : memref<256xi32, #tpu.memory_space<vmem>>, vector<16xi32>,
      %mul3A_42 = arith.constant 16 : i32
      %mul3A_43 = arith.muli %scan3A_37, %mul3A_42 : i32
      %add3A_44 = vector.broadcast %mul3A_43 : i32 to vector<16xi32>
      %add3A_45 = arith.addi %iota3A, %add3A_44 : vector<16xi32>
      %and3A_46 = arith.constant 1 : i32
      %and3A_47 = vector.broadcast %and3A_46 : i32 to vector<16xi32>
      %and3A_48 = arith.andi %add3A_45, %and3A_47 : vector<16xi32>
      %mul3A_49 = arith.constant 128 : i32
      %mul3A_50 = vector.broadcast %mul3A_49 : i32 to vector<16xi32>
      %mul3A_51 = arith.muli %and3A_48, %mul3A_50 : vector<16xi32>
      %shift_right_arithmetic3A = arith.constant 1 : i32
      %shift_right_arithmetic3A_52 = vector.broadcast %shift_right_arithmetic3A : i32 to vector<16xi32>
      %shift_right_arithmetic3A_53 = arith.shrsi %add3A_45, %shift_right_arithmetic3A_52 : vector<16xi32>
      %add3A_54 = arith.addi %mul3A_51, %shift_right_arithmetic3A_53 : vector<16xi32>
      %broadcast_in_dim3A_55 = arith.constant 0 : i32
      %broadcast_in_dim3A_56 = vector.broadcast %broadcast_in_dim3A_55 : i32 to vector<16xi32>
      %eq3A_57 = arith.constant 0 : i32
      %eq3A_58 = vector.broadcast %eq3A_57 : i32 to vector<16xi32>
      %eq3A_59 = arith.cmpi eq, %get3A_41, %eq3A_58 : vector<16xi32>
      %convert_element_type3A_60 = arith.extui %eq3A_59 : vector<16xi1> to vector<16xi32>
      %broadcast_in_dim3A_61 = arith.constant true
      %broadcast_in_dim3A_62 = vector.broadcast %broadcast_in_dim3A_61 : i1 to vector<16xi1>
      %masked_cumsum3A_63 = tpu.scan <sum>, %convert_element_type3A_60 masked %broadcast_in_dim3A_62 : vector<16xi32>, vector<16xi1> -> vector<16xi32>
      %eq3A_64 = arith.constant 0 : i32
      %eq3A_65 = vector.broadcast %eq3A_64 : i32 to vector<16xi32>
      %eq3A_66 = arith.cmpi eq, %iota3A, %eq3A_65 : vector<16xi32>
      %jit3A = arith.constant 0 : i32
      %broadcast_in_dim3A_67 = vector.broadcast %jit3A : i32 to vector<16xi32>
      %select_n3A = arith.select %eq3A_66, %scan3A_38, %broadcast_in_dim3A_67 : vector<16xi1>, vector<16xi32>
      %reduce_sum3A = arith.constant true
      %reduce_sum3A_68 = vector.broadcast %reduce_sum3A : i1 to vector<16xi1>
      %reduce_sum3A_69 = tpu.scan <sum>, %select_n3A masked %reduce_sum3A_68 : vector<16xi32>, vector<16xi1> -> vector<16xi32>
      %reduce_sum3A_70 = vector.extract %reduce_sum3A_69[15] : i32 from vector<16xi32>
      %sub3A_71 = arith.constant 1 : i32
      %sub3A_72 = arith.subi %reduce_sum3A_70, %sub3A_71 : i32
      %add3A_73 = vector.broadcast %sub3A_72 : i32 to vector<16xi32>
      %add3A_74 = arith.addi %masked_cumsum3A_63, %add3A_73 : vector<16xi32>
      %select_n3A_75 = arith.select %eq3A_59, %add3A_74, %broadcast_in_dim3A_56 : vector<16xi1>, vector<16xi32>
      %slice3A = vector.extract_strided_slice %masked_cumsum3A_63 {offsets = [15], sizes = [1], strides = [1]} : vector<16xi32> to vector<1xi32>
      %squeeze3A = vector.extract %slice3A[0] : i32 from vector<1xi32>
      %eq3A_76 = arith.constant 0 : i32
      %eq3A_77 = vector.broadcast %eq3A_76 : i32 to vector<16xi32>
      %eq3A_78 = arith.cmpi eq, %iota3A, %eq3A_77 : vector<16xi32>
      %jit3A_79 = arith.constant 0 : i32
      %broadcast_in_dim3A_80 = vector.broadcast %squeeze3A : i32 to vector<16xi32>
      %broadcast_in_dim3A_81 = vector.broadcast %jit3A_79 : i32 to vector<16xi32>
      %select_n3A_82 = arith.select %eq3A_78, %broadcast_in_dim3A_80, %broadcast_in_dim3A_81 : vector<16xi1>, vector<16xi32>
      %add3A_83 = arith.addi %scan3A_38, %select_n3A_82 : vector<16xi32>
      %eq3A_84 = arith.constant 1 : i32
      %eq3A_85 = vector.broadcast %eq3A_84 : i32 to vector<16xi32>
      %eq3A_86 = arith.cmpi eq, %get3A_41, %eq3A_85 : vector<16xi32>
      %convert_element_type3A_87 = arith.extui %eq3A_86 : vector<16xi1> to vector<16xi32>
      %broadcast_in_dim3A_88 = arith.constant true
      %broadcast_in_dim3A_89 = vector.broadcast %broadcast_in_dim3A_88 : i1 to vector<16xi1>
      %masked_cumsum3A_90 = tpu.scan <sum>, %convert_element_type3A_87 masked %broadcast_in_dim3A_89 : vector<16xi32>, vector<16xi1> -> vector<16xi32>
      %eq3A_91 = arith.constant 1 : i32
      %eq3A_92 = vector.broadcast %eq3A_91 : i32 to vector<16xi32>
      %eq3A_93 = arith.cmpi eq, %iota3A, %eq3A_92 : vector<16xi32>
      %jit3A_94 = arith.constant 0 : i32
      %broadcast_in_dim3A_95 = vector.broadcast %jit3A_94 : i32 to vector<16xi32>
      %select_n3A_96 = arith.select %eq3A_93, %add3A_83, %broadcast_in_dim3A_95 : vector<16xi1>, vector<16xi32>
      %reduce_sum3A_97 = arith.constant true
      %reduce_sum3A_98 = vector.broadcast %reduce_sum3A_97 : i1 to vector<16xi1>
      %reduce_sum3A_99 = tpu.scan <sum>, %select_n3A_96 masked %reduce_sum3A_98 : vector<16xi32>, vector<16xi1> -> vector<16xi32>
      %reduce_sum3A_100 = vector.extract %reduce_sum3A_99[15] : i32 from vector<16xi32>
      %sub3A_101 = arith.constant 1 : i32
      %sub3A_102 = arith.subi %reduce_sum3A_100, %sub3A_101 : i32
      %add3A_103 = vector.broadcast %sub3A_102 : i32 to vector<16xi32>
      %add3A_104 = arith.addi %masked_cumsum3A_90, %add3A_103 : vector<16xi32>
      %select_n3A_105 = arith.select %eq3A_86, %add3A_104, %select_n3A_75 : vector<16xi1>, vector<16xi32>
      %slice3A_106 = vector.extract_strided_slice %masked_cumsum3A_90 {offsets = [15], sizes = [1], strides = [1]} : vector<16xi32> to vector<1xi32>
      %squeeze3A_107 = vector.extract %slice3A_106[0] : i32 from vector<1xi32>
      %eq3A_108 = arith.constant 1 : i32
      %eq3A_109 = vector.broadcast %eq3A_108 : i32 to vector<16xi32>
      %eq3A_110 = arith.cmpi eq, %iota3A, %eq3A_109 : vector<16xi32>
      %jit3A_111 = arith.constant 0 : i32
      %broadcast_in_dim3A_112 = vector.broadcast %squeeze3A_107 : i32 to vector<16xi32>
      %broadcast_in_dim3A_113 = vector.broadcast %jit3A_111 : i32 to vector<16xi32>
      %select_n3A_114 = arith.select %eq3A_110, %broadcast_in_dim3A_112, %broadcast_in_dim3A_113 : vector<16xi1>, vector<16xi32>
      %add3A_115 = arith.addi %add3A_83, %select_n3A_114 : vector<16xi32>
      %eq3A_116 = arith.constant 2 : i32
      %eq3A_117 = vector.broadcast %eq3A_116 : i32 to vector<16xi32>
      %eq3A_118 = arith.cmpi eq, %get3A_41, %eq3A_117 : vector<16xi32>
      %convert_element_type3A_119 = arith.extui %eq3A_118 : vector<16xi1> to vector<16xi32>
      %broadcast_in_dim3A_120 = arith.constant true
      %broadcast_in_dim3A_121 = vector.broadcast %broadcast_in_dim3A_120 : i1 to vector<16xi1>
      %masked_cumsum3A_122 = tpu.scan <sum>, %convert_element_type3A_119 masked %broadcast_in_dim3A_121 : vector<16xi32>, vector<16xi1> -> vector<16xi32>
      %eq3A_123 = arith.constant 2 : i32
      %eq3A_124 = vector.broadcast %eq3A_123 : i32 to vector<16xi32>
      %eq3A_125 = arith.cmpi eq, %iota3A, %eq3A_124 : vector<16xi32>
      %jit3A_126 = arith.constant 0 : i32
      %broadcast_in_dim3A_127 = vector.broadcast %jit3A_126 : i32 to vector<16xi32>
      %select_n3A_128 = arith.select %eq3A_125, %add3A_115, %broadcast_in_dim3A_127 : vector<16xi1>, vector<16xi32>
      %reduce_sum3A_129 = arith.constant true
      %reduce_sum3A_130 = vector.broadcast %reduce_sum3A_129 : i1 to vector<16xi1>
      %reduce_sum3A_131 = tpu.scan <sum>, %select_n3A_128 masked %reduce_sum3A_130 : vector<16xi32>, vector<16xi1> -> vector<16xi32>
      %reduce_sum3A_132 = vector.extract %reduce_sum3A_131[15] : i32 from vector<16xi32>
      %sub3A_133 = arith.constant 1 : i32
      %sub3A_134 = arith.subi %reduce_sum3A_132, %sub3A_133 : i32
      %add3A_135 = vector.broadcast %sub3A_134 : i32 to vector<16xi32>
      %add3A_136 = arith.addi %masked_cumsum3A_122, %add3A_135 : vector<16xi32>
      %select_n3A_137 = arith.select %eq3A_118, %add3A_136, %select_n3A_105 : vector<16xi1>, vector<16xi32>
      %slice3A_138 = vector.extract_strided_slice %masked_cumsum3A_122 {offsets = [15], sizes = [1], strides = [1]} : vector<16xi32> to vector<1xi32>
      %squeeze3A_139 = vector.extract %slice3A_138[0] : i32 from vector<1xi32>
      %eq3A_140 = arith.constant 2 : i32
      %eq3A_141 = vector.broadcast %eq3A_140 : i32 to vector<16xi32>
      %eq3A_142 = arith.cmpi eq, %iota3A, %eq3A_141 : vector<16xi32>
      %jit3A_143 = arith.constant 0 : i32
      %broadcast_in_dim3A_144 = vector.broadcast %squeeze3A_139 : i32 to vector<16xi32>
      %broadcast_in_dim3A_145 = vector.broadcast %jit3A_143 : i32 to vector<16xi32>
      %select_n3A_146 = arith.select %eq3A_142, %broadcast_in_dim3A_144, %broadcast_in_dim3A_145 : vector<16xi1>, vector<16xi32>
      %add3A_147 = arith.addi %add3A_115, %select_n3A_146 : vector<16xi32>
      %eq3A_148 = arith.constant 3 : i32
      %eq3A_149 = vector.broadcast %eq3A_148 : i32 to vector<16xi32>
      %eq3A_150 = arith.cmpi eq, %get3A_41, %eq3A_149 : vector<16xi32>
      %convert_element_type3A_151 = arith.extui %eq3A_150 : vector<16xi1> to vector<16xi32>
      %broadcast_in_dim3A_152 = arith.constant true
      %broadcast_in_dim3A_153 = vector.broadcast %broadcast_in_dim3A_152 : i1 to vector<16xi1>
      %masked_cumsum3A_154 = tpu.scan <sum>, %convert_element_type3A_151 masked %broadcast_in_dim3A_153 : vector<16xi32>, vector<16xi1> -> vector<16xi32>
      %eq3A_155 = arith.constant 3 : i32
      %eq3A_156 = vector.broadcast %eq3A_155 : i32 to vector<16xi32>
      %eq3A_157 = arith.cmpi eq, %iota3A, %eq3A_156 : vector<16xi32>
      %jit3A_158 = arith.constant 0 : i32
      %broadcast_in_dim3A_159 = vector.broadcast %jit3A_158 : i32 to vector<16xi32>
      %select_n3A_160 = arith.select %eq3A_157, %add3A_147, %broadcast_in_dim3A_159 : vector<16xi1>, vector<16xi32>
      %reduce_sum3A_161 = arith.constant true
      %reduce_sum3A_162 = vector.broadcast %reduce_sum3A_161 : i1 to vector<16xi1>
      %reduce_sum3A_163 = tpu.scan <sum>, %select_n3A_160 masked %reduce_sum3A_162 : vector<16xi32>, vector<16xi1> -> vector<16xi32>
      %reduce_sum3A_164 = vector.extract %reduce_sum3A_163[15] : i32 from vector<16xi32>
      %sub3A_165 = arith.constant 1 : i32
      %sub3A_166 = arith.subi %reduce_sum3A_164, %sub3A_165 : i32
      %add3A_167 = vector.broadcast %sub3A_166 : i32 to vector<16xi32>
      %add3A_168 = arith.addi %masked_cumsum3A_154, %add3A_167 : vector<16xi32>
      %select_n3A_169 = arith.select %eq3A_150, %add3A_168, %select_n3A_137 : vector<16xi1>, vector<16xi32>
      %slice3A_170 = vector.extract_strided_slice %masked_cumsum3A_154 {offsets = [15], sizes = [1], strides = [1]} : vector<16xi32> to vector<1xi32>
      %squeeze3A_171 = vector.extract %slice3A_170[0] : i32 from vector<1xi32>
      %eq3A_172 = arith.constant 3 : i32
      %eq3A_173 = vector.broadcast %eq3A_172 : i32 to vector<16xi32>
      %eq3A_174 = arith.cmpi eq, %iota3A, %eq3A_173 : vector<16xi32>
      %jit3A_175 = arith.constant 0 : i32
      %broadcast_in_dim3A_176 = vector.broadcast %squeeze3A_171 : i32 to vector<16xi32>
      %broadcast_in_dim3A_177 = vector.broadcast %jit3A_175 : i32 to vector<16xi32>
      %select_n3A_178 = arith.select %eq3A_174, %broadcast_in_dim3A_176, %broadcast_in_dim3A_177 : vector<16xi1>, vector<16xi32>
      %add3A_179 = arith.addi %add3A_147, %select_n3A_178 : vector<16xi32>
      %eq3A_180 = arith.constant 4 : i32
      %eq3A_181 = vector.broadcast %eq3A_180 : i32 to vector<16xi32>
      %eq3A_182 = arith.cmpi eq, %get3A_41, %eq3A_181 : vector<16xi32>
      %convert_element_type3A_183 = arith.extui %eq3A_182 : vector<16xi1> to vector<16xi32>
      %broadcast_in_dim3A_184 = arith.constant true
      %broadcast_in_dim3A_185 = vector.broadcast %broadcast_in_dim3A_184 : i1 to vector<16xi1>
      %masked_cumsum3A_186 = tpu.scan <sum>, %convert_element_type3A_183 masked %broadcast_in_dim3A_185 : vector<16xi32>, vector<16xi1> -> vector<16xi32>
      %eq3A_187 = arith.constant 4 : i32
      %eq3A_188 = vector.broadcast %eq3A_187 : i32 to vector<16xi32>
      %eq3A_189 = arith.cmpi eq, %iota3A, %eq3A_188 : vector<16xi32>
      %jit3A_190 = arith.constant 0 : i32
      %broadcast_in_dim3A_191 = vector.broadcast %jit3A_190 : i32 to vector<16xi32>
      %select_n3A_192 = arith.select %eq3A_189, %add3A_179, %broadcast_in_dim3A_191 : vector<16xi1>, vector<16xi32>
      %reduce_sum3A_193 = arith.constant true
      %reduce_sum3A_194 = vector.broadcast %reduce_sum3A_193 : i1 to vector<16xi1>
      %reduce_sum3A_195 = tpu.scan <sum>, %select_n3A_192 masked %reduce_sum3A_194 : vector<16xi32>, vector<16xi1> -> vector<16xi32>
      %reduce_sum3A_196 = vector.extract %reduce_sum3A_195[15] : i32 from vector<16xi32>
      %sub3A_197 = arith.constant 1 : i32
      %sub3A_198 = arith.subi %reduce_sum3A_196, %sub3A_197 : i32
      %add3A_199 = vector.broadcast %sub3A_198 : i32 to vector<16xi32>
      %add3A_200 = arith.addi %masked_cumsum3A_186, %add3A_199 : vector<16xi32>
      %select_n3A_201 = arith.select %eq3A_182, %add3A_200, %select_n3A_169 : vector<16xi1>, vector<16xi32>
      %slice3A_202 = vector.extract_strided_slice %masked_cumsum3A_186 {offsets = [15], sizes = [1], strides = [1]} : vector<16xi32> to vector<1xi32>
      %squeeze3A_203 = vector.extract %slice3A_202[0] : i32 from vector<1xi32>
      %eq3A_204 = arith.constant 4 : i32
      %eq3A_205 = vector.broadcast %eq3A_204 : i32 to vector<16xi32>
      %eq3A_206 = arith.cmpi eq, %iota3A, %eq3A_205 : vector<16xi32>
      %jit3A_207 = arith.constant 0 : i32
      %broadcast_in_dim3A_208 = vector.broadcast %squeeze3A_203 : i32 to vector<16xi32>
      %broadcast_in_dim3A_209 = vector.broadcast %jit3A_207 : i32 to vector<16xi32>
      %select_n3A_210 = arith.select %eq3A_206, %broadcast_in_dim3A_208, %broadcast_in_dim3A_209 : vector<16xi1>, vector<16xi32>
      %add3A_211 = arith.addi %add3A_179, %select_n3A_210 : vector<16xi32>
      %eq3A_212 = arith.constant 5 : i32
      %eq3A_213 = vector.broadcast %eq3A_212 : i32 to vector<16xi32>
      %eq3A_214 = arith.cmpi eq, %get3A_41, %eq3A_213 : vector<16xi32>
      %convert_element_type3A_215 = arith.extui %eq3A_214 : vector<16xi1> to vector<16xi32>
      %broadcast_in_dim3A_216 = arith.constant true
      %broadcast_in_dim3A_217 = vector.broadcast %broadcast_in_dim3A_216 : i1 to vector<16xi1>
      %masked_cumsum3A_218 = tpu.scan <sum>, %convert_element_type3A_215 masked %broadcast_in_dim3A_217 : vector<16xi32>, vector<16xi1> -> vector<16xi32>
      %eq3A_219 = arith.constant 5 : i32
      %eq3A_220 = vector.broadcast %eq3A_219 : i32 to vector<16xi32>
      %eq3A_221 = arith.cmpi eq, %iota3A, %eq3A_220 : vector<16xi32>
      %jit3A_222 = arith.constant 0 : i32
      %broadcast_in_dim3A_223 = vector.broadcast %jit3A_222 : i32 to vector<16xi32>
      %select_n3A_224 = arith.select %eq3A_221, %add3A_211, %broadcast_in_dim3A_223 : vector<16xi1>, vector<16xi32>
      %reduce_sum3A_225 = arith.constant true
      %reduce_sum3A_226 = vector.broadcast %reduce_sum3A_225 : i1 to vector<16xi1>
      %reduce_sum3A_227 = tpu.scan <sum>, %select_n3A_224 masked %reduce_sum3A_226 : vector<16xi32>, vector<16xi1> -> vector<16xi32>
      %reduce_sum3A_228 = vector.extract %reduce_sum3A_227[15] : i32 from vector<16xi32>
      %sub3A_229 = arith.constant 1 : i32
      %sub3A_230 = arith.subi %reduce_sum3A_228, %sub3A_229 : i32
      %add3A_231 = vector.broadcast %sub3A_230 : i32 to vector<16xi32>
      %add3A_232 = arith.addi %masked_cumsum3A_218, %add3A_231 : vector<16xi32>
      %select_n3A_233 = arith.select %eq3A_214, %add3A_232, %select_n3A_201 : vector<16xi1>, vector<16xi32>
      %slice3A_234 = vector.extract_strided_slice %masked_cumsum3A_218 {offsets = [15], sizes = [1], strides = [1]} : vector<16xi32> to vector<1xi32>
      %squeeze3A_235 = vector.extract %slice3A_234[0] : i32 from vector<1xi32>
      %eq3A_236 = arith.constant 5 : i32
      %eq3A_237 = vector.broadcast %eq3A_236 : i32 to vector<16xi32>
      %eq3A_238 = arith.cmpi eq, %iota3A, %eq3A_237 : vector<16xi32>
      %jit3A_239 = arith.constant 0 : i32
      %broadcast_in_dim3A_240 = vector.broadcast %squeeze3A_235 : i32 to vector<16xi32>
      %broadcast_in_dim3A_241 = vector.broadcast %jit3A_239 : i32 to vector<16xi32>
      %select_n3A_242 = arith.select %eq3A_238, %broadcast_in_dim3A_240, %broadcast_in_dim3A_241 : vector<16xi1>, vector<16xi32>
      %add3A_243 = arith.addi %add3A_211, %select_n3A_242 : vector<16xi32>
      %eq3A_244 = arith.constant 6 : i32
      %eq3A_245 = vector.broadcast %eq3A_244 : i32 to vector<16xi32>
      %eq3A_246 = arith.cmpi eq, %get3A_41, %eq3A_245 : vector<16xi32>
      %convert_element_type3A_247 = arith.extui %eq3A_246 : vector<16xi1> to vector<16xi32>
      %broadcast_in_dim3A_248 = arith.constant true
      %broadcast_in_dim3A_249 = vector.broadcast %broadcast_in_dim3A_248 : i1 to vector<16xi1>
      %masked_cumsum3A_250 = tpu.scan <sum>, %convert_element_type3A_247 masked %broadcast_in_dim3A_249 : vector<16xi32>, vector<16xi1> -> vector<16xi32>
      %eq3A_251 = arith.constant 6 : i32
      %eq3A_252 = vector.broadcast %eq3A_251 : i32 to vector<16xi32>
      %eq3A_253 = arith.cmpi eq, %iota3A, %eq3A_252 : vector<16xi32>
      %jit3A_254 = arith.constant 0 : i32
      %broadcast_in_dim3A_255 = vector.broadcast %jit3A_254 : i32 to vector<16xi32>
      %select_n3A_256 = arith.select %eq3A_253, %add3A_243, %broadcast_in_dim3A_255 : vector<16xi1>, vector<16xi32>
      %reduce_sum3A_257 = arith.constant true
      %reduce_sum3A_258 = vector.broadcast %reduce_sum3A_257 : i1 to vector<16xi1>
      %reduce_sum3A_259 = tpu.scan <sum>, %select_n3A_256 masked %reduce_sum3A_258 : vector<16xi32>, vector<16xi1> -> vector<16xi32>
      %reduce_sum3A_260 = vector.extract %reduce_sum3A_259[15] : i32 from vector<16xi32>
      %sub3A_261 = arith.constant 1 : i32
      %sub3A_262 = arith.subi %reduce_sum3A_260, %sub3A_261 : i32
      %add3A_263 = vector.broadcast %sub3A_262 : i32 to vector<16xi32>
      %add3A_264 = arith.addi %masked_cumsum3A_250, %add3A_263 : vector<16xi32>
      %select_n3A_265 = arith.select %eq3A_246, %add3A_264, %select_n3A_233 : vector<16xi1>, vector<16xi32>
      %slice3A_266 = vector.extract_strided_slice %masked_cumsum3A_250 {offsets = [15], sizes = [1], strides = [1]} : vector<16xi32> to vector<1xi32>
      %squeeze3A_267 = vector.extract %slice3A_266[0] : i32 from vector<1xi32>
      %eq3A_268 = arith.constant 6 : i32
      %eq3A_269 = vector.broadcast %eq3A_268 : i32 to vector<16xi32>
      %eq3A_270 = arith.cmpi eq, %iota3A, %eq3A_269 : vector<16xi32>
      %jit3A_271 = arith.constant 0 : i32
      %broadcast_in_dim3A_272 = vector.broadcast %squeeze3A_267 : i32 to vector<16xi32>
      %broadcast_in_dim3A_273 = vector.broadcast %jit3A_271 : i32 to vector<16xi32>
      %select_n3A_274 = arith.select %eq3A_270, %broadcast_in_dim3A_272, %broadcast_in_dim3A_273 : vector<16xi1>, vector<16xi32>
      %add3A_275 = arith.addi %add3A_243, %select_n3A_274 : vector<16xi32>
      %eq3A_276 = arith.constant 7 : i32
      %eq3A_277 = vector.broadcast %eq3A_276 : i32 to vector<16xi32>
      %eq3A_278 = arith.cmpi eq, %get3A_41, %eq3A_277 : vector<16xi32>
      %convert_element_type3A_279 = arith.extui %eq3A_278 : vector<16xi1> to vector<16xi32>
      %broadcast_in_dim3A_280 = arith.constant true
      %broadcast_in_dim3A_281 = vector.broadcast %broadcast_in_dim3A_280 : i1 to vector<16xi1>
      %masked_cumsum3A_282 = tpu.scan <sum>, %convert_element_type3A_279 masked %broadcast_in_dim3A_281 : vector<16xi32>, vector<16xi1> -> vector<16xi32>
      %eq3A_283 = arith.constant 7 : i32
      %eq3A_284 = vector.broadcast %eq3A_283 : i32 to vector<16xi32>
      %eq3A_285 = arith.cmpi eq, %iota3A, %eq3A_284 : vector<16xi32>
      %jit3A_286 = arith.constant 0 : i32
      %broadcast_in_dim3A_287 = vector.broadcast %jit3A_286 : i32 to vector<16xi32>
      %select_n3A_288 = arith.select %eq3A_285, %add3A_275, %broadcast_in_dim3A_287 : vector<16xi1>, vector<16xi32>
      %reduce_sum3A_289 = arith.constant true
      %reduce_sum3A_290 = vector.broadcast %reduce_sum3A_289 : i1 to vector<16xi1>
      %reduce_sum3A_291 = tpu.scan <sum>, %select_n3A_288 masked %reduce_sum3A_290 : vector<16xi32>, vector<16xi1> -> vector<16xi32>
      %reduce_sum3A_292 = vector.extract %reduce_sum3A_291[15] : i32 from vector<16xi32>
      %sub3A_293 = arith.constant 1 : i32
      %sub3A_294 = arith.subi %reduce_sum3A_292, %sub3A_293 : i32
      %add3A_295 = vector.broadcast %sub3A_294 : i32 to vector<16xi32>
      %add3A_296 = arith.addi %masked_cumsum3A_282, %add3A_295 : vector<16xi32>
      %select_n3A_297 = arith.select %eq3A_278, %add3A_296, %select_n3A_265 : vector<16xi1>, vector<16xi32>
      %slice3A_298 = vector.extract_strided_slice %masked_cumsum3A_282 {offsets = [15], sizes = [1], strides = [1]} : vector<16xi32> to vector<1xi32>
      %squeeze3A_299 = vector.extract %slice3A_298[0] : i32 from vector<1xi32>
      %eq3A_300 = arith.constant 7 : i32
      %eq3A_301 = vector.broadcast %eq3A_300 : i32 to vector<16xi32>
      %eq3A_302 = arith.cmpi eq, %iota3A, %eq3A_301 : vector<16xi32>
      %jit3A_303 = arith.constant 0 : i32
      %broadcast_in_dim3A_304 = vector.broadcast %squeeze3A_299 : i32 to vector<16xi32>
      %broadcast_in_dim3A_305 = vector.broadcast %jit3A_303 : i32 to vector<16xi32>
      %select_n3A_306 = arith.select %eq3A_302, %broadcast_in_dim3A_304, %broadcast_in_dim3A_305 : vector<16xi1>, vector<16xi32>
      %add3A_307 = arith.addi %add3A_275, %select_n3A_306 : vector<16xi32>
      tpu.vector_store_idx %arg9[%add3A_54], %select_n3A_297 : memref<256xi32, #tpu.memory_space<vmem>>[vector<16xi32>], vector<16xi32>,
      scf.yield %add3A_307 : vector<16xi32>
    }
    %scan3A_34 = arith.constant 16 : i32
    %mul3A_35 = arith.constant 128 : i32
    %mul3A_36 = arith.muli %arg1, %mul3A_35 : i32
    "tpu.region"() ({
      %run_scoped3A = tpu.sem_alloc : memref<!tpu.dma_semaphore, #tpu.memory_space<semaphore_mem>>
      %dma_start3A = arith.constant 0 : i32
      %dma_start3A_37 = tpu.memref_slice %arg9[%dma_start3A] : memref<256xi32, #tpu.memory_space<vmem>> -> memref<128xi32, #tpu.memory_space<vmem>>
      %dma_start3A_38 = tpu.memref_slice %arg3[%mul3A_36] : memref<2048xi32, #tpu.memory_space<hbm>> -> memref<128xi32, #tpu.memory_space<hbm>>
      %dma_start3A_39 = tpu.memref_slice %arg3[%mul3A_36] : memref<2048xi32, #tpu.memory_space<hbm>> -> memref<128xi32, #tpu.memory_space<hbm>>
      %dma_start3A_40 = arith.constant 0 : i32
      %dma_start3A_41 = tpu.memref_slice %arg9[%dma_start3A_40] : memref<256xi32, #tpu.memory_space<vmem>> -> memref<128xi32, #tpu.memory_space<vmem>>
      tpu.enqueue_dma source(%dma_start3A_41 : memref<128xi32, #tpu.memory_space<vmem>>) target(%dma_start3A_39 : memref<128xi32, #tpu.memory_space<hbm>>) target_semaphore(%run_scoped3A : memref<!tpu.dma_semaphore, #tpu.memory_space<semaphore_mem>>)
      %dma_wait3A = arith.constant 0 : i32
      %dma_wait3A_42 = tpu.memref_slice %arg9[%dma_wait3A] : memref<256xi32, #tpu.memory_space<vmem>> -> memref<128xi32, #tpu.memory_space<vmem>>
      %dma_wait3A_43 = tpu.memref_slice %arg3[%mul3A_36] : memref<2048xi32, #tpu.memory_space<hbm>> -> memref<128xi32, #tpu.memory_space<hbm>>
      %dma_wait3A_44 = tpu.memref_slice %arg3[%mul3A_36] : memref<2048xi32, #tpu.memory_space<hbm>> -> memref<128xi32, #tpu.memory_space<hbm>>
      %dma_wait3A_45 = arith.constant 0 : i32
      %dma_wait3A_46 = tpu.memref_slice %arg9[%dma_wait3A_45] : memref<256xi32, #tpu.memory_space<vmem>> -> memref<128xi32, #tpu.memory_space<vmem>>
      tpu.wait_dma2 semaphore(%run_scoped3A : memref<!tpu.dma_semaphore, #tpu.memory_space<semaphore_mem>>) src(%dma_wait3A_46 : memref<128xi32, #tpu.memory_space<vmem>>) dst(%dma_wait3A_44 : memref<128xi32, #tpu.memory_space<hbm>>)
      tpu.yield
    }) : () -> ()
    "tpu.region"() ({
      %run_scoped3A = tpu.sem_alloc : memref<!tpu.dma_semaphore, #tpu.memory_space<semaphore_mem>>
      %dma_start3A = arith.constant 128 : i32
      %dma_start3A_37 = tpu.memref_slice %arg9[%dma_start3A] : memref<256xi32, #tpu.memory_space<vmem>> -> memref<128xi32, #tpu.memory_space<vmem>>
      %dma_start3A_38 = tpu.memref_slice %arg4[%mul3A_36] : memref<2048xi32, #tpu.memory_space<hbm>> -> memref<128xi32, #tpu.memory_space<hbm>>
      %dma_start3A_39 = tpu.memref_slice %arg4[%mul3A_36] : memref<2048xi32, #tpu.memory_space<hbm>> -> memref<128xi32, #tpu.memory_space<hbm>>
      %dma_start3A_40 = arith.constant 128 : i32
      %dma_start3A_41 = tpu.memref_slice %arg9[%dma_start3A_40] : memref<256xi32, #tpu.memory_space<vmem>> -> memref<128xi32, #tpu.memory_space<vmem>>
      tpu.enqueue_dma source(%dma_start3A_41 : memref<128xi32, #tpu.memory_space<vmem>>) target(%dma_start3A_39 : memref<128xi32, #tpu.memory_space<hbm>>) target_semaphore(%run_scoped3A : memref<!tpu.dma_semaphore, #tpu.memory_space<semaphore_mem>>)
      %dma_wait3A = arith.constant 128 : i32
      %dma_wait3A_42 = tpu.memref_slice %arg9[%dma_wait3A] : memref<256xi32, #tpu.memory_space<vmem>> -> memref<128xi32, #tpu.memory_space<vmem>>
      %dma_wait3A_43 = tpu.memref_slice %arg4[%mul3A_36] : memref<2048xi32, #tpu.memory_space<hbm>> -> memref<128xi32, #tpu.memory_space<hbm>>
      %dma_wait3A_44 = tpu.memref_slice %arg4[%mul3A_36] : memref<2048xi32, #tpu.memory_space<hbm>> -> memref<128xi32, #tpu.memory_space<hbm>>
      %dma_wait3A_45 = arith.constant 128 : i32
      %dma_wait3A_46 = tpu.memref_slice %arg9[%dma_wait3A_45] : memref<256xi32, #tpu.memory_space<vmem>> -> memref<128xi32, #tpu.memory_space<vmem>>
      tpu.wait_dma2 semaphore(%run_scoped3A : memref<!tpu.dma_semaphore, #tpu.memory_space<semaphore_mem>>) src(%dma_wait3A_46 : memref<128xi32, #tpu.memory_space<vmem>>) dst(%dma_wait3A_44 : memref<128xi32, #tpu.memory_space<hbm>>)
      tpu.yield
    }) : () -> ()
    return
  }
}

#map = affine_map<(d0, d1) -> (0, 0)>
#map1 = affine_map<(d0, d1) -> (0)>
module attributes {stable_mosaic.version = 14 : i64} {
  func.func @_dispatch_body(%arg0: i32, %arg1: i32, %arg2: memref<2048x768xf32, #tpu.memory_space<hbm>>, %arg3: memref<2048xi32, #tpu.memory_space<hbm>>, %arg4: memref<2048xi32, #tpu.memory_space<hbm>>, %arg5: memref<4608x768xf32, #tpu.memory_space<hbm>>, %arg6: memref<64x768xf32, #tpu.memory_space<vmem>>, %arg7: memref<64xi32, #tpu.memory_space<vmem>>, %arg8: memref<64xi32, #tpu.memory_space<vmem>>, %arg9: memref<!tpu.dma_semaphore, #tpu.memory_space<semaphore_mem>>) attributes {dimension_semantics = [#tpu.dimension_semantics<core_parallel>, #tpu.dimension_semantics<subcore_parallel>], iteration_bounds = array<i64: 2, 16>, scalar_prefetch = 0 : i64, scratch_operands = 4 : i64, tpu.core_type = #tpu.core_type<sc_vector_subcore>, window_params = [{transform_indices = #map}, {transform_indices = #map1}, {transform_indices = #map1}, {transform_indices = #map}]} {
    %mul3A = arith.constant 16 : i32
    %mul3A_0 = arith.muli %arg0, %mul3A : i32
    %add3A = arith.addi %mul3A_0, %arg1 : i32
    %mul3A_1 = arith.constant 64 : i32
    %mul3A_2 = arith.muli %add3A, %mul3A_1 : i32
    "tpu.region"() ({
      %run_scoped3A = tpu.sem_alloc : memref<!tpu.dma_semaphore, #tpu.memory_space<semaphore_mem>>
      %dma_start3A_13 = tpu.memref_slice %arg3[%mul3A_2] : memref<2048xi32, #tpu.memory_space<hbm>> -> memref<64xi32, #tpu.memory_space<hbm>>
      %dma_start3A_14 = tpu.memref_slice %arg3[%mul3A_2] : memref<2048xi32, #tpu.memory_space<hbm>> -> memref<64xi32, #tpu.memory_space<hbm>>
      tpu.enqueue_dma source(%dma_start3A_14 : memref<64xi32, #tpu.memory_space<hbm>>) target(%arg7 : memref<64xi32, #tpu.memory_space<vmem>>) target_semaphore(%run_scoped3A : memref<!tpu.dma_semaphore, #tpu.memory_space<semaphore_mem>>)
      %dma_wait3A_15 = tpu.memref_slice %arg3[%mul3A_2] : memref<2048xi32, #tpu.memory_space<hbm>> -> memref<64xi32, #tpu.memory_space<hbm>>
      %dma_wait3A_16 = tpu.memref_slice %arg3[%mul3A_2] : memref<2048xi32, #tpu.memory_space<hbm>> -> memref<64xi32, #tpu.memory_space<hbm>>
      tpu.wait_dma2 semaphore(%run_scoped3A : memref<!tpu.dma_semaphore, #tpu.memory_space<semaphore_mem>>) src(%dma_wait3A_16 : memref<64xi32, #tpu.memory_space<hbm>>) dst(%arg7 : memref<64xi32, #tpu.memory_space<vmem>>)
      tpu.yield
    }) : () -> ()
    "tpu.region"() ({
      %run_scoped3A = tpu.sem_alloc : memref<!tpu.dma_semaphore, #tpu.memory_space<semaphore_mem>>
      %dma_start3A_13 = tpu.memref_slice %arg4[%mul3A_2] : memref<2048xi32, #tpu.memory_space<hbm>> -> memref<64xi32, #tpu.memory_space<hbm>>
      %dma_start3A_14 = tpu.memref_slice %arg4[%mul3A_2] : memref<2048xi32, #tpu.memory_space<hbm>> -> memref<64xi32, #tpu.memory_space<hbm>>
      tpu.enqueue_dma source(%dma_start3A_14 : memref<64xi32, #tpu.memory_space<hbm>>) target(%arg8 : memref<64xi32, #tpu.memory_space<vmem>>) target_semaphore(%run_scoped3A : memref<!tpu.dma_semaphore, #tpu.memory_space<semaphore_mem>>)
      %dma_wait3A_15 = tpu.memref_slice %arg4[%mul3A_2] : memref<2048xi32, #tpu.memory_space<hbm>> -> memref<64xi32, #tpu.memory_space<hbm>>
      %dma_wait3A_16 = tpu.memref_slice %arg4[%mul3A_2] : memref<2048xi32, #tpu.memory_space<hbm>> -> memref<64xi32, #tpu.memory_space<hbm>>
      tpu.wait_dma2 semaphore(%run_scoped3A : memref<!tpu.dma_semaphore, #tpu.memory_space<semaphore_mem>>) src(%dma_wait3A_16 : memref<64xi32, #tpu.memory_space<hbm>>) dst(%arg8 : memref<64xi32, #tpu.memory_space<vmem>>)
      tpu.yield
    }) : () -> ()
    "tpu.region"() ({
      %run_scoped3A = tpu.sem_alloc : memref<!tpu.dma_semaphore, #tpu.memory_space<semaphore_mem>>
      %dma_start3A_13 = arith.constant 0 : i32
      %dma_start3A_14 = tpu.memref_slice %arg2[%mul3A_2, %dma_start3A_13] : memref<2048x768xf32, #tpu.memory_space<hbm>> -> memref<64x768xf32, #tpu.memory_space<hbm>>
      %dma_start3A_15 = arith.constant 0 : i32
      %dma_start3A_16 = tpu.memref_slice %arg2[%mul3A_2, %dma_start3A_15] : memref<2048x768xf32, #tpu.memory_space<hbm>> -> memref<64x768xf32, #tpu.memory_space<hbm>>
      tpu.enqueue_dma source(%dma_start3A_16 : memref<64x768xf32, #tpu.memory_space<hbm>>) target(%arg6 : memref<64x768xf32, #tpu.memory_space<vmem>>) target_semaphore(%run_scoped3A : memref<!tpu.dma_semaphore, #tpu.memory_space<semaphore_mem>>)
      %dma_wait3A_17 = arith.constant 0 : i32
      %dma_wait3A_18 = tpu.memref_slice %arg2[%mul3A_2, %dma_wait3A_17] : memref<2048x768xf32, #tpu.memory_space<hbm>> -> memref<64x768xf32, #tpu.memory_space<hbm>>
      %dma_wait3A_19 = arith.constant 0 : i32
      %dma_wait3A_20 = tpu.memref_slice %arg2[%mul3A_2, %dma_wait3A_19] : memref<2048x768xf32, #tpu.memory_space<hbm>> -> memref<64x768xf32, #tpu.memory_space<hbm>>
      tpu.wait_dma2 semaphore(%run_scoped3A : memref<!tpu.dma_semaphore, #tpu.memory_space<semaphore_mem>>) src(%dma_wait3A_20 : memref<64x768xf32, #tpu.memory_space<hbm>>) dst(%arg6 : memref<64x768xf32, #tpu.memory_space<vmem>>)
      tpu.yield
    }) : () -> ()
    %dma_start3A = arith.constant 0 : i32
    %dma_start3A_3 = arith.constant 0 : i32
    %dma_start3A_4 = tpu.memref_slice %arg5[%dma_start3A, %dma_start3A_3] : memref<4608x768xf32, #tpu.memory_space<hbm>> -> memref<4608x768xf32, #tpu.memory_space<hbm>>
    tpu.enqueue_indirect_dma source(%arg6 : memref<64x768xf32, #tpu.memory_space<vmem>>) target(%dma_start3A_4 : memref<4608x768xf32, #tpu.memory_space<hbm>>) offsets(%arg7 : memref<64xi32, #tpu.memory_space<vmem>>) semaphore(%arg9 : memref<!tpu.dma_semaphore, #tpu.memory_space<semaphore_mem>>)
    %dma_start3A_5 = arith.constant 0 : i32
    %dma_start3A_6 = arith.constant 0 : i32
    %dma_start3A_7 = tpu.memref_slice %arg5[%dma_start3A_5, %dma_start3A_6] : memref<4608x768xf32, #tpu.memory_space<hbm>> -> memref<4608x768xf32, #tpu.memory_space<hbm>>
    tpu.enqueue_indirect_dma source(%arg6 : memref<64x768xf32, #tpu.memory_space<vmem>>) target(%dma_start3A_7 : memref<4608x768xf32, #tpu.memory_space<hbm>>) offsets(%arg8 : memref<64xi32, #tpu.memory_space<vmem>>) semaphore(%arg9 : memref<!tpu.dma_semaphore, #tpu.memory_space<semaphore_mem>>)
    %dma_wait3A = arith.constant 0 : i32
    %dma_wait3A_8 = arith.constant 0 : i32
    %dma_wait3A_9 = tpu.memref_slice %arg5[%dma_wait3A, %dma_wait3A_8] : memref<4608x768xf32, #tpu.memory_space<hbm>> -> memref<4608x768xf32, #tpu.memory_space<hbm>>
    tpu.wait_indirect_dma semaphore(%arg9 : memref<!tpu.dma_semaphore, #tpu.memory_space<semaphore_mem>>) src(%arg6 : memref<64x768xf32, #tpu.memory_space<vmem>>) dst(%dma_wait3A_9 : memref<4608x768xf32, #tpu.memory_space<hbm>>)
    %dma_wait3A_10 = arith.constant 0 : i32
    %dma_wait3A_11 = arith.constant 0 : i32
    %dma_wait3A_12 = tpu.memref_slice %arg5[%dma_wait3A_10, %dma_wait3A_11] : memref<4608x768xf32, #tpu.memory_space<hbm>> -> memref<4608x768xf32, #tpu.memory_space<hbm>>
    tpu.wait_indirect_dma semaphore(%arg9 : memref<!tpu.dma_semaphore, #tpu.memory_space<semaphore_mem>>) src(%arg6 : memref<64x768xf32, #tpu.memory_space<vmem>>) dst(%dma_wait3A_12 : memref<4608x768xf32, #tpu.memory_space<hbm>>)
    return
  }
}

module attributes {stable_mosaic.version = 14 : i64} {
  func.func @_router_body(%arg0: memref<2048x768xf32, #tpu.memory_space<vmem>>, %arg1: memref<768x8xf32, #tpu.memory_space<vmem>>, %arg2: memref<1x8xf32, #tpu.memory_space<vmem>>, %arg3: memref<2048x2xi32, #tpu.memory_space<vmem>>, %arg4: memref<2048x2xf32, #tpu.memory_space<vmem>>, %arg5: memref<1x1xf32, #tpu.memory_space<vmem>>) attributes {dimension_semantics = [], scalar_prefetch = 0 : i64, scratch_operands = 0 : i64, tpu.core_type = #tpu.core_type<tc>} {
    %get3A = arith.constant 0 : index
    %get3A_0 = arith.constant 0 : index
    %get3A_1 = vector.load %arg0[%get3A, %get3A_0] : memref<2048x768xf32, #tpu.memory_space<vmem>>, vector<2048x768xf32>
    %get3A_2 = arith.constant 0 : index
    %get3A_3 = arith.constant 0 : index
    %get3A_4 = vector.load %arg1[%get3A_2, %get3A_3] : memref<768x8xf32, #tpu.memory_space<vmem>>, vector<768x8xf32>
    %dot_general3A = arith.constant dense<0.000000e+00> : vector<2048x8xf32>
    %dot_general3A_5 = tpu.matmul %get3A_1, %get3A_4, %dot_general3A {dimension_numbers = #tpu.dot_dimension_numbers<[1], [0], [0], [1], [0, 0, 1, 1], [], []>, transpose_lhs_hint = false} : vector<2048x768xf32>, vector<768x8xf32>, vector<2048x8xf32> -> vector<2048x8xf32>
    %get3A_6 = arith.constant 0 : index
    %get3A_7 = arith.constant 0 : index
    %get3A_8 = vector.load %arg2[%get3A_6, %get3A_7] : memref<1x8xf32, #tpu.memory_space<vmem>>, vector<1x8xf32>
    %add3A = vector.broadcast %get3A_8 : vector<1x8xf32> to vector<2048x8xf32>
    %add3A_9 = arith.addf %dot_general3A_5, %add3A : vector<2048x8xf32>
    %mul3A = arith.mulf %add3A_9, %add3A_9 : vector<2048x8xf32>
    %reduce_sum3A = vector.shape_cast %mul3A : vector<2048x8xf32> to vector<1x2048x8xf32>
    %reduce_sum3A_10 = arith.constant dense<0.000000e+00> : vector<1xf32>
    %reduce_sum3A_11 = vector.multi_reduction <add>, %reduce_sum3A, %reduce_sum3A_10 [1, 2] : vector<1x2048x8xf32> to vector<1xf32>
    %reduce_sum3A_12 = vector.shape_cast %reduce_sum3A_11 : vector<1xf32> to vector<1x1x1xf32>
    %reduce_sum3A_13 = vector.extract %reduce_sum3A_12[0, 0, 0] : f32 from vector<1x1x1xf32>
    %broadcast_in_dim3A = vector.broadcast %reduce_sum3A_13 : f32 to vector<1x1xf32>
    %mul3A_14 = arith.constant 6.10351549E-7 : f32
    %mul3A_15 = vector.broadcast %mul3A_14 : f32 to vector<1x1xf32>
    %mul3A_16 = arith.mulf %broadcast_in_dim3A, %mul3A_15 : vector<1x1xf32>
    %swap3A = arith.constant 0 : index
    %swap3A_17 = arith.constant 0 : index
    %swap3A_18 = vector.load %arg5[%swap3A, %swap3A_17] : memref<1x1xf32, #tpu.memory_space<vmem>>, vector<1x1xf32>
    tpu.vector_store %arg5[%swap3A, %swap3A_17], %mul3A_16 {strides = array<i32>} : memref<1x1xf32, #tpu.memory_space<vmem>>, vector<1x1xf32>,
    %logistic3A = arith.negf %add3A_9 : vector<2048x8xf32>
    %logistic3A_19 = math.exp %logistic3A : vector<2048x8xf32>
    %logistic3A_20 = arith.constant 1.000000e+00 : f32
    %logistic3A_21 = vector.broadcast %logistic3A_20 : f32 to vector<2048x8xf32>
    %logistic3A_22 = arith.addf %logistic3A_21, %logistic3A_19 : vector<2048x8xf32>
    %logistic3A_23 = arith.divf %logistic3A_21, %logistic3A_22 : vector<2048x8xf32>
    %iota3A = tpu.iota {dimensions = array<i32: 1>} : vector<2048x8xi32>
    %reduce_max3A = arith.constant dense<0xFF800000> : vector<2048xf32>
    %reduce_max3A_24 = vector.multi_reduction <maximumf>, %logistic3A_23, %reduce_max3A [1] : vector<2048x8xf32> to vector<2048xf32>
    %broadcast_in_dim3A_25 = vector.shape_cast %reduce_max3A_24 : vector<2048xf32> to vector<2048x1xf32>
    %eq3A = vector.broadcast %broadcast_in_dim3A_25 : vector<2048x1xf32> to vector<2048x8xf32>
    %eq3A_26 = arith.cmpf oeq, %logistic3A_23, %eq3A : vector<2048x8xf32>
    %jit3A = arith.constant 8 : i32
    %broadcast_in_dim3A_27 = vector.broadcast %jit3A : i32 to vector<2048x8xi32>
    %select_n3A = arith.select %eq3A_26, %iota3A, %broadcast_in_dim3A_27 : vector<2048x8xi1>, vector<2048x8xi32>
    %reduce_min3A = arith.constant dense<2147483647> : vector<2048xi32>
    %reduce_min3A_28 = vector.multi_reduction <minsi>, %select_n3A, %reduce_min3A [1] : vector<2048x8xi32> to vector<2048xi32>
    %broadcast_in_dim3A_29 = vector.shape_cast %reduce_min3A_28 : vector<2048xi32> to vector<2048x1xi32>
    %eq3A_30 = vector.broadcast %broadcast_in_dim3A_29 : vector<2048x1xi32> to vector<2048x8xi32>
    %eq3A_31 = arith.cmpi eq, %iota3A, %eq3A_30 : vector<2048x8xi32>
    %jit3A_32 = arith.constant 0xFF800000 : f32
    %broadcast_in_dim3A_33 = vector.broadcast %jit3A_32 : f32 to vector<2048x8xf32>
    %select_n3A_34 = arith.select %eq3A_31, %broadcast_in_dim3A_33, %logistic3A_23 : vector<2048x8xi1>, vector<2048x8xf32>
    %reduce_max3A_35 = arith.constant dense<0xFF800000> : vector<2048xf32>
    %reduce_max3A_36 = vector.multi_reduction <maximumf>, %select_n3A_34, %reduce_max3A_35 [1] : vector<2048x8xf32> to vector<2048xf32>
    %broadcast_in_dim3A_37 = vector.shape_cast %reduce_max3A_36 : vector<2048xf32> to vector<2048x1xf32>
    %eq3A_38 = vector.broadcast %broadcast_in_dim3A_37 : vector<2048x1xf32> to vector<2048x8xf32>
    %eq3A_39 = arith.cmpf oeq, %select_n3A_34, %eq3A_38 : vector<2048x8xf32>
    %jit3A_40 = arith.constant 8 : i32
    %broadcast_in_dim3A_41 = vector.broadcast %jit3A_40 : i32 to vector<2048x8xi32>
    %select_n3A_42 = arith.select %eq3A_39, %iota3A, %broadcast_in_dim3A_41 : vector<2048x8xi1>, vector<2048x8xi32>
    %reduce_min3A_43 = arith.constant dense<2147483647> : vector<2048xi32>
    %reduce_min3A_44 = vector.multi_reduction <minsi>, %select_n3A_42, %reduce_min3A_43 [1] : vector<2048x8xi32> to vector<2048xi32>
    %broadcast_in_dim3A_45 = vector.shape_cast %reduce_min3A_44 : vector<2048xi32> to vector<2048x1xi32>
    %concatenate3A = tpu.concatenate %broadcast_in_dim3A_29, %broadcast_in_dim3A_45 in 1 : vector<2048x1xi32>, vector<2048x1xi32> -> vector<2048x2xi32>
    %swap3A_46 = arith.constant 0 : index
    %swap3A_47 = arith.constant 0 : index
    %swap3A_48 = vector.load %arg3[%swap3A_46, %swap3A_47] : memref<2048x2xi32, #tpu.memory_space<vmem>>, vector<2048x2xi32>
    tpu.vector_store %arg3[%swap3A_46, %swap3A_47], %concatenate3A {strides = array<i32>} : memref<2048x2xi32, #tpu.memory_space<vmem>>, vector<2048x2xi32>,
    %add3A_49 = arith.addf %broadcast_in_dim3A_25, %broadcast_in_dim3A_37 : vector<2048x1xf32>
    %add3A_50 = arith.constant 9.99999997E-7 : f32
    %add3A_51 = vector.broadcast %add3A_50 : f32 to vector<2048x1xf32>
    %add3A_52 = arith.addf %add3A_49, %add3A_51 : vector<2048x1xf32>
    %div3A = arith.constant 1.000000e+00 : f32
    %div3A_53 = vector.broadcast %div3A : f32 to vector<2048x1xf32>
    %div3A_54 = arith.divf %div3A_53, %add3A_52 : vector<2048x1xf32>
    %mul3A_55 = arith.mulf %broadcast_in_dim3A_25, %div3A_54 : vector<2048x1xf32>
    %mul3A_56 = arith.mulf %broadcast_in_dim3A_37, %div3A_54 : vector<2048x1xf32>
    %concatenate3A_57 = tpu.concatenate %mul3A_55, %mul3A_56 in 1 : vector<2048x1xf32>, vector<2048x1xf32> -> vector<2048x2xf32>
    %swap3A_58 = arith.constant 0 : index
    %swap3A_59 = arith.constant 0 : index
    %swap3A_60 = vector.load %arg4[%swap3A_58, %swap3A_59] : memref<2048x2xf32, #tpu.memory_space<vmem>>, vector<2048x2xf32>
    tpu.vector_store %arg4[%swap3A_58, %swap3A_59], %concatenate3A_57 {strides = array<i32>} : memref<2048x2xf32, #tpu.memory_space<vmem>>, vector<2048x2xf32>,
    return
  }
}

module attributes {stable_mosaic.version = 14 : i64} {
  func.func @_expert_body(%arg0: i32, %arg1: i32, %arg2: memref<16xi32, #tpu.memory_space<smem>>, %arg3: memref<16xi32, #tpu.memory_space<smem>>, %arg4: memref<4608x768xf32, #tpu.memory_space<vmem>>, %arg5: memref<1x768x256xf32, #tpu.memory_space<vmem>>, %arg6: memref<1x768x256xf32, #tpu.memory_space<vmem>>, %arg7: memref<1x256x768xf32, #tpu.memory_space<vmem>>, %arg8: memref<4608x768xf32, #tpu.memory_space<vmem>>) attributes {dimension_semantics = [#tpu.dimension_semantics<arbitrary>, #tpu.dimension_semantics<arbitrary>], iteration_bounds = array<i64: 8, 8>, scalar_prefetch = 2 : i64, scratch_operands = 0 : i64, tpu.core_type = #tpu.core_type<tc>, window_params = [{pipeline_mode = #tpu.pipeline_mode<synchronous>, transform_indices = @transform_0, window_bounds = array<i64: 4608, 768>}, {transform_indices = @transform_1, window_bounds = array<i64: 1, 768, 256>}, {transform_indices = @transform_2, window_bounds = array<i64: 1, 768, 256>}, {transform_indices = @transform_3, window_bounds = array<i64: 1, 256, 768>}, {pipeline_mode = #tpu.pipeline_mode<synchronous>, transform_indices = @transform_4, window_bounds = array<i64: 4608, 768>}]} {
    %get3A = arith.index_cast %arg0 : i32 to index
    %get3A_0 = memref.load %arg2[%get3A] : memref<16xi32, #tpu.memory_space<smem>>
    %get3A_1 = arith.index_cast %arg0 : i32 to index
    %get3A_2 = memref.load %arg3[%get3A_1] : memref<16xi32, #tpu.memory_space<smem>>
    %add3A = arith.constant 255 : i32
    %add3A_3 = arith.addi %get3A_2, %add3A : i32
    %jit3A = arith.constant 256 : i32
    %div3A = arith.divsi %add3A_3, %jit3A : i32
    %sign3A = arith.constant 0 : i32
    %sign3A_4 = arith.cmpi sgt, %add3A_3, %sign3A : i32
    %sign3A_5 = arith.extui %sign3A_4 : i1 to i32
    %sign3A_6 = arith.constant 0 : i32
    %sign3A_7 = arith.cmpi slt, %add3A_3, %sign3A_6 : i32
    %sign3A_8 = arith.extui %sign3A_7 : i1 to i32
    %sign3A_9 = arith.subi %sign3A_5, %sign3A_8 : i32
    %sign3A_10 = arith.constant 0 : i32
    %sign3A_11 = arith.cmpi sgt, %jit3A, %sign3A_10 : i32
    %sign3A_12 = arith.extui %sign3A_11 : i1 to i32
    %sign3A_13 = arith.constant 0 : i32
    %sign3A_14 = arith.cmpi slt, %jit3A, %sign3A_13 : i32
    %sign3A_15 = arith.extui %sign3A_14 : i1 to i32
    %sign3A_16 = arith.subi %sign3A_12, %sign3A_15 : i32
    %ne3A = arith.cmpi ne, %sign3A_9, %sign3A_16 : i32
    %rem3A = arith.remsi %add3A_3, %jit3A : i32
    %ne3A_17 = arith.constant 0 : i32
    %ne3A_18 = arith.cmpi ne, %rem3A, %ne3A_17 : i32
    %and3A = arith.andi %ne3A, %ne3A_18 : i1
    %sub3A = arith.constant 1 : i32
    %sub3A_19 = arith.subi %div3A, %sub3A : i32
    %select_n3A = arith.select %and3A, %sub3A_19, %div3A : i32
    %get3A_20 = arith.constant 0 : index
    %get3A_21 = arith.constant 0 : index
    %get3A_22 = arith.constant 0 : index
    %get3A_23 = vector.load %arg5[%get3A_20, %get3A_21, %get3A_22] : memref<1x768x256xf32, #tpu.memory_space<vmem>>, vector<1x768x256xf32>
    %get3A_24 = vector.shape_cast %get3A_23 : vector<1x768x256xf32> to vector<768x256xf32>
    %convert_element_type3A = arith.truncf %get3A_24 : vector<768x256xf32> to vector<768x256xbf16>
    %get3A_25 = arith.constant 0 : index
    %get3A_26 = arith.constant 0 : index
    %get3A_27 = arith.constant 0 : index
    %get3A_28 = vector.load %arg6[%get3A_25, %get3A_26, %get3A_27] : memref<1x768x256xf32, #tpu.memory_space<vmem>>, vector<1x768x256xf32>
    %get3A_29 = vector.shape_cast %get3A_28 : vector<1x768x256xf32> to vector<768x256xf32>
    %convert_element_type3A_30 = arith.truncf %get3A_29 : vector<768x256xf32> to vector<768x256xbf16>
    %get3A_31 = arith.constant 0 : index
    %get3A_32 = arith.constant 0 : index
    %get3A_33 = arith.constant 0 : index
    %get3A_34 = vector.load %arg7[%get3A_31, %get3A_32, %get3A_33] : memref<1x256x768xf32, #tpu.memory_space<vmem>>, vector<1x256x768xf32>
    %get3A_35 = vector.shape_cast %get3A_34 : vector<1x256x768xf32> to vector<256x768xf32>
    %convert_element_type3A_36 = arith.truncf %get3A_35 : vector<256x768xf32> to vector<256x768xbf16>
    %while3A = arith.constant 0 : i32
    %while3A_37 = arith.constant 0 : i32
    %while3A_38 = arith.subi %select_n3A, %while3A_37 : i32
    %while3A_39 = arith.addi %while3A_37, %while3A_38 : i32
    %while3A_40 = arith.constant 1 : i32
    %while3A_41 = arith.divsi %while3A_38, %while3A_40 : i32
    %while3A_42 = arith.muli %while3A_41, %while3A_40 : i32
    %while3A_43 = arith.addi %while3A_37, %while3A_42 : i32
    %while3A_44 = arith.constant 1 : i32
    scf.for %while3A_46 = %while3A_37 to %while3A_43 step %while3A_44  : i32 {
      %mul3A = arith.constant 256 : i32
      %mul3A_47 = arith.muli %while3A_46, %mul3A : i32
      %add3A_48 = arith.addi %get3A_0, %mul3A_47 : i32
      %multiple_of3A = tpu.assume_multiple %add3A_48, 8 : i32
      %get3A_49 = arith.index_cast %multiple_of3A : i32 to index
      %get3A_50 = arith.constant 0 : index
      %get3A_51 = vector.load %arg4[%get3A_49, %get3A_50] : memref<4608x768xf32, #tpu.memory_space<vmem>>, vector<256x768xf32>
      %convert_element_type3A_52 = arith.truncf %get3A_51 : vector<256x768xf32> to vector<256x768xbf16>
      %dot_general3A = arith.constant dense<0.000000e+00> : vector<256x256xf32>
      %dot_general3A_53 = tpu.matmul %convert_element_type3A_52, %convert_element_type3A, %dot_general3A {dimension_numbers = #tpu.dot_dimension_numbers<[1], [0], [0], [1], [0, 0, 1, 1], [], []>, transpose_lhs_hint = false} : vector<256x768xbf16>, vector<768x256xbf16>, vector<256x256xf32> -> vector<256x256xf32>
      %dot_general3A_54 = arith.constant dense<0.000000e+00> : vector<256x256xf32>
      %dot_general3A_55 = tpu.matmul %convert_element_type3A_52, %convert_element_type3A_30, %dot_general3A_54 {dimension_numbers = #tpu.dot_dimension_numbers<[1], [0], [0], [1], [0, 0, 1, 1], [], []>, transpose_lhs_hint = false} : vector<256x768xbf16>, vector<768x256xbf16>, vector<256x256xf32> -> vector<256x256xf32>
      %logistic3A = arith.negf %dot_general3A_53 : vector<256x256xf32>
      %logistic3A_56 = math.exp %logistic3A : vector<256x256xf32>
      %logistic3A_57 = arith.constant 1.000000e+00 : f32
      %logistic3A_58 = vector.broadcast %logistic3A_57 : f32 to vector<256x256xf32>
      %logistic3A_59 = arith.addf %logistic3A_58, %logistic3A_56 : vector<256x256xf32>
      %logistic3A_60 = arith.divf %logistic3A_58, %logistic3A_59 : vector<256x256xf32>
      %mul3A_61 = arith.mulf %dot_general3A_53, %logistic3A_60 : vector<256x256xf32>
      %mul3A_62 = arith.mulf %mul3A_61, %dot_general3A_55 : vector<256x256xf32>
      %convert_element_type3A_63 = arith.truncf %mul3A_62 : vector<256x256xf32> to vector<256x256xbf16>
      %dot_general3A_64 = arith.constant dense<0.000000e+00> : vector<256x768xf32>
      %dot_general3A_65 = tpu.matmul %convert_element_type3A_63, %convert_element_type3A_36, %dot_general3A_64 {dimension_numbers = #tpu.dot_dimension_numbers<[1], [0], [0], [1], [0, 0, 1, 1], [], []>, transpose_lhs_hint = false} : vector<256x256xbf16>, vector<256x768xbf16>, vector<256x768xf32> -> vector<256x768xf32>
      %eq3A = arith.constant 0 : i32
      %eq3A_66 = arith.cmpi eq, %arg1, %eq3A : i32
      %convert_element_type3A_67 = arith.extui %eq3A_66 : i1 to i32
      %cond3A = arith.constant 0 : i32
      %cond3A_68 = arith.cmpi ne, %convert_element_type3A_67, %cond3A : i32
      scf.if %cond3A_68 {
        %swap3A = arith.index_cast %multiple_of3A : i32 to index
        %swap3A_74 = arith.constant 0 : index
        %swap3A_75 = vector.load %arg8[%swap3A, %swap3A_74] : memref<4608x768xf32, #tpu.memory_space<vmem>>, vector<256x768xf32>
        tpu.vector_store %arg8[%swap3A, %swap3A_74], %dot_general3A_65 {strides = array<i32>} : memref<4608x768xf32, #tpu.memory_space<vmem>>, vector<256x768xf32>,
      } else {
      }
      %ne3A_69 = arith.constant 0 : i32
      %ne3A_70 = arith.cmpi ne, %arg1, %ne3A_69 : i32
      %convert_element_type3A_71 = arith.extui %ne3A_70 : i1 to i32
      %cond3A_72 = arith.constant 0 : i32
      %cond3A_73 = arith.cmpi ne, %convert_element_type3A_71, %cond3A_72 : i32
      scf.if %cond3A_73 {
        %get3A_74 = arith.index_cast %multiple_of3A : i32 to index
        %get3A_75 = arith.constant 0 : index
        %get3A_76 = vector.load %arg8[%get3A_74, %get3A_75] : memref<4608x768xf32, #tpu.memory_space<vmem>>, vector<256x768xf32>
        %add3A_77 = arith.addf %get3A_76, %dot_general3A_65 : vector<256x768xf32>
        %swap3A = arith.index_cast %multiple_of3A : i32 to index
        %swap3A_78 = arith.constant 0 : index
        %swap3A_79 = vector.load %arg8[%swap3A, %swap3A_78] : memref<4608x768xf32, #tpu.memory_space<vmem>>, vector<256x768xf32>
        tpu.vector_store %arg8[%swap3A, %swap3A_78], %add3A_77 {strides = array<i32>} : memref<4608x768xf32, #tpu.memory_space<vmem>>, vector<256x768xf32>,
      } else {
      }
    }
    %while3A_45 = arith.constant 1 : i32
    scf.for %while3A_46 = %while3A_43 to %while3A_39 step %while3A_45  : i32 {
      %mul3A = arith.constant 256 : i32
      %mul3A_47 = arith.muli %while3A_46, %mul3A : i32
      %add3A_48 = arith.addi %get3A_0, %mul3A_47 : i32
      %multiple_of3A = tpu.assume_multiple %add3A_48, 8 : i32
      %get3A_49 = arith.index_cast %multiple_of3A : i32 to index
      %get3A_50 = arith.constant 0 : index
      %get3A_51 = vector.load %arg4[%get3A_49, %get3A_50] : memref<4608x768xf32, #tpu.memory_space<vmem>>, vector<256x768xf32>
      %convert_element_type3A_52 = arith.truncf %get3A_51 : vector<256x768xf32> to vector<256x768xbf16>
      %dot_general3A = arith.constant dense<0.000000e+00> : vector<256x256xf32>
      %dot_general3A_53 = tpu.matmul %convert_element_type3A_52, %convert_element_type3A, %dot_general3A {dimension_numbers = #tpu.dot_dimension_numbers<[1], [0], [0], [1], [0, 0, 1, 1], [], []>, transpose_lhs_hint = false} : vector<256x768xbf16>, vector<768x256xbf16>, vector<256x256xf32> -> vector<256x256xf32>
      %dot_general3A_54 = arith.constant dense<0.000000e+00> : vector<256x256xf32>
      %dot_general3A_55 = tpu.matmul %convert_element_type3A_52, %convert_element_type3A_30, %dot_general3A_54 {dimension_numbers = #tpu.dot_dimension_numbers<[1], [0], [0], [1], [0, 0, 1, 1], [], []>, transpose_lhs_hint = false} : vector<256x768xbf16>, vector<768x256xbf16>, vector<256x256xf32> -> vector<256x256xf32>
      %logistic3A = arith.negf %dot_general3A_53 : vector<256x256xf32>
      %logistic3A_56 = math.exp %logistic3A : vector<256x256xf32>
      %logistic3A_57 = arith.constant 1.000000e+00 : f32
      %logistic3A_58 = vector.broadcast %logistic3A_57 : f32 to vector<256x256xf32>
      %logistic3A_59 = arith.addf %logistic3A_58, %logistic3A_56 : vector<256x256xf32>
      %logistic3A_60 = arith.divf %logistic3A_58, %logistic3A_59 : vector<256x256xf32>
      %mul3A_61 = arith.mulf %dot_general3A_53, %logistic3A_60 : vector<256x256xf32>
      %mul3A_62 = arith.mulf %mul3A_61, %dot_general3A_55 : vector<256x256xf32>
      %convert_element_type3A_63 = arith.truncf %mul3A_62 : vector<256x256xf32> to vector<256x256xbf16>
      %dot_general3A_64 = arith.constant dense<0.000000e+00> : vector<256x768xf32>
      %dot_general3A_65 = tpu.matmul %convert_element_type3A_63, %convert_element_type3A_36, %dot_general3A_64 {dimension_numbers = #tpu.dot_dimension_numbers<[1], [0], [0], [1], [0, 0, 1, 1], [], []>, transpose_lhs_hint = false} : vector<256x256xbf16>, vector<256x768xbf16>, vector<256x768xf32> -> vector<256x768xf32>
      %eq3A = arith.constant 0 : i32
      %eq3A_66 = arith.cmpi eq, %arg1, %eq3A : i32
      %convert_element_type3A_67 = arith.extui %eq3A_66 : i1 to i32
      %cond3A = arith.constant 0 : i32
      %cond3A_68 = arith.cmpi ne, %convert_element_type3A_67, %cond3A : i32
      scf.if %cond3A_68 {
        %swap3A = arith.index_cast %multiple_of3A : i32 to index
        %swap3A_74 = arith.constant 0 : index
        %swap3A_75 = vector.load %arg8[%swap3A, %swap3A_74] : memref<4608x768xf32, #tpu.memory_space<vmem>>, vector<256x768xf32>
        tpu.vector_store %arg8[%swap3A, %swap3A_74], %dot_general3A_65 {strides = array<i32>} : memref<4608x768xf32, #tpu.memory_space<vmem>>, vector<256x768xf32>,
      } else {
      }
      %ne3A_69 = arith.constant 0 : i32
      %ne3A_70 = arith.cmpi ne, %arg1, %ne3A_69 : i32
      %convert_element_type3A_71 = arith.extui %ne3A_70 : i1 to i32
      %cond3A_72 = arith.constant 0 : i32
      %cond3A_73 = arith.cmpi ne, %convert_element_type3A_71, %cond3A_72 : i32
      scf.if %cond3A_73 {
        %get3A_74 = arith.index_cast %multiple_of3A : i32 to index
        %get3A_75 = arith.constant 0 : index
        %get3A_76 = vector.load %arg8[%get3A_74, %get3A_75] : memref<4608x768xf32, #tpu.memory_space<vmem>>, vector<256x768xf32>
        %add3A_77 = arith.addf %get3A_76, %dot_general3A_65 : vector<256x768xf32>
        %swap3A = arith.index_cast %multiple_of3A : i32 to index
        %swap3A_78 = arith.constant 0 : index
        %swap3A_79 = vector.load %arg8[%swap3A, %swap3A_78] : memref<4608x768xf32, #tpu.memory_space<vmem>>, vector<256x768xf32>
        tpu.vector_store %arg8[%swap3A, %swap3A_78], %add3A_77 {strides = array<i32>} : memref<4608x768xf32, #tpu.memory_space<vmem>>, vector<256x768xf32>,
      } else {
      }
    }
    return
  }
  func.func @transform_0(%arg0: i32, %arg1: i32, %arg2: memref<16xi32, #tpu.memory_space<smem>>, %arg3: memref<16xi32, #tpu.memory_space<smem>>) -> (i32, i32) {
    %c0_i32 = arith.constant 0 : i32
    %c0_i32_0 = arith.constant 0 : i32
    %c0_i32_1 = arith.constant 0 : i32
    return %c0_i32, %c0_i32_0 : i32, i32
  }
  func.func @transform_1(%arg0: i32, %arg1: i32, %arg2: memref<16xi32, #tpu.memory_space<smem>>, %arg3: memref<16xi32, #tpu.memory_space<smem>>) -> (i32, i32, i32) {
    %c0_i32 = arith.constant 0 : i32
    %c0_i32_0 = arith.constant 0 : i32
    return %arg0, %c0_i32, %arg1 : i32, i32, i32
  }
  func.func @transform_2(%arg0: i32, %arg1: i32, %arg2: memref<16xi32, #tpu.memory_space<smem>>, %arg3: memref<16xi32, #tpu.memory_space<smem>>) -> (i32, i32, i32) {
    %add3A = arith.constant 8 : i32
    %add3A_0 = arith.addi %arg1, %add3A : i32
    %c0_i32 = arith.constant 0 : i32
    %c0_i32_1 = arith.constant 0 : i32
    return %arg0, %c0_i32, %add3A_0 : i32, i32, i32
  }
  func.func @transform_3(%arg0: i32, %arg1: i32, %arg2: memref<16xi32, #tpu.memory_space<smem>>, %arg3: memref<16xi32, #tpu.memory_space<smem>>) -> (i32, i32, i32) {
    %c0_i32 = arith.constant 0 : i32
    %c0_i32_0 = arith.constant 0 : i32
    return %arg0, %arg1, %c0_i32 : i32, i32, i32
  }
  func.func @transform_4(%arg0: i32, %arg1: i32, %arg2: memref<16xi32, #tpu.memory_space<smem>>, %arg3: memref<16xi32, #tpu.memory_space<smem>>) -> (i32, i32) {
    %c0_i32 = arith.constant 0 : i32
    %c0_i32_0 = arith.constant 0 : i32
    %c0_i32_1 = arith.constant 0 : i32
    return %c0_i32, %c0_i32_0 : i32, i32
  }
}

</mosaic_0001>

<sc_bundles>
// kernel: kernel.10.cloned.1.call-start
scs
__scs_entry_jumppad:
0x0: {  	(pc) =	sbr.rel $0x88, $3  }
0x1: {  	(tag) =	ssettag $0x0;
	lr =	simm.s32 $0x1  }
0x2: {  	[smem:$0x3F9C] =	sst lr;
	_ =	strace $0xD0000000  }
0x3: {  	_ = 	snop  }
0x4: {  	_ = 	snop  }
0x5: {  	_ = 	snop  }
0x6: {  	_ = 	snop  }
0x7: {  	_ = 	snop  }
__scs_overlays_trampoline_lowered:
0x8: {  	[smem:$0x3FAB] =	sst s0  }
0x9: {  	[smem:$0x3FAC] =	sst s1  }
0xa: {  	[smem:$0x3FAD] =	sst s2  }
0xb: {  	[smem:$0x3FAE] =	sst s3  }
0xc: {  	[smem:$0x3FAF] =	sst s4  }
0xd: {  	[smem:$0x3FB0] =	sst s5  }
0xe: {  	[smem:$0x3FB1] =	sst s6  }
0xf: {  	[smem:$0x3FB2] =	sst s7  }
0x10: {  	[smem:$0x3FB3] =	sst s8  }
0x11: {  	[smem:$0x3FB4] =	sst s9;
	s0 =	simm.s32 @!p0 $0x0  }
0x12: {  	s1 =	sld [smem:$0x3F9A];
	s0 =	simm.s32 @p0 $0x1  }
0x13: {  	[smem:$0x3FB5] =	sst s0;
	s0 =	simm.s32 @!p1 $0x0  }
0x14: {  	s2 =	sld [smem:$0x3F99];
	s0 =	simm.s32 @p1 $0x1  }
0x15: {  	[smem:$0x3FB6] =	sst s0;
	s0 =	simm.s32 @!p2 $0x0  }
0x16: {  	s3 =	sld [smem:$0x3FDB];
	s0 =	simm.s32 @p2 $0x1  }
0x17: {  	s4 =	simm.s32 $0x1BF5;
	[smem:$0x3FB8] =	sst s0  }
0x18: {  	s0 =	sld [smem:$0x3F9B];
	_ =	swait.ge [sflag:s4], $0x0  }
0x19: {  	s7 =	sld [smem:$0x3F9C]  }
0x1a: {  	s8 =	sadd.s32 $0xFFFFE003, lr  }
0x1b: {  	s9 =	sadd.s32 $0xFFFFFEF7, lr;
	s5 =	simm.s32 $0xFFFFFFFF;
	p2 =	slt.u32 s8, $0xFFFFF086  }
0x1c: {  	p1 =	slt.u32 s9, $0xF7A;
	s5 =	simm.s32 @!p2 $0x0  }
0x1d: {  	s5 =	simm.s32 @p1 $0x1;
	p0 =	seq.s32 s7, s2  }
0x1e: {  	s7 =	smul.u32 @!p0 $0xF7A, s2;
	p2 =	seq.s32 @!p0 s5, $0x0  }
0x1f: {  	s9 =	smul.u32 $0xF7A, s1;
	s8 =	simm.s32 @!p0 $0x1BF5;
	p2 =	por !p2, p0  }
0x20: {  	[sflag:s8] =	ssyncset.s32 @!p0 $0xFFFFF086;
	s6 =	sadd.s32 @!p0 s3, s7;
	s7 =	simm.s32 @!p0 $0x108  }
0x21: {  	s3 =	sadd.s32 s3, s9;
	s6 =	sadd.s32 @!p0 $0x88, s6;
	s7 =	simm.s32 @p2 $0x1082  }
0x22: {  	[simem:s7], [sflag:s8] =	dma.local @!p0 [hbm:s6], $0xF7A  }
0x23: {  	s9 =	sor.u32 $0xD0000000, s2;
	s6 =	simm.s32 $0x108;
	_ =	swait.ge @!p0 [sflag:s8], $0x0  }
0x24: {  	s3 =	sadd.s32 $0x88, s3;
	s6 =	simm.s32 @!p1 $0x1082;
	[sflag:s4] =	ssyncset.s32 $0xFFFFF086  }
0x25: {  	[simem:s6], [sflag:s4] =	dma.local [hbm:s3], $0xF7A  }
0x26: {  	[smem:$0x3F9C] =	sst s1;
	(tag) =	ssettag s2;
	_ =	strace s9  }
0x27: {  	s1 =	sld [smem:$0x3FAC]  }
0x28: {  	s2 =	sld [smem:$0x3FAD]  }
0x29: {  	s4 =	sld [smem:$0x3FAF]  }
0x2a: {  	p0 =	seq.s32 s5, $0x0;
	s5 =	sld [smem:$0x3FB0]  }
0x2b: {  	s6 =	sld [smem:$0x3FB1]  }
0x2c: {  	s7 =	sld [smem:$0x3FB2]  }
0x2d: {  	s3 =	simm.s32 $0x108;
	s8 =	sld [smem:$0x3FB3]  }
0x2e: {  	s3 =	simm.s32 @!p0 $0x1082;
	s9 =	sld [smem:$0x3FB4]  }
0x2f: {  	lr =	sadd.s32 s0, s3;
	s0 =	sld [smem:$0x3FAB]  }
0x30: {  	s3 =	sld [smem:$0x3FAE]  }
0x31: {  	[smem:$0x3FB7] =	sst s10  }
0x32: {  	s10 =	sld [smem:$0x3FB5];
	_ =	sdelay $0x3  }
0x33: {  	p0 =	seq.s32 s10, $0x1;
	s10 =	sld [smem:$0x3FB7];
	_ =	sdelay $0x3  }
0x34: {  	[smem:$0x3FB7] =	sst s10  }
0x35: {  	s10 =	sld [smem:$0x3FB6];
	_ =	sdelay $0x3  }
0x36: {  	p1 =	seq.s32 s10, $0x1;
	s10 =	sld [smem:$0x3FB7];
	_ =	sdelay $0x3  }
0x37: {  	[smem:$0x3FB7] =	sst s10  }
0x38: {  	s10 =	sld [smem:$0x3FB8]  }
0x39: {  	_ = 	snop;
	(pc) =	sbr.ind lr, $3  }
0x3a: {  	_ = 	snop  }
0x3b: {  	_ = 	snop  }
0x3c: {  	p2 =	seq.s32 s10, $0x1;
	s10 =	sld [smem:$0x3FB7]  }
0x3d: {  	_ =	shalt  }
0x3e: {  	_ =	shalt  }
0x3f: {  	_ =	shalt  }
0x40: {  	_ =	shalt  }
0x41: {  	_ =	shalt  }
0x42: {  	_ =	shalt  }
0x43: {  	_ =	shalt  }
0x44: {  	_ =	shalt  }
0x45: {  	_ =	shalt  }
0x46: {  	_ =	shalt  }
0x47: {  	_ =	shalt  }
0x48: {  	_ =	shalt  }
0x49: {  	_ =	shalt  }
0x4a: {  	_ =	shalt  }
0x4b: {  	_ =	shalt  }
0x4c: {  	_ =	shalt  }
0x4d: {  	_ =	shalt  }
0x4e: {  	_ =	shalt  }
0x4f: {  	_ =	shalt  }
0x50: {  	_ =	shalt  }
0x51: {  	_ =	shalt  }
0x52: {  	_ =	shalt  }
0x53: {  	_ =	shalt  }
0x54: {  	_ =	shalt  }
0x55: {  	_ =	shalt  }
0x56: {  	_ =	shalt  }
0x57: {  	_ =	shalt  }
0x58: {  	_ =	shalt  }
0x59: {  	_ =	shalt  }
0x5a: {  	_ =	shalt  }
0x5b: {  	_ =	shalt  }
0x5c: {  	_ =	shalt  }
0x5d: {  	_ =	shalt  }
0x5e: {  	_ =	shalt  }
0x5f: {  	_ =	shalt  }
0x60: {  	_ =	shalt  }
0x61: {  	_ =	shalt  }
0x62: {  	_ =	shalt  }
0x63: {  	_ =	shalt  }
0x64: {  	_ =	shalt  }
0x65: {  	_ =	shalt  }
0x66: {  	_ =	shalt  }
0x67: {  	_ =	shalt  }
0x68: {  	_ =	shalt  }
0x69: {  	_ =	shalt  }
0x6a: {  	_ =	shalt  }
0x6b: {  	_ =	shalt  }
0x6c: {  	_ =	shalt  }
0x6d: {  	_ =	shalt  }
0x6e: {  	_ =	shalt  }
0x6f: {  	_ =	shalt  }
0x70: {  	_ =	shalt  }
0x71: {  	_ =	shalt  }
0x72: {  	_ =	shalt  }
0x73: {  	_ =	shalt  }
0x74: {  	_ =	shalt  }
0x75: {  	_ =	shalt  }
0x76: {  	_ =	shalt  }
0x77: {  	_ =	shalt  }
0x78: {  	_ =	shalt  }
0x79: {  	_ =	shalt  }
0x7a: {  	_ =	shalt  }
0x7b: {  	_ =	shalt  }
0x7c: {  	_ =	shalt  }
0x7d: {  	_ =	shalt  }
0x7e: {  	_ =	shalt  }
0x7f: {  	_ =	shalt  }
0x80: {  	_ =	shalt  }
0x81: {  	_ =	shalt  }
0x82: {  	_ =	shalt  }
0x83: {  	_ =	shalt  }
0x84: {  	_ =	shalt  }
0x85: {  	_ =	shalt  }
0x86: {  	_ =	shalt  }
0x87: {  	_ =	shalt  }
.Lfunc_end0:
.L_simem_size_0:
called_computation.1_lowered:
.L_overlay_start_0:
0x88: {  	s2 =	sld [smem:$0x3FD9]  }
0x89: {  	s3 =	sld [smem:$0x3FFE];
	_ =	sdelay $0x1  }
0x8a: {  	s1 =	srdreg.scid  }
0x8b: {  	s0 =	sand.u32 $0x1, s1  }
0x8c: {  	s17 =	sshll.u32 s0, $0xA;
	s2 =	sadd.s32 s3, s2  }
0x8d: {  	s2 =	sadd.s32 s2, s17  }
0x8e: {  	[smem:$0x3FC3] =	sst s2  }
0x8f: {  	_ = 	snop  }
0x90: {  	s2 =	sld [smem:$0x3FC9];
	(tm) =	ssettm $0x1  }
0x91: {  	s18 =	sld [smem:$0x3FFB];
	_ =	sdelay $0x3  }
0x92: {  	_ =	strace s18  }
0x93: {  	s3 =	sld [smem:$0x3FFC];
	_ =	sdelay $0x3  }
0x94: {  	_ =	strace s3  }
0x95: {  	s3 =	sld [smem:$0x3FFD];
	_ =	sdelay $0x3  }
0x96: {  	_ =	strace s3  }
0x97: {  	_ =	strace $0x8FFFFFFF  }
0x98: {  	s19 =	sld [smem:$0x3FDB];
	_ =	sdelay $0x1  }
0x99: {  	s4 =	simm.s32 $_scs_section_size  }
0x9a: {  	s5 =	simm.s32 $_size__tile_overlayer_lowered;
	s6 =	simm.s32 $_tile_overlayer_lowered  }
0x9b: {  	s22 =	simm.s32 $0x1BFF;
	s21 =	sshll.u32 s6, $0x1;
	s3 =	sadd.s32 s4, s19  }
0x9c: {  	s7 =	simm.s32 $0x0;
	s20 =	sshll.u32 s5, $0x1;
	s5 =	sadd.s32 s21, s3  }
0x9d: {  	[timem:s7], [sflag:s22] =	dma.local [hbm:s5], s20  }
0x9e: {  	_ =	swait.ge [sflag:s22], s20  }
0x9f: {  	s4 =	ssub.s32 $0x0, s20;
	[sflag:s22] =	ssyncset.done $0x0  }
0xa0: {  	[sflag:s22] =	ssyncadd.s32 s4;
	_ =	sdelay $0x1  }
0xa1: {  	s23 =	simm.s32 $0x1B8B  }
0xa2: {  	_ =	swait.ge [sflag:s23], $0x1  }
0xa3: {  	[sflag:s23] =	ssyncset.done $0x0  }
0xa4: {  	s25 =	simm.s32 $0x1B8E;
	s24 =	sld [smem:$0x3FFE];
	[sflag:s23] =	ssyncadd.s32 $0xFFFFFFFF  }
0xa5: {  	s26 =	simm.s32 $execute0_lowered;
	[smem:$0x3FD2] =	sst s25  }
0xa6: {  	s5 =	sshll.u32 s26, $0x1;
	_ =	strace $0x80000049;
	[dreg:$0x1] =	wrdreg $0xFFFFFFFF  }
0xa7: {  	s28 =	simm.s32 $_size_execute0_lowered;
	s3 =	sadd.s32 s3, s5;
	[dreg:$0x0] =	wrdreg $0x0  }
0xa8: {  	s5 =	sshll.u32 s28, $0x1;
	[dreg:$0x2] =	wrdreg s3  }
0xa9: {  	[dreg:$0x3] =	wrdreg s5  }
0xaa: {  	[dreg:$0x4] =	wrdreg $0xC0  }
0xab: {  	_ =	task [dreg:s7], $0x5FFFF  }
0xac: {  	[dreg:$0x1] =	wrdreg $0xFFFFFFFF  }
0xad: {  	[dreg:$0x0] =	wrdreg $0x60  }
0xae: {  	[dreg:$0x2] =	wrdreg s2  }
0xaf: {  	[dreg:$0x3] =	wrdreg s24  }
0xb0: {  	[dreg:$0x4] =	wrdreg $0x9  }
0xb1: {  	_ =	task.clear_ibuf [dreg:s7], $0x5FFFF;
	_ =	strace $0x90000049  }
0xb2: {  	s29 =	simm.s32 $0x9;
	_ =	strace $0x8000004B  }
0xb3: {  	_ =	swait.ge [sflag:s29], $0x1  }
0xb4: {  	[sflag:s29] =	ssyncadd.s32 $0xFFFFFFFF  }
0xb5: {  	_ =	strace $0x9000004B  }
0xb6: {  	_ =	sfence  }
0xb7: {  	s30 =	sld [smem:$0x0];
	_ =	sdelay $0x2  }
0xb8: {  	s31 =	sshll.u32 s1, $0xD;
	s1 =	sshrl.u32 s1, $0x2  }
0xb9: {  	s3 =	sand.u32 $0x4000, s31;
	s1 =	sadd.s32 s1, s30  }
0xba: {  	s0 =	sor.u32 s3, s0;
	s1 =	sshll.u32 s1, $0x11  }
0xbb: {  	s0 =	sor.u32 s1, s0  }
0xbc: {  	s0 =	sadd.s32 $0x8F2B, s0  }
0xbd: {  	[sflag:s0] =	ssyncadd.remote.s32 $0x1  }
0xbe: {  	_ =	sfence.sel $0xFFFF  }
0xbf: {  	[dreg:$0x0] =	wrdreg $0xFFFFFFFF;
	(pc) =	sbr.abs _section_cstart, $3  }
0xc0: {  	[dreg:$0x1] =	wrdreg $0xFFFFFFFF  }
0xc1: {  	_ =	task.clear_ibuf [dreg:s7], $0x2FFFF;
	_ =	strace $0x9FFFFFFF  }
0xc2: {  	(tm) =	ssettm $0x7FFFFFFF  }
0xc3: {  	_ =	shalt  }
tec
execute0_lowered:
.L_overlay_start_1:
0x0: {  	(tag) =	ssettag $0x1  }
0x1: {  	s0 =	rddreg [dreg:$0x0]  }
0x2: {  	s5 =	rddreg [dreg:$0x1];
	s2 =	srdreg.scid  }
0x3: {  	s1 =	stileid.u32;
	s25 =	simm.s32 $0xC000;
	s26 =	simm.s32 $0xC080  }
0x4: {  	s10 =	simm.s32 $0x1800;
	s11 =	simm.s32 $0x2000;
	s12 =	simm.s32 $0x2800  }
0x5: {  	s13 =	simm.s32 $0x3000;
	s14 =	simm.s32 $0x3800;
	s15 =	simm.s32 $0x4000  }
0x6: {  	s16 =	simm.s32 $0x4800;
	s17 =	simm.s32 $0x5000;
	s18 =	simm.s32 $0x5800  }
0x7: {  	s19 =	simm.s32 $0x6000;
	s20 =	simm.s32 $0x6800;
	s21 =	simm.s32 $0x7000  }
0x8: {  	s22 =	simm.s32 $0x7800;
	s23 =	simm.s32 $0x8000;
	s28 =	simm.s32 $0xA000  }
0x9: {  	s29 =	simm.s32 $0xA800;
	s30 =	simm.s32 $0xB000;
	s31 =	simm.s32 $0xB800  }
0xa: {  	s4 =	sand.u32 $0x1, s2;
	s2 =	simm.s32 $0x0;
	s6 =	sshll.u32 s1, $0x3  }
0xb: {  	s3 =	sshll.u32 s4, $0x7;
	[smem:$0x7FF] =	sst s2;
	s4 =	ssub.s32 $0x2, s4  }
0xc: {  	s6 =	sor.u32 s6, s3;
	_ =	strace $0x8000004A;
	[dreg:$0x6] =	wrdreg s25  }
0xd: {  	s3 =	sadd.s32 $0x2400, s5;
	s9 =	sshrl.u32 s4, $0x1;
	[dreg:$0x7] =	wrdreg s26  }
0xe: {  	s25 =	simm.s32 $0x9000;
	s26 =	simm.s32 $0x9800;
	s7 =	sadd.s32 s6, s5  }
0xf: {  	s6 =	smul.u32 $0x300, s6;
	s24 =	ssub.s32 s4, s9;
	s8 =	sadd.s32 $0x2000, s7  }
0x10: {  	s4 =	sadd.s32 $0x2500, s5;
	s7 =	sadd.s32 $0x2200, s7;
	[dreg:$0x3] =	wrdreg s8  }
0x11: {  	v2 =	vlaneseq.u32;
	s5 =	sadd.s32 $0x2600, s5;
	s9 =	simm.s32 $0x1000;
	[dreg:$0x4] =	wrdreg s7  }
0x12: {  	vm0 =	vmmov $0xffff;
	v1 =	vshrl.u32 v2, $0x3;
	s0 =	sadd.s32 s0, s6;
	s6 =	smax.u32 s24, $0x1;
	s7 =	simm.s32 $0x2  }
0x13: {  	v0 =	vand.u32 $0x7, v2;
	v2 =	vor.u32 $0x8, v2;
	v1 =	vmul.u32 $0x8, v1;
	s24 =	simm.s32 $0x8800;
	[dreg:$0x5] =	wrdreg s0;
	s0 =	simm.s32 $0x1  }
.LBB2_1:
0x14: {  	s1 =	rddreg [dreg:$0x3]  }
0x15: {  	s8 =	rddreg [dreg:$0x6]  }
0x16: {  	[tilespmem:s8], [sflag:$0x2] =	stream.linear.gather [hbm4b:s1+s2], $0x40, $0x38;
	[tilespmem:$0xC100] =	vst v63  }
0x17: {  	_ =	swait.ge [sflag:s7], $0x40  }
0x18: {  	s1 =	rddreg [dreg:$0x4];
	[sflag:s7] =	ssyncset.done $0x0  }
0x19: {  	s8 =	rddreg [dreg:$0x7];
	[sflag:s7] =	ssyncadd.s32 $0xFFFFFFC0  }
0x1a: {  	[tilespmem:s8], [sflag:$0x2] =	stream.linear.gather [hbm4b:s1+s2], $0x40, $0x38;
	[tilespmem:$0xC100] =	vst v63  }
0x1b: {  	_ =	swait.ge [sflag:s7], $0x40  }
0x1c: {  	[sflag:s7] =	ssyncset.done $0x0  }
0x1d: {  	s8 =	rddreg [dreg:$0x5];
	[sflag:s7] =	ssyncadd.s32 $0xFFFFFFC0  }
0x1e: {  	[tilespmem:s2], [sflag:$0x2] =	stream.linear.gather [hbm4b:s8+s2], $0xC000, $0x38;
	[tilespmem:$0xC100] =	vst v63  }
0x1f: {  	_ =	swait.ge [sflag:s7], $0xC000  }
0x20: {  	[sflag:s7] =	ssyncset.done $0x0  }
0x21: {  	[sflag:s7] =	ssyncadd.s32 $0xFFFF4000  }
0x22: {  	v3 =	vld [tilespmem:$0xC000];
	_ =	sdelay $0x4  }
0x23: {  	v4 =	vshrl.u32 v3, $0x3  }
0x24: {  	v4 =	vmul.u32 $0x30, v4  }
0x25: {  	v3 =	vand.u32 $0x7, v3  }
0x26: {  	v3 =	vor.u32 v3, v4  }
0x27: {  	v4 =	vperm.xlane v3, v0;
	_ =	sdelay $0x1  }
0x28: {  	v4 =	vadd.s32 v1, v4;
	_ =	sdelay $0x3  }
0x29: {  	v3 =	vperm.xlane v3, v2  }
0x2a: {  	[hbm4b:s3+s2] =	stream.indirect_vreg.scatter [tilespmem:s2], [sflag:$0x1], $0x80, v4, vm0, $0xb8;
	[tilespmem:$0xC100] =	vst v63  }
0x2b: {  	s8 =	simm.s32 $0x800;
	v3 =	vadd.s32 v1, v3  }
0x2c: {  	[hbm4b:s4+s2] =	stream.indirect_vreg.scatter [tilespmem:s8], [sflag:$0x1], $0x80, v4, vm0, $0xb8;
	[tilespmem:$0xC100] =	vst v63  }
0x2d: {  	_ = 	snop  }
0x2e: {  	[hbm4b:s5+s2] =	stream.indirect_vreg.scatter [tilespmem:s9], [sflag:$0x1], $0x80, v4, vm0, $0xb8;
	[tilespmem:$0xC100] =	vst v63  }
0x2f: {  	_ = 	snop  }
0x30: {  	[hbm4b:s3+s2] =	stream.indirect_vreg.scatter [tilespmem:s10], [sflag:$0x1], $0x80, v3, vm0, $0xb8;
	[tilespmem:$0xC100] =	vst v63  }
0x31: {  	_ = 	snop  }
0x32: {  	[hbm4b:s4+s2] =	stream.indirect_vreg.scatter [tilespmem:s11], [sflag:$0x1], $0x80, v3, vm0, $0xb8;
	[tilespmem:$0xC100] =	vst v63  }
0x33: {  	_ = 	snop  }
0x34: {  	[hbm4b:s5+s2] =	stream.indirect_vreg.scatter [tilespmem:s12], [sflag:$0x1], $0x80, v3, vm0, $0xb8;
	[tilespmem:$0xC100] =	vst v63  }
0x35: {  	v3 =	vld [tilespmem:$0xC010];
	_ =	sdelay $0x4  }
0x36: {  	v57 =	vshrl.u32 v3, $0x3  }
0x37: {  	v4 =	vmul.u32 $0x30, v57  }
0x38: {  	v3 =	vand.u32 $0x7, v3  }
0x39: {  	v3 =	vor.u32 v3, v4  }
0x3a: {  	v4 =	vperm.xlane v3, v0;
	_ =	sdelay $0x1  }
0x3b: {  	v4 =	vadd.s32 v1, v4;
	_ =	sdelay $0x3  }
0x3c: {  	v3 =	vperm.xlane v3, v2  }
0x3d: {  	[hbm4b:s3+s2] =	stream.indirect_vreg.scatter [tilespmem:s13], [sflag:$0x1], $0x80, v4, vm0, $0xb8;
	[tilespmem:$0xC100] =	vst v63  }
0x3e: {  	v3 =	vadd.s32 v1, v3  }
0x3f: {  	[hbm4b:s4+s2] =	stream.indirect_vreg.scatter [tilespmem:s14], [sflag:$0x1], $0x80, v4, vm0, $0xb8;
	[tilespmem:$0xC100] =	vst v63  }
0x40: {  	_ = 	snop  }
0x41: {  	[hbm4b:s5+s2] =	stream.indirect_vreg.scatter [tilespmem:s15], [sflag:$0x1], $0x80, v4, vm0, $0xb8;
	[tilespmem:$0xC100] =	vst v63  }
0x42: {  	_ = 	snop  }
0x43: {  	[hbm4b:s3+s2] =	stream.indirect_vreg.scatter [tilespmem:s16], [sflag:$0x1], $0x80, v3, vm0, $0xb8;
	[tilespmem:$0xC100] =	vst v63  }
0x44: {  	_ = 	snop  }
0x45: {  	[hbm4b:s4+s2] =	stream.indirect_vreg.scatter [tilespmem:s17], [sflag:$0x1], $0x80, v3, vm0, $0xb8;
	[tilespmem:$0xC100] =	vst v63  }
0x46: {  	_ = 	snop  }
0x47: {  	[hbm4b:s5+s2] =	stream.indirect_vreg.scatter [tilespmem:s18], [sflag:$0x1], $0x80, v3, vm0, $0xb8;
	[tilespmem:$0xC100] =	vst v63  }
0x48: {  	v3 =	vld [tilespmem:$0xC020];
	_ =	sdelay $0x4  }
0x49: {  	v58 =	vshrl.u32 v3, $0x3  }
0x4a: {  	v4 =	vmul.u32 $0x30, v58  }
0x4b: {  	v3 =	vand.u32 $0x7, v3  }
0x4c: {  	v3 =	vor.u32 v3, v4  }
0x4d: {  	v4 =	vperm.xlane v3, v0;
	_ =	sdelay $0x1  }
0x4e: {  	v4 =	vadd.s32 v1, v4;
	_ =	sdelay $0x3  }
0x4f: {  	v3 =	vperm.xlane v3, v2  }
0x50: {  	[hbm4b:s3+s2] =	stream.indirect_vreg.scatter [tilespmem:s19], [sflag:$0x1], $0x80, v4, vm0, $0xb8;
	[tilespmem:$0xC100] =	vst v63  }
0x51: {  	v3 =	vadd.s32 v1, v3  }
0x52: {  	[hbm4b:s4+s2] =	stream.indirect_vreg.scatter [tilespmem:s20], [sflag:$0x1], $0x80, v4, vm0, $0xb8;
	[tilespmem:$0xC100] =	vst v63  }
0x53: {  	_ = 	snop  }
0x54: {  	[hbm4b:s5+s2] =	stream.indirect_vreg.scatter [tilespmem:s21], [sflag:$0x1], $0x80, v4, vm0, $0xb8;
	[tilespmem:$0xC100] =	vst v63  }
0x55: {  	_ = 	snop  }
0x56: {  	[hbm4b:s3+s2] =	stream.indirect_vreg.scatter [tilespmem:s22], [sflag:$0x1], $0x80, v3, vm0, $0xb8;
	[tilespmem:$0xC100] =	vst v63  }
0x57: {  	_ = 	snop  }
0x58: {  	[hbm4b:s4+s2] =	stream.indirect_vreg.scatter [tilespmem:s23], [sflag:$0x1], $0x80, v3, vm0, $0xb8;
	[tilespmem:$0xC100] =	vst v63  }
0x59: {  	_ = 	snop  }
0x5a: {  	[hbm4b:s5+s2] =	stream.indirect_vreg.scatter [tilespmem:s24], [sflag:$0x1], $0x80, v3, vm0, $0xb8;
	[tilespmem:$0xC100] =	vst v63  }
0x5b: {  	v3 =	vld [tilespmem:$0xC030];
	_ =	sdelay $0x4  }
0x5c: {  	v59 =	vshrl.u32 v3, $0x3  }
0x5d: {  	v4 =	vmul.u32 $0x30, v59  }
0x5e: {  	v3 =	vand.u32 $0x7, v3  }
0x5f: {  	v3 =	vor.u32 v3, v4  }
0x60: {  	v4 =	vperm.xlane v3, v0;
	_ =	sdelay $0x1  }
0x61: {  	v4 =	vadd.s32 v1, v4;
	_ =	sdelay $0x3  }
0x62: {  	v3 =	vperm.xlane v3, v2  }
0x63: {  	[hbm4b:s3+s2] =	stream.indirect_vreg.scatter [tilespmem:s25], [sflag:$0x1], $0x80, v4, vm0, $0xb8;
	[tilespmem:$0xC100] =	vst v63  }
0x64: {  	v3 =	vadd.s32 v1, v3  }
0x65: {  	[hbm4b:s4+s2] =	stream.indirect_vreg.scatter [tilespmem:s26], [sflag:$0x1], $0x80, v4, vm0, $0xb8;
	[tilespmem:$0xC100] =	vst v63  }
0x66: {  	_ = 	snop  }
0x67: {  	[hbm4b:s5+s2] =	stream.indirect_vreg.scatter [tilespmem:s28], [sflag:$0x1], $0x80, v4, vm0, $0xb8;
	[tilespmem:$0xC100] =	vst v63  }
0x68: {  	_ = 	snop  }
0x69: {  	[hbm4b:s3+s2] =	stream.indirect_vreg.scatter [tilespmem:s29], [sflag:$0x1], $0x80, v3, vm0, $0xb8;
	[tilespmem:$0xC100] =	vst v63  }
0x6a: {  	_ = 	snop  }
0x6b: {  	[hbm4b:s4+s2] =	stream.indirect_vreg.scatter [tilespmem:s30], [sflag:$0x1], $0x80, v3, vm0, $0xb8;
	[tilespmem:$0xC100] =	vst v63  }
0x6c: {  	_ = 	snop  }
0x6d: {  	[hbm4b:s5+s2] =	stream.indirect_vreg.scatter [tilespmem:s31], [sflag:$0x1], $0x80, v3, vm0, $0xb8;
	[tilespmem:$0xC100] =	vst v63  }
0x6e: {  	v3 =	vld [tilespmem:$0xC080];
	_ =	sdelay $0x4  }
0x6f: {  	v60 =	vshrl.u32 v3, $0x3  }
0x70: {  	v4 =	vmul.u32 $0x30, v60  }
0x71: {  	v3 =	vand.u32 $0x7, v3  }
0x72: {  	v3 =	vor.u32 v3, v4  }
0x73: {  	v4 =	vperm.xlane v3, v0;
	_ =	sdelay $0x1  }
0x74: {  	v4 =	vadd.s32 v1, v4;
	_ =	sdelay $0x3  }
0x75: {  	v3 =	vperm.xlane v3, v2  }
0x76: {  	[hbm4b:s3+s2] =	stream.indirect_vreg.scatter [tilespmem:s2], [sflag:$0x1], $0x80, v4, vm0, $0xb8;
	[tilespmem:$0xC100] =	vst v63  }
0x77: {  	v3 =	vadd.s32 v1, v3  }
0x78: {  	[hbm4b:s4+s2] =	stream.indirect_vreg.scatter [tilespmem:s8], [sflag:$0x1], $0x80, v4, vm0, $0xb8;
	[tilespmem:$0xC100] =	vst v63  }
0x79: {  	_ = 	snop  }
0x7a: {  	[hbm4b:s5+s2] =	stream.indirect_vreg.scatter [tilespmem:s9], [sflag:$0x1], $0x80, v4, vm0, $0xb8;
	[tilespmem:$0xC100] =	vst v63  }
0x7b: {  	_ = 	snop  }
0x7c: {  	[hbm4b:s3+s2] =	stream.indirect_vreg.scatter [tilespmem:s10], [sflag:$0x1], $0x80, v3, vm0, $0xb8;
	[tilespmem:$0xC100] =	vst v63  }
0x7d: {  	_ = 	snop  }
0x7e: {  	[hbm4b:s4+s2] =	stream.indirect_vreg.scatter [tilespmem:s11], [sflag:$0x1], $0x80, v3, vm0, $0xb8;
	[tilespmem:$0xC100] =	vst v63  }
0x7f: {  	_ = 	snop  }
0x80: {  	[hbm4b:s5+s2] =	stream.indirect_vreg.scatter [tilespmem:s12], [sflag:$0x1], $0x80, v3, vm0, $0xb8;
	[tilespmem:$0xC100] =	vst v63  }
0x81: {  	v3 =	vld [tilespmem:$0xC090];
	_ =	sdelay $0x4  }
0x82: {  	v61 =	vshrl.u32 v3, $0x3  }
0x83: {  	v4 =	vmul.u32 $0x30, v61  }
0x84: {  	v3 =	vand.u32 $0x7, v3  }
0x85: {  	v3 =	vor.u32 v3, v4  }
0x86: {  	v4 =	vperm.xlane v3, v0;
	_ =	sdelay $0x1  }
0x87: {  	v4 =	vadd.s32 v1, v4;
	_ =	sdelay $0x3  }
0x88: {  	v3 =	vperm.xlane v3, v2  }
0x89: {  	[hbm4b:s3+s2] =	stream.indirect_vreg.scatter [tilespmem:s13], [sflag:$0x1], $0x80, v4, vm0, $0xb8;
	[tilespmem:$0xC100] =	vst v63  }
0x8a: {  	v3 =	vadd.s32 v1, v3  }
0x8b: {  	[hbm4b:s4+s2] =	stream.indirect_vreg.scatter [tilespmem:s14], [sflag:$0x1], $0x80, v4, vm0, $0xb8;
	[tilespmem:$0xC100] =	vst v63  }
0x8c: {  	_ = 	snop  }
0x8d: {  	[hbm4b:s5+s2] =	stream.indirect_vreg.scatter [tilespmem:s15], [sflag:$0x1], $0x80, v4, vm0, $0xb8;
	[tilespmem:$0xC100] =	vst v63  }
0x8e: {  	_ = 	snop  }
0x8f: {  	[hbm4b:s3+s2] =	stream.indirect_vreg.scatter [tilespmem:s16], [sflag:$0x1], $0x80, v3, vm0, $0xb8;
	[tilespmem:$0xC100] =	vst v63  }
0x90: {  	_ = 	snop  }
0x91: {  	[hbm4b:s4+s2] =	stream.indirect_vreg.scatter [tilespmem:s17], [sflag:$0x1], $0x80, v3, vm0, $0xb8;
	[tilespmem:$0xC100] =	vst v63  }
0x92: {  	_ = 	snop  }
0x93: {  	[hbm4b:s5+s2] =	stream.indirect_vreg.scatter [tilespmem:s18], [sflag:$0x1], $0x80, v3, vm0, $0xb8;
	[tilespmem:$0xC100] =	vst v63  }
0x94: {  	v3 =	vld [tilespmem:$0xC0A0];
	_ =	sdelay $0x4  }
0x95: {  	v62 =	vshrl.u32 v3, $0x3  }
0x96: {  	v4 =	vmul.u32 $0x30, v62  }
0x97: {  	v3 =	vand.u32 $0x7, v3  }
0x98: {  	v3 =	vor.u32 v3, v4  }
0x99: {  	v4 =	vperm.xlane v3, v0;
	_ =	sdelay $0x1  }
0x9a: {  	v4 =	vadd.s32 v1, v4;
	_ =	sdelay $0x3  }
0x9b: {  	v3 =	vperm.xlane v3, v2  }
0x9c: {  	[hbm4b:s3+s2] =	stream.indirect_vreg.scatter [tilespmem:s19], [sflag:$0x1], $0x80, v4, vm0, $0xb8;
	[tilespmem:$0xC100] =	vst v63  }
0x9d: {  	v3 =	vadd.s32 v1, v3  }
0x9e: {  	[hbm4b:s4+s2] =	stream.indirect_vreg.scatter [tilespmem:s20], [sflag:$0x1], $0x80, v4, vm0, $0xb8;
	[tilespmem:$0xC100] =	vst v63  }
0x9f: {  	_ = 	snop  }
0xa0: {  	[hbm4b:s5+s2] =	stream.indirect_vreg.scatter [tilespmem:s21], [sflag:$0x1], $0x80, v4, vm0, $0xb8;
	[tilespmem:$0xC100] =	vst v63  }
0xa1: {  	_ = 	snop  }
0xa2: {  	[hbm4b:s3+s2] =	stream.indirect_vreg.scatter [tilespmem:s22], [sflag:$0x1], $0x80, v3, vm0, $0xb8;
	[tilespmem:$0xC100] =	vst v63  }
0xa3: {  	_ = 	snop  }
0xa4: {  	[hbm4b:s4+s2] =	stream.indirect_vreg.scatter [tilespmem:s23], [sflag:$0x1], $0x80, v3, vm0, $0xb8;
	[tilespmem:$0xC100] =	vst v63  }
0xa5: {  	_ = 	snop  }
0xa6: {  	[hbm4b:s5+s2] =	stream.indirect_vreg.scatter [tilespmem:s24], [sflag:$0x1], $0x80, v3, vm0, $0xb8;
	[tilespmem:$0xC100] =	vst v63  }
0xa7: {  	v3 =	vld [tilespmem:$0xC0B0];
	_ =	sdelay $0x4  }
0xa8: {  	v63 =	vshrl.u32 v3, $0x3  }
0xa9: {  	v4 =	vmul.u32 $0x30, v63  }
0xaa: {  	v3 =	vand.u32 $0x7, v3  }
0xab: {  	v3 =	vor.u32 v3, v4  }
0xac: {  	v4 =	vperm.xlane v3, v0;
	_ =	sdelay $0x1  }
0xad: {  	v4 =	vadd.s32 v1, v4;
	_ =	sdelay $0x3  }
0xae: {  	v3 =	vperm.xlane v3, v2  }
0xaf: {  	[hbm4b:s3+s2] =	stream.indirect_vreg.scatter [tilespmem:s25], [sflag:$0x1], $0x80, v4, vm0, $0xb8;
	[tilespmem:$0xC100] =	vst v63  }
0xb0: {  	v3 =	vadd.s32 v1, v3  }
0xb1: {  	[hbm4b:s4+s2] =	stream.indirect_vreg.scatter [tilespmem:s26], [sflag:$0x1], $0x80, v4, vm0, $0xb8;
	[tilespmem:$0xC100] =	vst v63  }
0xb2: {  	_ = 	snop  }
0xb3: {  	[hbm4b:s5+s2] =	stream.indirect_vreg.scatter [tilespmem:s28], [sflag:$0x1], $0x80, v4, vm0, $0xb8;
	[tilespmem:$0xC100] =	vst v63  }
0xb4: {  	_ = 	snop  }
0xb5: {  	[hbm4b:s3+s2] =	stream.indirect_vreg.scatter [tilespmem:s29], [sflag:$0x1], $0x80, v3, vm0, $0xb8;
	[tilespmem:$0xC100] =	vst v63  }
0xb6: {  	_ = 	snop  }
0xb7: {  	[hbm4b:s4+s2] =	stream.indirect_vreg.scatter [tilespmem:s30], [sflag:$0x1], $0x80, v3, vm0, $0xb8;
	[tilespmem:$0xC100] =	vst v63  }
0xb8: {  	_ = 	snop  }
0xb9: {  	[hbm4b:s5+s2] =	stream.indirect_vreg.scatter [tilespmem:s31], [sflag:$0x1], $0x80, v3, vm0, $0xb8;
	[tilespmem:$0xC100] =	vst v63  }
0xba: {  	p0 =	sne.s32 s6, $0x1;
	_ =	swait.ge [sflag:s0], $0xC000  }
.Ltmp0:
0xbb: {  	[sflag:s0] =	ssyncset.done $0x0;
	(pc) =	sbr.rel @p0 .LBB2_1-.Ltmp0, $4  }
0xbc: {  	[sflag:s0] =	ssyncadd.s32 $0xFFFF4000  }
0xbd: {  	_ =	swait.ge [sflag:s0], $0xC000  }
0xbe: {  	[sflag:s0] =	ssyncset.done $0x0  }
0xbf: {  	s6 =	sadd.s32 $0xFFFFFFFF, s6;
	[sflag:s0] =	ssyncadd.s32 $0xFFFF4000  }
0xc0: {  	_ =	sfence.sel $0x180000  }
0xc1: {  	[bflag:$0x0] =	sbarrier.arrive $0xFFFF  }
0xc2: {  	_ =	strace $0x9000004A  }
0xc3: {  	s0 =	stileid.u32;
	[bflag:$0x2] =	sbarrier.arrive $0xFFFF  }
0xc4: {  	p0 =	sne.s32 s0, $0x0;
	s0 =	rddreg [dreg:$0x2]  }
0xc5: {  	s0 =	sadd.s32 @!p0 $0x100000, s0  }
0xc6: {  	[sflag:s0] =	ssyncadd.tile.s32 @!p0 $0x1;
	_ =	shalt  }
.Lfunc_end2:
_tile_overlayer_lowered:
.L_overlay_start_2:
0xc7: {  	(tag) =	ssettag $0x2  }
0xc8: {  	s0 =	rddreg [dreg:$0x0];
	s2 =	stileid.u32  }
0xc9: {  	s1 =	rddreg [dreg:$0x1];
	p0 =	sne.s32 s2, $0x0  }
0xca: {  	s3 =	rddreg [dreg:$0x2];
	[bflag:$0x3] =	sbarrier.arrive $0xFFFF;
	s2 =	simm.s32 @!p0 $0x1C02  }
0xcb: {  	[timem:s3], [sflag:s2] =	dma.local @!p0 [hbm:s0], s1  }
0xcc: {  	s0 =	simm.s32 @!p0 $0x2  }
0xcd: {  	_ =	swait.ge @!p0 [sflag:s0], s1  }
0xce: {  	s1 =	ssub.s32 @!p0 $0x0, s1;
	[sflag:s0] =	ssyncset.done @!p0 $0x0  }
0xcf: {  	[sflag:s0] =	ssyncadd.s32 @!p0 s1  }
0xd0: {  	[bflag:$0x3] =	sbarrier.arrive $0xFFFF  }
0xd1: {  	_ =	shalt  }

// kernel: kernel.13.cloned.1.call-start
scs
__scs_entry_jumppad:
0x0: {  	(pc) =	sbr.rel $0x88, $3  }
0x1: {  	(tag) =	ssettag $0x0;
	lr =	simm.s32 $0x1  }
0x2: {  	[smem:$0x3F9C] =	sst lr;
	_ =	strace $0xD0000000  }
0x3: {  	_ = 	snop  }
0x4: {  	_ = 	snop  }
0x5: {  	_ = 	snop  }
0x6: {  	_ = 	snop  }
0x7: {  	_ = 	snop  }
__scs_overlays_trampoline_lowered:
0x8: {  	[smem:$0x3FAB] =	sst s0  }
0x9: {  	[smem:$0x3FAC] =	sst s1  }
0xa: {  	[smem:$0x3FAD] =	sst s2  }
0xb: {  	[smem:$0x3FAE] =	sst s3  }
0xc: {  	[smem:$0x3FAF] =	sst s4  }
0xd: {  	[smem:$0x3FB0] =	sst s5  }
0xe: {  	[smem:$0x3FB1] =	sst s6  }
0xf: {  	[smem:$0x3FB2] =	sst s7  }
0x10: {  	[smem:$0x3FB3] =	sst s8  }
0x11: {  	[smem:$0x3FB4] =	sst s9;
	s0 =	simm.s32 @!p0 $0x0  }
0x12: {  	s1 =	sld [smem:$0x3F9A];
	s0 =	simm.s32 @p0 $0x1  }
0x13: {  	[smem:$0x3FB5] =	sst s0;
	s0 =	simm.s32 @!p1 $0x0  }
0x14: {  	s2 =	sld [smem:$0x3F99];
	s0 =	simm.s32 @p1 $0x1  }
0x15: {  	[smem:$0x3FB6] =	sst s0;
	s0 =	simm.s32 @!p2 $0x0  }
0x16: {  	s3 =	sld [smem:$0x3FDB];
	s0 =	simm.s32 @p2 $0x1  }
0x17: {  	s4 =	simm.s32 $0x1BF5;
	[smem:$0x3FB8] =	sst s0  }
0x18: {  	s0 =	sld [smem:$0x3F9B];
	_ =	swait.ge [sflag:s4], $0x0  }
0x19: {  	s7 =	sld [smem:$0x3F9C]  }
0x1a: {  	s8 =	sadd.s32 $0xFFFFE003, lr  }
0x1b: {  	s9 =	sadd.s32 $0xFFFFFEF7, lr;
	s5 =	simm.s32 $0xFFFFFFFF;
	p2 =	slt.u32 s8, $0xFFFFF086  }
0x1c: {  	p1 =	slt.u32 s9, $0xF7A;
	s5 =	simm.s32 @!p2 $0x0  }
0x1d: {  	s5 =	simm.s32 @p1 $0x1;
	p0 =	seq.s32 s7, s2  }
0x1e: {  	s7 =	smul.u32 @!p0 $0xF7A, s2;
	p2 =	seq.s32 @!p0 s5, $0x0  }
0x1f: {  	s9 =	smul.u32 $0xF7A, s1;
	s8 =	simm.s32 @!p0 $0x1BF5;
	p2 =	por !p2, p0  }
0x20: {  	[sflag:s8] =	ssyncset.s32 @!p0 $0xFFFFF086;
	s6 =	sadd.s32 @!p0 s3, s7;
	s7 =	simm.s32 @!p0 $0x108  }
0x21: {  	s3 =	sadd.s32 s3, s9;
	s6 =	sadd.s32 @!p0 $0x88, s6;
	s7 =	simm.s32 @p2 $0x1082  }
0x22: {  	[simem:s7], [sflag:s8] =	dma.local @!p0 [hbm:s6], $0xF7A  }
0x23: {  	s9 =	sor.u32 $0xD0000000, s2;
	s6 =	simm.s32 $0x108;
	_ =	swait.ge @!p0 [sflag:s8], $0x0  }
0x24: {  	s3 =	sadd.s32 $0x88, s3;
	s6 =	simm.s32 @!p1 $0x1082;
	[sflag:s4] =	ssyncset.s32 $0xFFFFF086  }
0x25: {  	[simem:s6], [sflag:s4] =	dma.local [hbm:s3], $0xF7A  }
0x26: {  	[smem:$0x3F9C] =	sst s1;
	(tag) =	ssettag s2;
	_ =	strace s9  }
0x27: {  	s1 =	sld [smem:$0x3FAC]  }
0x28: {  	s2 =	sld [smem:$0x3FAD]  }
0x29: {  	s4 =	sld [smem:$0x3FAF]  }
0x2a: {  	p0 =	seq.s32 s5, $0x0;
	s5 =	sld [smem:$0x3FB0]  }
0x2b: {  	s6 =	sld [smem:$0x3FB1]  }
0x2c: {  	s7 =	sld [smem:$0x3FB2]  }
0x2d: {  	s3 =	simm.s32 $0x108;
	s8 =	sld [smem:$0x3FB3]  }
0x2e: {  	s3 =	simm.s32 @!p0 $0x1082;
	s9 =	sld [smem:$0x3FB4]  }
0x2f: {  	lr =	sadd.s32 s0, s3;
	s0 =	sld [smem:$0x3FAB]  }
0x30: {  	s3 =	sld [smem:$0x3FAE]  }
0x31: {  	[smem:$0x3FB7] =	sst s10  }
0x32: {  	s10 =	sld [smem:$0x3FB5];
	_ =	sdelay $0x3  }
0x33: {  	p0 =	seq.s32 s10, $0x1;
	s10 =	sld [smem:$0x3FB7];
	_ =	sdelay $0x3  }
0x34: {  	[smem:$0x3FB7] =	sst s10  }
0x35: {  	s10 =	sld [smem:$0x3FB6];
	_ =	sdelay $0x3  }
0x36: {  	p1 =	seq.s32 s10, $0x1;
	s10 =	sld [smem:$0x3FB7];
	_ =	sdelay $0x3  }
0x37: {  	[smem:$0x3FB7] =	sst s10  }
0x38: {  	s10 =	sld [smem:$0x3FB8]  }
0x39: {  	_ = 	snop;
	(pc) =	sbr.ind lr, $3  }
0x3a: {  	_ = 	snop  }
0x3b: {  	_ = 	snop  }
0x3c: {  	p2 =	seq.s32 s10, $0x1;
	s10 =	sld [smem:$0x3FB7]  }
0x3d: {  	_ =	shalt  }
0x3e: {  	_ =	shalt  }
0x3f: {  	_ =	shalt  }
0x40: {  	_ =	shalt  }
0x41: {  	_ =	shalt  }
0x42: {  	_ =	shalt  }
0x43: {  	_ =	shalt  }
0x44: {  	_ =	shalt  }
0x45: {  	_ =	shalt  }
0x46: {  	_ =	shalt  }
0x47: {  	_ =	shalt  }
0x48: {  	_ =	shalt  }
0x49: {  	_ =	shalt  }
0x4a: {  	_ =	shalt  }
0x4b: {  	_ =	shalt  }
0x4c: {  	_ =	shalt  }
0x4d: {  	_ =	shalt  }
0x4e: {  	_ =	shalt  }
0x4f: {  	_ =	shalt  }
0x50: {  	_ =	shalt  }
0x51: {  	_ =	shalt  }
0x52: {  	_ =	shalt  }
0x53: {  	_ =	shalt  }
0x54: {  	_ =	shalt  }
0x55: {  	_ =	shalt  }
0x56: {  	_ =	shalt  }
0x57: {  	_ =	shalt  }
0x58: {  	_ =	shalt  }
0x59: {  	_ =	shalt  }
0x5a: {  	_ =	shalt  }
0x5b: {  	_ =	shalt  }
0x5c: {  	_ =	shalt  }
0x5d: {  	_ =	shalt  }
0x5e: {  	_ =	shalt  }
0x5f: {  	_ =	shalt  }
0x60: {  	_ =	shalt  }
0x61: {  	_ =	shalt  }
0x62: {  	_ =	shalt  }
0x63: {  	_ =	shalt  }
0x64: {  	_ =	shalt  }
0x65: {  	_ =	shalt  }
0x66: {  	_ =	shalt  }
0x67: {  	_ =	shalt  }
0x68: {  	_ =	shalt  }
0x69: {  	_ =	shalt  }
0x6a: {  	_ =	shalt  }
0x6b: {  	_ =	shalt  }
0x6c: {  	_ =	shalt  }
0x6d: {  	_ =	shalt  }
0x6e: {  	_ =	shalt  }
0x6f: {  	_ =	shalt  }
0x70: {  	_ =	shalt  }
0x71: {  	_ =	shalt  }
0x72: {  	_ =	shalt  }
0x73: {  	_ =	shalt  }
0x74: {  	_ =	shalt  }
0x75: {  	_ =	shalt  }
0x76: {  	_ =	shalt  }
0x77: {  	_ =	shalt  }
0x78: {  	_ =	shalt  }
0x79: {  	_ =	shalt  }
0x7a: {  	_ =	shalt  }
0x7b: {  	_ =	shalt  }
0x7c: {  	_ =	shalt  }
0x7d: {  	_ =	shalt  }
0x7e: {  	_ =	shalt  }
0x7f: {  	_ =	shalt  }
0x80: {  	_ =	shalt  }
0x81: {  	_ =	shalt  }
0x82: {  	_ =	shalt  }
0x83: {  	_ =	shalt  }
0x84: {  	_ =	shalt  }
0x85: {  	_ =	shalt  }
0x86: {  	_ =	shalt  }
0x87: {  	_ =	shalt  }
.Lfunc_end0:
.L_simem_size_0:
called_computation.2_lowered:
.L_overlay_start_0:
0x88: {  	s2 =	sld [smem:$0x3FD9]  }
0x89: {  	s3 =	sld [smem:$0x3FFE];
	_ =	sdelay $0x1  }
0x8a: {  	s1 =	srdreg.scid  }
0x8b: {  	s0 =	sand.u32 $0x1, s1  }
0x8c: {  	s14 =	sshll.u32 s0, $0xA;
	s2 =	sadd.s32 s3, s2  }
0x8d: {  	s2 =	sadd.s32 s2, s14  }
0x8e: {  	[smem:$0x3FC3] =	sst s2  }
0x8f: {  	_ = 	snop  }
0x90: {  	s2 =	sld [smem:$0x3FD0];
	_ =	sdelay $0x2  }
0x91: {  	s15 =	simm.s32 $0xA;
	s4 =	simm.s32 $0x10  }
0x92: {  	[smem:s4], [sflag:s15] =	dma.local [hbm:s2], $0x1  }
0x93: {  	_ =	swait.eq [sflag:s15], $0x1  }
0x94: {  	[sflag:s15] =	ssyncset.done $0x0  }
0x95: {  	[sflag:s15] =	ssyncadd.s32 $0xFFFFFFFF  }
0x96: {  	s16 =	sld [smem:$0x10];
	(tm) =	ssettm $0x1  }
0x97: {  	s17 =	sld [smem:$0x3FFB];
	_ =	sdelay $0x3  }
0x98: {  	_ =	strace s17  }
0x99: {  	s3 =	sld [smem:$0x3FFC];
	_ =	sdelay $0x3  }
0x9a: {  	_ =	strace s3  }
0x9b: {  	s3 =	sld [smem:$0x3FFD];
	_ =	sdelay $0x3  }
0x9c: {  	_ =	strace s3  }
0x9d: {  	_ =	strace $0x8FFFFFFF  }
0x9e: {  	s18 =	sld [smem:$0x3FDB];
	_ =	sdelay $0x1  }
0x9f: {  	s19 =	simm.s32 $_scs_section_size  }
0xa0: {  	s5 =	simm.s32 $_size__tile_overlayer_lowered;
	s6 =	simm.s32 $_tile_overlayer_lowered  }
0xa1: {  	s22 =	simm.s32 $0x1BFF;
	s21 =	sshll.u32 s6, $0x1;
	s3 =	sadd.s32 s19, s18  }
0xa2: {  	s7 =	simm.s32 $0x0;
	s20 =	sshll.u32 s5, $0x1;
	s5 =	sadd.s32 s21, s3  }
0xa3: {  	[timem:s7], [sflag:s22] =	dma.local [hbm:s5], s20  }
0xa4: {  	_ =	swait.ge [sflag:s22], s20  }
0xa5: {  	s4 =	ssub.s32 $0x0, s20;
	[sflag:s22] =	ssyncset.done $0x0  }
0xa6: {  	[sflag:s22] =	ssyncadd.s32 s4;
	_ =	sdelay $0x1  }
0xa7: {  	s23 =	simm.s32 $0x1B8B  }
0xa8: {  	_ =	swait.ge [sflag:s23], $0x1  }
0xa9: {  	[sflag:s23] =	ssyncset.done $0x0  }
0xaa: {  	s25 =	simm.s32 $0x1B8E;
	s24 =	sld [smem:$0x3FFE];
	[sflag:s23] =	ssyncadd.s32 $0xFFFFFFFF  }
0xab: {  	s26 =	simm.s32 $execute0_lowered;
	[smem:$0x3FD2] =	sst s25  }
0xac: {  	s5 =	sshll.u32 s26, $0x1;
	_ =	strace $0x8000004C;
	[dreg:$0x1] =	wrdreg $0xFFFFFFFF  }
0xad: {  	s28 =	simm.s32 $_size_execute0_lowered;
	s3 =	sadd.s32 s3, s5;
	[dreg:$0x0] =	wrdreg $0x0  }
0xae: {  	s5 =	sshll.u32 s28, $0x1;
	[dreg:$0x2] =	wrdreg s3  }
0xaf: {  	[dreg:$0x3] =	wrdreg s5  }
0xb0: {  	[dreg:$0x4] =	wrdreg $0xC0  }
0xb1: {  	_ =	task [dreg:s7], $0x5FFFF  }
0xb2: {  	[dreg:$0x1] =	wrdreg $0xFFFFFFFF  }
0xb3: {  	[dreg:$0x0] =	wrdreg $0x60  }
0xb4: {  	[dreg:$0x2] =	wrdreg s24  }
0xb5: {  	[dreg:$0x3] =	wrdreg s16  }
0xb6: {  	[dreg:$0x4] =	wrdreg $0x9  }
0xb7: {  	_ =	task.clear_ibuf [dreg:s7], $0x5FFFF;
	_ =	strace $0x9000004C  }
0xb8: {  	s29 =	simm.s32 $0x9;
	_ =	strace $0x8000004E  }
0xb9: {  	_ =	swait.ge [sflag:s29], $0x1  }
0xba: {  	[sflag:s29] =	ssyncadd.s32 $0xFFFFFFFF  }
0xbb: {  	_ =	strace $0x9000004E  }
0xbc: {  	_ =	sfence  }
0xbd: {  	s30 =	sld [smem:$0x0];
	_ =	sdelay $0x2  }
0xbe: {  	s31 =	sshll.u32 s1, $0xD;
	s1 =	sshrl.u32 s1, $0x2  }
0xbf: {  	s3 =	sand.u32 $0x4000, s31;
	s1 =	sadd.s32 s1, s30  }
0xc0: {  	s0 =	sor.u32 s3, s0;
	s1 =	sshll.u32 s1, $0x11  }
0xc1: {  	s0 =	sor.u32 s1, s0  }
0xc2: {  	s0 =	sadd.s32 $0x8F2B, s0  }
0xc3: {  	[sflag:s0] =	ssyncadd.remote.s32 $0x1  }
0xc4: {  	_ =	sfence.sel $0xFFFF  }
0xc5: {  	[dreg:$0x0] =	wrdreg $0xFFFFFFFF;
	(pc) =	sbr.abs _section_cstart, $3  }
0xc6: {  	[dreg:$0x1] =	wrdreg $0xFFFFFFFF  }
0xc7: {  	_ =	task.clear_ibuf [dreg:s7], $0x2FFFF;
	_ =	strace $0x9FFFFFFF  }
0xc8: {  	(tm) =	ssettm $0x7FFFFFFF  }
0xc9: {  	_ =	shalt  }
tec
execute0_lowered:
.L_overlay_start_1:
0x0: {  	(tag) =	ssettag $0x1  }
0x1: {  	s0 =	rddreg [dreg:$0x0]  }
0x2: {  	s1 =	rddreg [dreg:$0x1];
	s3 =	srdreg.scid  }
0x3: {  	s2 =	simm.s32 $0x0;
	s5 =	stileid.u32;
	s12 =	simm.s32 $0x2  }
0x4: {  	s14 =	simm.s32 $0x18100;
	s31 =	simm.s32 $0x12000;
	s11 =	simm.s32 $0x13800  }
0x5: {  	s13 =	simm.s32 $0x14000;
	s15 =	simm.s32 $0x14800;
	s16 =	simm.s32 $0x15000  }
0x6: {  	s17 =	simm.s32 $0x15800;
	s18 =	simm.s32 $0x16000;
	s19 =	simm.s32 $0x16800  }
0x7: {  	s20 =	simm.s32 $0x17000;
	s21 =	simm.s32 $0x17800;
	s22 =	simm.s32 $0x1  }
0x8: {  	s23 =	simm.s32 $0x0;
	s4 =	sand.u32 $0x1, s3;
	[smem:$0x7FF] =	sst s2  }
0x9: {  	s3 =	sshll.u32 s4, $0x4;
	_ =	strace $0x8000004D;
	s4 =	ssub.s32 $0x2, s4  }
0xa: {  	s5 =	sor.u32 s5, s3;
	s3 =	sadd.s32 $0x2400, s0;
	s8 =	sshrl.u32 s4, $0x1  }
0xb: {  	s6 =	sshll.u32 s5, $0x3;
	s7 =	sshll.u32 s5, $0x4;
	s10 =	ssub.s32 s4, s8  }
0xc: {  	s9 =	smul.u32 $0x1800, s5;
	s8 =	sadd.s32 $0x2600, s0;
	s6 =	sadd.s32 s6, s0  }
0xd: {  	v2 =	vlaneseq.u32;
	s7 =	sadd.s32 s7, s0;
	s10 =	smax.u32 s10, $0x1;
	s4 =	sadd.s32 $0x2000, s6  }
0xe: {  	vm0 =	vmmov $0xffff;
	v1 =	vshrl.u32 v2, $0x3;
	s5 =	sadd.s32 $0x2200, s6;
	s6 =	sadd.s32 $0x6E400, s7;
	s7 =	sadd.s32 $0x2500, s0  }
0xf: {  	v0 =	vand.u32 $0x7, v2;
	v2 =	vor.u32 $0x8, v2;
	v1 =	vmul.u32 $0x8, v1;
	s9 =	sadd.s32 s1, s9;
	s0 =	simm.s32 $0x12800;
	s1 =	simm.s32 $0x13000  }
.LBB2_1:
0x10: {  	s24 =	simm.s32 $0x18000  }
0x11: {  	[tilespmem:s24], [sflag:$0x2] =	stream.linear.gather [hbm4b:s4+s2], $0x40, $0x38;
	[tilespmem:$0x18180] =	vst v63  }
0x12: {  	_ =	swait.ge [sflag:s12], $0x40  }
0x13: {  	[sflag:s12] =	ssyncset.done $0x0  }
0x14: {  	s30 =	simm.s32 $0x18080;
	[sflag:s12] =	ssyncadd.s32 $0xFFFFFFC0  }
0x15: {  	[tilespmem:s30], [sflag:$0x2] =	stream.linear.gather [hbm4b:s5+s2], $0x40, $0x38;
	[tilespmem:$0x18180] =	vst v63  }
0x16: {  	_ =	swait.ge [sflag:s12], $0x40  }
0x17: {  	[sflag:s12] =	ssyncset.done $0x0  }
0x18: {  	[sflag:s12] =	ssyncadd.s32 $0xFFFFFFC0  }
0x19: {  	[tilespmem:s14], [sflag:$0x2] =	stream.linear.gather [hbm4b:s6+s2], $0x80, $0x38;
	[tilespmem:$0x18180] =	vst v63  }
0x1a: {  	_ =	swait.ge [sflag:s12], $0x80  }
0x1b: {  	[sflag:s12] =	ssyncset.done $0x0  }
0x1c: {  	[sflag:s12] =	ssyncadd.s32 $0xFFFFFF80  }
0x1d: {  	v3 =	vld [tilespmem:$0x18000];
	_ =	sdelay $0x4  }
0x1e: {  	v4 =	vshrl.u32 v3, $0x3  }
0x1f: {  	v4 =	vmul.u32 $0x30, v4  }
0x20: {  	v3 =	vand.u32 $0x7, v3  }
0x21: {  	v3 =	vor.u32 v3, v4  }
0x22: {  	v4 =	vperm.xlane v3, v0;
	_ =	sdelay $0x1  }
0x23: {  	v4 =	vadd.s32 v1, v4;
	_ =	sdelay $0x3  }
0x24: {  	v3 =	vperm.xlane v3, v2  }
0x25: {  	[tilespmem:s2], [sflag:$0x1] =	stream.indirect_vreg.gather [hbm4b:s3+s2], $0x80, v4, vm0, $0xb8;
	[tilespmem:$0x18180] =	vst v63  }
0x26: {  	s25 =	simm.s32 $0x800;
	v3 =	vadd.s32 v1, v3  }
0x27: {  	[tilespmem:s25], [sflag:$0x1] =	stream.indirect_vreg.gather [hbm4b:s7+s2], $0x80, v4, vm0, $0xb8;
	[tilespmem:$0x18180] =	vst v63  }
0x28: {  	s26 =	simm.s32 $0x1000  }
0x29: {  	[tilespmem:s26], [sflag:$0x1] =	stream.indirect_vreg.gather [hbm4b:s8+s2], $0x80, v4, vm0, $0xb8;
	[tilespmem:$0x18180] =	vst v63  }
0x2a: {  	s29 =	simm.s32 $0x1800  }
0x2b: {  	[tilespmem:s29], [sflag:$0x1] =	stream.indirect_vreg.gather [hbm4b:s3+s2], $0x80, v3, vm0, $0xb8;
	[tilespmem:$0x18180] =	vst v63  }
0x2c: {  	s30 =	simm.s32 $0x2000  }
0x2d: {  	[tilespmem:s30], [sflag:$0x1] =	stream.indirect_vreg.gather [hbm4b:s7+s2], $0x80, v3, vm0, $0xb8;
	[tilespmem:$0x18180] =	vst v63  }
0x2e: {  	s25 =	simm.s32 $0x2800  }
0x2f: {  	[tilespmem:s25], [sflag:$0x1] =	stream.indirect_vreg.gather [hbm4b:s8+s2], $0x80, v3, vm0, $0xb8;
	[tilespmem:$0x18180] =	vst v63  }
0x30: {  	v3 =	vld [tilespmem:$0x18010];
	_ =	sdelay $0x4  }
0x31: {  	v4 =	vshrl.u32 v3, $0x3  }
0x32: {  	v4 =	vmul.u32 $0x30, v4  }
0x33: {  	v3 =	vand.u32 $0x7, v3  }
0x34: {  	v3 =	vor.u32 v3, v4  }
0x35: {  	v4 =	vperm.xlane v3, v0;
	_ =	sdelay $0x1  }
0x36: {  	v4 =	vadd.s32 v1, v4;
	_ =	sdelay $0x3  }
0x37: {  	s26 =	simm.s32 $0x3000;
	v3 =	vperm.xlane v3, v2  }
0x38: {  	[tilespmem:s26], [sflag:$0x1] =	stream.indirect_vreg.gather [hbm4b:s3+s2], $0x80, v4, vm0, $0xb8;
	[tilespmem:$0x18180] =	vst v63  }
0x39: {  	s29 =	simm.s32 $0x3800;
	v3 =	vadd.s32 v1, v3  }
0x3a: {  	[tilespmem:s29], [sflag:$0x1] =	stream.indirect_vreg.gather [hbm4b:s7+s2], $0x80, v4, vm0, $0xb8;
	[tilespmem:$0x18180] =	vst v63  }
0x3b: {  	s30 =	simm.s32 $0x4000  }
0x3c: {  	[tilespmem:s30], [sflag:$0x1] =	stream.indirect_vreg.gather [hbm4b:s8+s2], $0x80, v4, vm0, $0xb8;
	[tilespmem:$0x18180] =	vst v63  }
0x3d: {  	s25 =	simm.s32 $0x4800  }
0x3e: {  	[tilespmem:s25], [sflag:$0x1] =	stream.indirect_vreg.gather [hbm4b:s3+s2], $0x80, v3, vm0, $0xb8;
	[tilespmem:$0x18180] =	vst v63  }
0x3f: {  	s26 =	simm.s32 $0x5000  }
0x40: {  	[tilespmem:s26], [sflag:$0x1] =	stream.indirect_vreg.gather [hbm4b:s7+s2], $0x80, v3, vm0, $0xb8;
	[tilespmem:$0x18180] =	vst v63  }
0x41: {  	s29 =	simm.s32 $0x5800  }
0x42: {  	[tilespmem:s29], [sflag:$0x1] =	stream.indirect_vreg.gather [hbm4b:s8+s2], $0x80, v3, vm0, $0xb8;
	[tilespmem:$0x18180] =	vst v63  }
0x43: {  	v3 =	vld [tilespmem:$0x18020];
	_ =	sdelay $0x4  }
0x44: {  	v4 =	vshrl.u32 v3, $0x3  }
0x45: {  	v4 =	vmul.u32 $0x30, v4  }
0x46: {  	v3 =	vand.u32 $0x7, v3  }
0x47: {  	v3 =	vor.u32 v3, v4  }
0x48: {  	v4 =	vperm.xlane v3, v0;
	_ =	sdelay $0x1  }
0x49: {  	v4 =	vadd.s32 v1, v4;
	_ =	sdelay $0x3  }
0x4a: {  	s30 =	simm.s32 $0x6000;
	v3 =	vperm.xlane v3, v2  }
0x4b: {  	[tilespmem:s30], [sflag:$0x1] =	stream.indirect_vreg.gather [hbm4b:s3+s2], $0x80, v4, vm0, $0xb8;
	[tilespmem:$0x18180] =	vst v63  }
0x4c: {  	s25 =	simm.s32 $0x6800;
	v3 =	vadd.s32 v1, v3  }
0x4d: {  	[tilespmem:s25], [sflag:$0x1] =	stream.indirect_vreg.gather [hbm4b:s7+s2], $0x80, v4, vm0, $0xb8;
	[tilespmem:$0x18180] =	vst v63  }
0x4e: {  	s26 =	simm.s32 $0x7000  }
0x4f: {  	[tilespmem:s26], [sflag:$0x1] =	stream.indirect_vreg.gather [hbm4b:s8+s2], $0x80, v4, vm0, $0xb8;
	[tilespmem:$0x18180] =	vst v63  }
0x50: {  	s29 =	simm.s32 $0x7800  }
0x51: {  	[tilespmem:s29], [sflag:$0x1] =	stream.indirect_vreg.gather [hbm4b:s3+s2], $0x80, v3, vm0, $0xb8;
	[tilespmem:$0x18180] =	vst v63  }
0x52: {  	s30 =	simm.s32 $0x8000  }
0x53: {  	[tilespmem:s30], [sflag:$0x1] =	stream.indirect_vreg.gather [hbm4b:s7+s2], $0x80, v3, vm0, $0xb8;
	[tilespmem:$0x18180] =	vst v63  }
0x54: {  	s25 =	simm.s32 $0x8800  }
0x55: {  	[tilespmem:s25], [sflag:$0x1] =	stream.indirect_vreg.gather [hbm4b:s8+s2], $0x80, v3, vm0, $0xb8;
	[tilespmem:$0x18180] =	vst v63  }
0x56: {  	v3 =	vld [tilespmem:$0x18030];
	_ =	sdelay $0x4  }
0x57: {  	v4 =	vshrl.u32 v3, $0x3  }
0x58: {  	v4 =	vmul.u32 $0x30, v4  }
0x59: {  	v3 =	vand.u32 $0x7, v3  }
0x5a: {  	v3 =	vor.u32 v3, v4  }
0x5b: {  	v4 =	vperm.xlane v3, v0;
	_ =	sdelay $0x1  }
0x5c: {  	v4 =	vadd.s32 v1, v4;
	_ =	sdelay $0x3  }
0x5d: {  	s26 =	simm.s32 $0x9000;
	v3 =	vperm.xlane v3, v2  }
0x5e: {  	[tilespmem:s26], [sflag:$0x1] =	stream.indirect_vreg.gather [hbm4b:s3+s2], $0x80, v4, vm0, $0xb8;
	[tilespmem:$0x18180] =	vst v63  }
0x5f: {  	s29 =	simm.s32 $0x9800;
	v3 =	vadd.s32 v1, v3  }
0x60: {  	[tilespmem:s29], [sflag:$0x1] =	stream.indirect_vreg.gather [hbm4b:s7+s2], $0x80, v4, vm0, $0xb8;
	[tilespmem:$0x18180] =	vst v63  }
0x61: {  	s30 =	simm.s32 $0xA000  }
0x62: {  	[tilespmem:s30], [sflag:$0x1] =	stream.indirect_vreg.gather [hbm4b:s8+s2], $0x80, v4, vm0, $0xb8;
	[tilespmem:$0x18180] =	vst v63  }
0x63: {  	s25 =	simm.s32 $0xA800  }
0x64: {  	[tilespmem:s25], [sflag:$0x1] =	stream.indirect_vreg.gather [hbm4b:s3+s2], $0x80, v3, vm0, $0xb8;
	[tilespmem:$0x18180] =	vst v63  }
0x65: {  	s26 =	simm.s32 $0xB000  }
0x66: {  	[tilespmem:s26], [sflag:$0x1] =	stream.indirect_vreg.gather [hbm4b:s7+s2], $0x80, v3, vm0, $0xb8;
	[tilespmem:$0x18180] =	vst v63  }
0x67: {  	s29 =	simm.s32 $0xB800  }
0x68: {  	[tilespmem:s29], [sflag:$0x1] =	stream.indirect_vreg.gather [hbm4b:s8+s2], $0x80, v3, vm0, $0xb8;
	[tilespmem:$0x18180] =	vst v63  }
0x69: {  	v3 =	vld [tilespmem:$0x18080];
	_ =	sdelay $0x4  }
0x6a: {  	v4 =	vshrl.u32 v3, $0x3  }
0x6b: {  	v4 =	vmul.u32 $0x30, v4  }
0x6c: {  	v3 =	vand.u32 $0x7, v3  }
0x6d: {  	v3 =	vor.u32 v3, v4  }
0x6e: {  	v4 =	vperm.xlane v3, v0;
	_ =	sdelay $0x1  }
0x6f: {  	v4 =	vadd.s32 v1, v4;
	_ =	sdelay $0x3  }
0x70: {  	s30 =	simm.s32 $0xC000;
	v3 =	vperm.xlane v3, v2  }
0x71: {  	[tilespmem:s30], [sflag:$0x1] =	stream.indirect_vreg.gather [hbm4b:s3+s2], $0x80, v4, vm0, $0xb8;
	[tilespmem:$0x18180] =	vst v63  }
0x72: {  	s25 =	simm.s32 $0xC800;
	v3 =	vadd.s32 v1, v3  }
0x73: {  	[tilespmem:s25], [sflag:$0x1] =	stream.indirect_vreg.gather [hbm4b:s7+s2], $0x80, v4, vm0, $0xb8;
	[tilespmem:$0x18180] =	vst v63  }
0x74: {  	s26 =	simm.s32 $0xD000  }
0x75: {  	[tilespmem:s26], [sflag:$0x1] =	stream.indirect_vreg.gather [hbm4b:s8+s2], $0x80, v4, vm0, $0xb8;
	[tilespmem:$0x18180] =	vst v63  }
0x76: {  	s29 =	simm.s32 $0xD800  }
0x77: {  	[tilespmem:s29], [sflag:$0x1] =	stream.indirect_vreg.gather [hbm4b:s3+s2], $0x80, v3, vm0, $0xb8;
	[tilespmem:$0x18180] =	vst v63  }
0x78: {  	s30 =	simm.s32 $0xE000  }
0x79: {  	[tilespmem:s30], [sflag:$0x1] =	stream.indirect_vreg.gather [hbm4b:s7+s2], $0x80, v3, vm0, $0xb8;
	[tilespmem:$0x18180] =	vst v63  }
0x7a: {  	s25 =	simm.s32 $0xE800  }
0x7b: {  	[tilespmem:s25], [sflag:$0x1] =	stream.indirect_vreg.gather [hbm4b:s8+s2], $0x80, v3, vm0, $0xb8;
	[tilespmem:$0x18180] =	vst v63  }
0x7c: {  	v3 =	vld [tilespmem:$0x18090];
	_ =	sdelay $0x4  }
0x7d: {  	v4 =	vshrl.u32 v3, $0x3  }
0x7e: {  	v4 =	vmul.u32 $0x30, v4  }
0x7f: {  	v3 =	vand.u32 $0x7, v3  }
0x80: {  	v3 =	vor.u32 v3, v4  }
0x81: {  	v4 =	vperm.xlane v3, v0;
	_ =	sdelay $0x1  }
0x82: {  	v4 =	vadd.s32 v1, v4;
	_ =	sdelay $0x3  }
0x83: {  	s26 =	simm.s32 $0xF000;
	v3 =	vperm.xlane v3, v2  }
0x84: {  	[tilespmem:s26], [sflag:$0x1] =	stream.indirect_vreg.gather [hbm4b:s3+s2], $0x80, v4, vm0, $0xb8;
	[tilespmem:$0x18180] =	vst v63  }
0x85: {  	s29 =	simm.s32 $0xF800;
	v3 =	vadd.s32 v1, v3  }
0x86: {  	[tilespmem:s29], [sflag:$0x1] =	stream.indirect_vreg.gather [hbm4b:s7+s2], $0x80, v4, vm0, $0xb8;
	[tilespmem:$0x18180] =	vst v63  }
0x87: {  	s30 =	simm.s32 $0x10000  }
0x88: {  	[tilespmem:s30], [sflag:$0x1] =	stream.indirect_vreg.gather [hbm4b:s8+s2], $0x80, v4, vm0, $0xb8;
	[tilespmem:$0x18180] =	vst v63  }
0x89: {  	s25 =	simm.s32 $0x10800  }
0x8a: {  	[tilespmem:s25], [sflag:$0x1] =	stream.indirect_vreg.gather [hbm4b:s3+s2], $0x80, v3, vm0, $0xb8;
	[tilespmem:$0x18180] =	vst v63  }
0x8b: {  	s26 =	simm.s32 $0x11000  }
0x8c: {  	[tilespmem:s26], [sflag:$0x1] =	stream.indirect_vreg.gather [hbm4b:s7+s2], $0x80, v3, vm0, $0xb8;
	[tilespmem:$0x18180] =	vst v63  }
0x8d: {  	s29 =	simm.s32 $0x11800  }
0x8e: {  	[tilespmem:s29], [sflag:$0x1] =	stream.indirect_vreg.gather [hbm4b:s8+s2], $0x80, v3, vm0, $0xb8;
	[tilespmem:$0x18180] =	vst v63  }
0x8f: {  	v3 =	vld [tilespmem:$0x180A0];
	_ =	sdelay $0x4  }
0x90: {  	v4 =	vshrl.u32 v3, $0x3  }
0x91: {  	v4 =	vmul.u32 $0x30, v4  }
0x92: {  	v3 =	vand.u32 $0x7, v3  }
0x93: {  	v3 =	vor.u32 v3, v4  }
0x94: {  	v4 =	vperm.xlane v3, v0;
	_ =	sdelay $0x1  }
0x95: {  	v4 =	vadd.s32 v1, v4;
	_ =	sdelay $0x3  }
0x96: {  	v3 =	vperm.xlane v3, v2  }
0x97: {  	[tilespmem:s31], [sflag:$0x1] =	stream.indirect_vreg.gather [hbm4b:s3+s2], $0x80, v4, vm0, $0xb8;
	[tilespmem:$0x18180] =	vst v63  }
0x98: {  	v3 =	vadd.s32 v1, v3  }
0x99: {  	[tilespmem:s0], [sflag:$0x1] =	stream.indirect_vreg.gather [hbm4b:s7+s2], $0x80, v4, vm0, $0xb8;
	[tilespmem:$0x18180] =	vst v63  }
0x9a: {  	_ = 	snop  }
0x9b: {  	[tilespmem:s1], [sflag:$0x1] =	stream.indirect_vreg.gather [hbm4b:s8+s2], $0x80, v4, vm0, $0xb8;
	[tilespmem:$0x18180] =	vst v63  }
0x9c: {  	_ = 	snop  }
0x9d: {  	[tilespmem:s11], [sflag:$0x1] =	stream.indirect_vreg.gather [hbm4b:s3+s2], $0x80, v3, vm0, $0xb8;
	[tilespmem:$0x18180] =	vst v63  }
0x9e: {  	_ = 	snop  }
0x9f: {  	[tilespmem:s13], [sflag:$0x1] =	stream.indirect_vreg.gather [hbm4b:s7+s2], $0x80, v3, vm0, $0xb8;
	[tilespmem:$0x18180] =	vst v63  }
0xa0: {  	_ = 	snop  }
0xa1: {  	[tilespmem:s15], [sflag:$0x1] =	stream.indirect_vreg.gather [hbm4b:s8+s2], $0x80, v3, vm0, $0xb8;
	[tilespmem:$0x18180] =	vst v63  }
0xa2: {  	v3 =	vld [tilespmem:$0x180B0];
	_ =	sdelay $0x4  }
0xa3: {  	v4 =	vshrl.u32 v3, $0x3  }
0xa4: {  	v4 =	vmul.u32 $0x30, v4  }
0xa5: {  	v3 =	vand.u32 $0x7, v3  }
0xa6: {  	v3 =	vor.u32 v3, v4  }
0xa7: {  	v4 =	vperm.xlane v3, v0;
	_ =	sdelay $0x1  }
0xa8: {  	v4 =	vadd.s32 v1, v4;
	_ =	sdelay $0x3  }
0xa9: {  	v3 =	vperm.xlane v3, v2  }
0xaa: {  	[tilespmem:s16], [sflag:$0x1] =	stream.indirect_vreg.gather [hbm4b:s3+s2], $0x80, v4, vm0, $0xb8;
	[tilespmem:$0x18180] =	vst v63  }
0xab: {  	v3 =	vadd.s32 v1, v3  }
0xac: {  	[tilespmem:s17], [sflag:$0x1] =	stream.indirect_vreg.gather [hbm4b:s7+s2], $0x80, v4, vm0, $0xb8;
	[tilespmem:$0x18180] =	vst v63  }
0xad: {  	_ = 	snop  }
0xae: {  	[tilespmem:s18], [sflag:$0x1] =	stream.indirect_vreg.gather [hbm4b:s8+s2], $0x80, v4, vm0, $0xb8;
	[tilespmem:$0x18180] =	vst v63  }
0xaf: {  	_ = 	snop  }
0xb0: {  	[tilespmem:s19], [sflag:$0x1] =	stream.indirect_vreg.gather [hbm4b:s3+s2], $0x80, v3, vm0, $0xb8;
	[tilespmem:$0x18180] =	vst v63  }
0xb1: {  	_ = 	snop  }
0xb2: {  	[tilespmem:s20], [sflag:$0x1] =	stream.indirect_vreg.gather [hbm4b:s7+s2], $0x80, v3, vm0, $0xb8;
	[tilespmem:$0x18180] =	vst v63  }
0xb3: {  	_ = 	snop  }
0xb4: {  	[tilespmem:s21], [sflag:$0x1] =	stream.indirect_vreg.gather [hbm4b:s8+s2], $0x80, v3, vm0, $0xb8;
	[tilespmem:$0x18180] =	vst v63  }
0xb5: {  	_ =	swait.ge [sflag:s22], $0xC000  }
0xb6: {  	[sflag:s22] =	ssyncset.done $0x0  }
0xb7: {  	s30 =	simm.s32 $0x0;
	[sflag:s22] =	ssyncadd.s32 $0xFFFF4000  }
0xb8: {  	s24 =	smul.u32 $0x1800, s30;
	_ =	swait.ge [sflag:s22], $0xC000  }
0xb9: {  	s25 =	sand.u32 $0x380, s2;
	[sflag:s22] =	ssyncset.done $0x0  }
0xba: {  	s24 =	sor.u32 s25, s24;
	[sflag:s22] =	ssyncadd.s32 $0xFFFF4000  }
0xbb: {  	v3 =	vld [tilespmem:s24+$0xC000]  }
0xbc: {  	v4 =	vld [tilespmem:s24+$0x10]  }
0xbd: {  	v5 =	vld [tilespmem:s24+$0xC010]  }
0xbe: {  	v6 =	vld [tilespmem:s24+$0x20]  }
0xbf: {  	v7 =	vld [tilespmem:s24+$0xC020]  }
0xc0: {  	v8 =	vld [tilespmem:s24+$0x30]  }
0xc1: {  	v9 =	vld [tilespmem:s24+$0xC030]  }
0xc2: {  	v10 =	vld [tilespmem:s24+$0x40]  }
0xc3: {  	v11 =	vld [tilespmem:s24+$0xC040]  }
0xc4: {  	v12 =	vld [tilespmem:s24+$0xC050]  }
0xc5: {  	v13 =	vld [tilespmem:s24+$0xC060]  }
0xc6: {  	v14 =	vld [tilespmem:s24+$0xC070]  }
0xc7: {  	v15 =	vld [tilespmem:s24+$0xC400]  }
0xc8: {  	v16 =	vld [tilespmem:s24+$0xC410]  }
0xc9: {  	v17 =	vld [tilespmem:s24+$0xC420]  }
0xca: {  	v18 =	vld [tilespmem:s24+$0xC430]  }
0xcb: {  	v19 =	vld [tilespmem:s24+$0xC440]  }
0xcc: {  	v20 =	vld [tilespmem:s24+$0xC450]  }
0xcd: {  	v21 =	vld [tilespmem:s24+$0xC460]  }
0xce: {  	v22 =	vld [tilespmem:s24+$0xC470]  }
0xcf: {  	v23 =	vld [tilespmem:s24+$0xC800]  }
0xd0: {  	v24 =	vld [tilespmem:s24+$0xC810]  }
0xd1: {  	v25 =	vld [tilespmem:s24+$0xC820]  }
0xd2: {  	v26 =	vld [tilespmem:s24+$0xC830]  }
0xd3: {  	v27 =	vld [tilespmem:s24+$0xC840]  }
0xd4: {  	v28 =	vld [tilespmem:s24+$0xC850]  }
0xd5: {  	v29 =	vld [tilespmem:s24+$0xC860]  }
0xd6: {  	v30 =	vld [tilespmem:s24+$0xC870]  }
0xd7: {  	v32 =	vld [tilespmem:s24+$0xCC00]  }
0xd8: {  	v34 =	vld [tilespmem:s24+$0xCC10]  }
0xd9: {  	v35 =	vld [tilespmem:s24+$0xCC20]  }
0xda: {  	v36 =	vld [tilespmem:s24+$0xCC30]  }
0xdb: {  	v37 =	vld [tilespmem:s24+$0xCC40]  }
0xdc: {  	v38 =	vld [tilespmem:s24+$0xCC50]  }
0xdd: {  	v39 =	vld [tilespmem:s24+$0xCC60]  }
0xde: {  	v40 =	vld [tilespmem:s24+$0xCC70]  }
0xdf: {  	v41 =	vld [tilespmem:s24+$0xD000]  }
0xe0: {  	v42 =	vld [tilespmem:s24+$0xD010]  }
0xe1: {  	v43 =	vld [tilespmem:s24+$0xD020]  }
0xe2: {  	v44 =	vld [tilespmem:s24+$0xD030]  }
0xe3: {  	v45 =	vld [tilespmem:s24+$0xD040]  }
0xe4: {  	v46 =	vld [tilespmem:s24+$0xD050]  }
0xe5: {  	v47 =	vld [tilespmem:s24+$0xD060]  }
0xe6: {  	v31 =	vmov s2;
	s28 =	simm.s32 $0x0;
	s25 =	simm.s32 $0x1;
	s26 =	simm.s32 $0x0;
	v48 =	vld [tilespmem:s24+$0x1400]  }
.LBB2_2:
0xe7: {  	p0 =	sne.s32 s25, $0x3F;
	v33 =	vor.u32 $0x1, v31;
	v49 =	vld [tilespmem:s24+$0x1410]  }
0xe8: {  	v50 =	vld [tilespmem:s24+$0xD410]  }
0xe9: {  	v51 =	vld [tilespmem:s24+$0xD430]  }
0xea: {  	v52 =	vld [tilespmem:s24+$0x1420]  }
0xeb: {  	v31 =	vld.idx.msk [tilespmem:v31+s14+$0x0], $0xffff  }
0xec: {  	v33 =	vld.idx.msk [tilespmem:v33+s14+$0x0], $0xffff  }
0xed: {  	v53 =	vld [tilespmem:s24+$0x1430]  }
0xee: {  	v54 =	vld [tilespmem:s24+$0xD420]  }
0xef: {  	v55 =	vld [tilespmem:s24+$0xD400]  }
0xf0: {  	v56 =	vld [tilespmem:s24+$0xD070]  }
0xf1: {  	v49 =	vmul.f32 v49, v31;
	v52 =	vmul.f32 v52, v31;
	v57 =	vld [tilespmem:s24+$0x1070]  }
0xf2: {  	v51 =	vmul.f32 v51, v33;
	v58 =	vld [tilespmem:s24+$0x1060];
	v53 =	vmul.f32 v53, v31  }
0xf3: {  	v50 =	vmul.f32 v50, v33;
	v59 =	vld [tilespmem:s24+$0x1050];
	v54 =	vmul.f32 v54, v33  }
0xf4: {  	v48 =	vmul.f32 v48, v31;
	v60 =	vld [tilespmem:s24+$0x1040];
	v55 =	vmul.f32 v55, v33;
	v51 =	vadd.f32 v51, v53  }
0xf5: {  	v49 =	vadd.f32 v50, v49;
	v53 =	vld [tilespmem:s24+$0x1030];
	v56 =	vmul.f32 v56, v33;
	v50 =	vadd.f32 v54, v52  }
0xf6: {  	v47 =	vmul.f32 v47, v33;
	v52 =	vld [tilespmem:s24+$0x1020];
	v54 =	vmul.f32 v57, v31;
	v48 =	vadd.f32 v55, v48;
	[tilespmem:s24+$0x1430] =	vst v51  }
0xf7: {  	v46 =	vmul.f32 v46, v33;
	v51 =	vld [tilespmem:s24+$0x1010];
	v55 =	vmul.f32 v58, v31;
	[tilespmem:s24+$0x1420] =	vst v50  }
0xf8: {  	v45 =	vmul.f32 v45, v33;
	v50 =	vld [tilespmem:s24+$0x1000];
	v57 =	vmul.f32 v59, v31;
	v54 =	vadd.f32 v56, v54;
	[tilespmem:s24+$0x1410] =	vst v49  }
0xf9: {  	v44 =	vmul.f32 v44, v33;
	v49 =	vld [tilespmem:s24+$0xC70];
	v56 =	vmul.f32 v60, v31;
	v47 =	vadd.f32 v47, v55;
	[tilespmem:s24+$0x1400] =	vst v48  }
0xfa: {  	v43 =	vmul.f32 v43, v33;
	v48 =	vld [tilespmem:s24+$0xC60];
	v53 =	vmul.f32 v53, v31;
	v46 =	vadd.f32 v46, v57;
	[tilespmem:s24+$0x1070] =	vst v54  }
0xfb: {  	v42 =	vmul.f32 v42, v33;
	v54 =	vld [tilespmem:s24+$0xC50];
	v52 =	vmul.f32 v52, v31;
	v45 =	vadd.f32 v45, v56;
	[tilespmem:s24+$0x1060] =	vst v47  }
0xfc: {  	v41 =	vmul.f32 v41, v33;
	v47 =	vld [tilespmem:s24+$0xC40];
	v51 =	vmul.f32 v51, v31;
	v44 =	vadd.f32 v44, v53;
	[tilespmem:s24+$0x1050] =	vst v46  }
0xfd: {  	v40 =	vmul.f32 v40, v33;
	v46 =	vld [tilespmem:s24+$0xC30];
	v50 =	vmul.f32 v50, v31;
	v43 =	vadd.f32 v43, v52;
	[tilespmem:s24+$0x1040] =	vst v45  }
0xfe: {  	v39 =	vmul.f32 v39, v33;
	v45 =	vld [tilespmem:s24+$0xC20];
	v49 =	vmul.f32 v49, v31;
	v42 =	vadd.f32 v42, v51;
	[tilespmem:s24+$0x1030] =	vst v44  }
0xff: {  	v38 =	vmul.f32 v38, v33;
	v44 =	vld [tilespmem:s24+$0xC10];
	v48 =	vmul.f32 v48, v31;
	v41 =	vadd.f32 v41, v50;
	[tilespmem:s24+$0x1020] =	vst v43  }
0x100: {  	v37 =	vmul.f32 v37, v33;
	v43 =	vld [tilespmem:s24+$0xC00];
	v50 =	vmul.f32 v54, v31;
	v40 =	vadd.f32 v40, v49;
	[tilespmem:s24+$0x1010] =	vst v42  }
0x101: {  	v36 =	vmul.f32 v36, v33;
	v42 =	vld [tilespmem:s24+$0x870];
	v47 =	vmul.f32 v47, v31;
	v39 =	vadd.f32 v39, v48;
	[tilespmem:s24+$0x1000] =	vst v41  }
0x102: {  	v35 =	vmul.f32 v35, v33;
	v41 =	vld [tilespmem:s24+$0x860];
	v46 =	vmul.f32 v46, v31;
	v38 =	vadd.f32 v38, v50;
	[tilespmem:s24+$0xC70] =	vst v40  }
0x103: {  	v34 =	vmul.f32 v34, v33;
	v40 =	vld [tilespmem:s24+$0x850];
	v45 =	vmul.f32 v45, v31;
	v37 =	vadd.f32 v37, v47;
	[tilespmem:s24+$0xC60] =	vst v39  }
0x104: {  	v32 =	vmul.f32 v32, v33;
	v39 =	vld [tilespmem:s24+$0x840];
	v44 =	vmul.f32 v44, v31;
	v36 =	vadd.f32 v36, v46;
	[tilespmem:s24+$0xC50] =	vst v38  }
0x105: {  	v30 =	vmul.f32 v30, v33;
	v38 =	vld [tilespmem:s24+$0x830];
	v43 =	vmul.f32 v43, v31;
	v35 =	vadd.f32 v35, v45;
	[tilespmem:s24+$0xC40] =	vst v37  }
0x106: {  	v29 =	vmul.f32 v29, v33;
	v37 =	vld [tilespmem:s24+$0x820];
	v42 =	vmul.f32 v42, v31;
	v34 =	vadd.f32 v34, v44;
	[tilespmem:s24+$0xC30] =	vst v36  }
0x107: {  	v28 =	vmul.f32 v28, v33;
	v36 =	vld [tilespmem:s24+$0x810];
	v41 =	vmul.f32 v41, v31;
	v32 =	vadd.f32 v32, v43;
	[tilespmem:s24+$0xC20] =	vst v35  }
0x108: {  	v27 =	vmul.f32 v27, v33;
	v35 =	vld [tilespmem:s24+$0x800];
	v40 =	vmul.f32 v40, v31;
	v30 =	vadd.f32 v30, v42;
	[tilespmem:s24+$0xC10] =	vst v34  }
0x109: {  	v26 =	vmul.f32 v26, v33;
	v34 =	vld [tilespmem:s24+$0x470];
	v39 =	vmul.f32 v39, v31;
	v29 =	vadd.f32 v29, v41;
	[tilespmem:s24+$0xC00] =	vst v32  }
0x10a: {  	v25 =	vmul.f32 v25, v33;
	v32 =	vld [tilespmem:s24+$0x460];
	v38 =	vmul.f32 v38, v31;
	v28 =	vadd.f32 v28, v40;
	[tilespmem:s24+$0x870] =	vst v30  }
0x10b: {  	v24 =	vmul.f32 v24, v33;
	v30 =	vld [tilespmem:s24+$0x450];
	v37 =	vmul.f32 v37, v31;
	v27 =	vadd.f32 v27, v39;
	[tilespmem:s24+$0x860] =	vst v29  }
0x10c: {  	v23 =	vmul.f32 v23, v33;
	v29 =	vld [tilespmem:s24+$0x440];
	v36 =	vmul.f32 v36, v31;
	v26 =	vadd.f32 v26, v38;
	[tilespmem:s24+$0x850] =	vst v28  }
0x10d: {  	v22 =	vmul.f32 v22, v33;
	v28 =	vld [tilespmem:s24+$0x430];
	v35 =	vmul.f32 v35, v31;
	v25 =	vadd.f32 v25, v37;
	[tilespmem:s24+$0x840] =	vst v27  }
0x10e: {  	v21 =	vmul.f32 v21, v33;
	v27 =	vld [tilespmem:s24+$0x420];
	v34 =	vmul.f32 v34, v31;
	v24 =	vadd.f32 v24, v36;
	[tilespmem:s24+$0x830] =	vst v26  }
0x10f: {  	v20 =	vmul.f32 v20, v33;
	v26 =	vld [tilespmem:s24+$0x410];
	v32 =	vmul.f32 v32, v31;
	v23 =	vadd.f32 v23, v35;
	[tilespmem:s24+$0x820] =	vst v25  }
0x110: {  	v19 =	vmul.f32 v19, v33;
	v25 =	vld [tilespmem:s24+$0x400];
	v30 =	vmul.f32 v30, v31;
	v22 =	vadd.f32 v22, v34;
	[tilespmem:s24+$0x810] =	vst v24  }
0x111: {  	v18 =	vmul.f32 v18, v33;
	v24 =	vld [tilespmem:s24+$0x70];
	v29 =	vmul.f32 v29, v31;
	v21 =	vadd.f32 v21, v32;
	[tilespmem:s24+$0x800] =	vst v23  }
0x112: {  	v17 =	vmul.f32 v17, v33;
	v23 =	vld [tilespmem:s24+$0x60];
	v28 =	vmul.f32 v28, v31;
	v20 =	vadd.f32 v20, v30;
	[tilespmem:s24+$0x470] =	vst v22  }
0x113: {  	v16 =	vmul.f32 v16, v33;
	v22 =	vld [tilespmem:s24+$0x50];
	v27 =	vmul.f32 v27, v31;
	v19 =	vadd.f32 v19, v29;
	[tilespmem:s24+$0x460] =	vst v21  }
0x114: {  	v15 =	vmul.f32 v15, v33;
	v21 =	vmul.f32 v26, v31;
	v18 =	vadd.f32 v18, v28;
	[tilespmem:s24+$0x450] =	vst v20;
	v20 =	vld [tilespmem:s24+$0xD440]  }
0x115: {  	v14 =	vmul.f32 v14, v33;
	v25 =	vmul.f32 v25, v31;
	v17 =	vadd.f32 v17, v27;
	[tilespmem:s24+$0x440] =	vst v19;
	v19 =	vld [tilespmem:s24+$0xD450]  }
0x116: {  	v13 =	vmul.f32 v13, v33;
	v24 =	vmul.f32 v24, v31;
	v16 =	vadd.f32 v16, v21;
	[tilespmem:s24+$0x430] =	vst v18;
	v18 =	vld [tilespmem:s24+$0xD460]  }
0x117: {  	v12 =	vmul.f32 v12, v33;
	v21 =	vmul.f32 v23, v31;
	v15 =	vadd.f32 v15, v25;
	[tilespmem:s24+$0x420] =	vst v17;
	v17 =	vld [tilespmem:s24+$0xD470]  }
0x118: {  	v11 =	vmul.f32 v11, v33;
	v22 =	vmul.f32 v22, v31;
	v14 =	vadd.f32 v14, v24;
	[tilespmem:s24+$0x410] =	vst v16;
	v16 =	vld [tilespmem:s24+$0x1440]  }
0x119: {  	v10 =	vmul.f32 v10, v31;
	v9 =	vmul.f32 v9, v33;
	v13 =	vadd.f32 v13, v21;
	[tilespmem:s24+$0x400] =	vst v15;
	v15 =	vld [tilespmem:s24+$0x1450]  }
0x11a: {  	v8 =	vmul.f32 v8, v31;
	v7 =	vmul.f32 v7, v33;
	v12 =	vadd.f32 v12, v22;
	[tilespmem:s24+$0x70] =	vst v14;
	v14 =	vld [tilespmem:s24+$0x1460]  }
0x11b: {  	v6 =	vmul.f32 v6, v31;
	v5 =	vmul.f32 v5, v33;
	v10 =	vadd.f32 v11, v10;
	[tilespmem:s24+$0x60] =	vst v13;
	v11 =	vld [tilespmem:s24+$0x1470]  }
0x11c: {  	s29 =	sshrl.u32 s25, $0x3;
	v4 =	vmul.f32 v4, v31;
	v8 =	vadd.f32 v9, v8;
	v9 =	vmul.f32 v20, v33;
	v13 =	vld [tilespmem:s24+$0x0];
	[tilespmem:s24+$0x50] =	vst v12  }
0x11d: {  	s26 =	sadd.s32 $0x80, s26;
	s29 =	smul.u32 $0x1800, s29;
	v6 =	vadd.f32 v7, v6;
	[tilespmem:s24+$0x40] =	vst v10;
	v7 =	vmul.f32 v16, v31;
	v10 =	vmul.f32 v19, v33  }
0x11e: {  	s30 =	sand.u32 $0x380, s26;
	v4 =	vadd.f32 v5, v4;
	[tilespmem:s24+$0x30] =	vst v8;
	v5 =	vmul.f32 v15, v31;
	v8 =	vmul.f32 v18, v33  }
0x11f: {  	s29 =	sor.u32 s30, s29;
	[tilespmem:s24+$0x20] =	vst v6;
	v6 =	vadd.f32 v9, v7;
	v7 =	vmul.f32 v14, v31;
	v9 =	vmul.f32 v17, v33  }
0x120: {  	v12 =	vmul.f32 v3, v33;
	v3 =	vld [tilespmem:s29+$0xC000];
	[tilespmem:s24+$0x10] =	vst v4;
	v10 =	vadd.f32 v10, v5;
	v11 =	vmul.f32 v11, v31  }
0x121: {  	v4 =	vld [tilespmem:s29+$0x10];
	v13 =	vmul.f32 v13, v31;
	[tilespmem:s24+$0x1440] =	vst v6;
	v7 =	vadd.f32 v8, v7  }
0x122: {  	v5 =	vld [tilespmem:s29+$0xC010];
	[tilespmem:s24+$0x1450] =	vst v10;
	v8 =	vadd.f32 v9, v11  }
0x123: {  	v6 =	vld [tilespmem:s29+$0x20];
	v9 =	vadd.f32 v12, v13;
	[tilespmem:s24+$0x1460] =	vst v7  }
0x124: {  	v7 =	vld [tilespmem:s29+$0xC020];
	[tilespmem:s24+$0x1470] =	vst v8  }
0x125: {  	v8 =	vld [tilespmem:s29+$0x30];
	[tilespmem:s24+$0x0] =	vst v9;
	s24 =	smov.u32 s29  }
0x126: {  	v9 =	vld [tilespmem:s24+$0xC030]  }
0x127: {  	v10 =	vld [tilespmem:s24+$0x40]  }
0x128: {  	v11 =	vld [tilespmem:s24+$0xC040]  }
0x129: {  	v12 =	vld [tilespmem:s24+$0xC050]  }
0x12a: {  	v13 =	vld [tilespmem:s24+$0xC060]  }
0x12b: {  	v14 =	vld [tilespmem:s24+$0xC070]  }
0x12c: {  	v15 =	vld [tilespmem:s24+$0xC400]  }
0x12d: {  	v16 =	vld [tilespmem:s24+$0xC410]  }
0x12e: {  	v17 =	vld [tilespmem:s24+$0xC420]  }
0x12f: {  	v18 =	vld [tilespmem:s24+$0xC430]  }
0x130: {  	v19 =	vld [tilespmem:s24+$0xC440]  }
0x131: {  	v20 =	vld [tilespmem:s24+$0xC450]  }
0x132: {  	v21 =	vld [tilespmem:s24+$0xC460]  }
0x133: {  	v22 =	vld [tilespmem:s24+$0xC470]  }
0x134: {  	v23 =	vld [tilespmem:s24+$0xC800]  }
0x135: {  	v24 =	vld [tilespmem:s24+$0xC810]  }
0x136: {  	v25 =	vld [tilespmem:s24+$0xC820]  }
0x137: {  	v26 =	vld [tilespmem:s24+$0xC830]  }
0x138: {  	v27 =	vld [tilespmem:s24+$0xC840]  }
0x139: {  	v28 =	vld [tilespmem:s24+$0xC850]  }
0x13a: {  	v29 =	vld [tilespmem:s24+$0xC860]  }
0x13b: {  	v30 =	vld [tilespmem:s24+$0xC870]  }
0x13c: {  	v32 =	vld [tilespmem:s24+$0xCC00]  }
0x13d: {  	v34 =	vld [tilespmem:s24+$0xCC10]  }
0x13e: {  	v35 =	vld [tilespmem:s24+$0xCC20]  }
0x13f: {  	v36 =	vld [tilespmem:s24+$0xCC30]  }
0x140: {  	v37 =	vld [tilespmem:s24+$0xCC40]  }
0x141: {  	v38 =	vld [tilespmem:s24+$0xCC50]  }
0x142: {  	v39 =	vld [tilespmem:s24+$0xCC60]  }
0x143: {  	v40 =	vld [tilespmem:s24+$0xCC70]  }
0x144: {  	v41 =	vld [tilespmem:s24+$0xD000]  }
0x145: {  	v42 =	vld [tilespmem:s24+$0xD010]  }
0x146: {  	v43 =	vld [tilespmem:s24+$0xD020]  }
.Ltmp0:
0x147: {  	v44 =	vld [tilespmem:s24+$0xD030];
	(pc) =	sbr.rel @p0 .LBB2_2-.Ltmp0, $4  }
0x148: {  	v45 =	vld [tilespmem:s24+$0xD040]  }
0x149: {  	v46 =	vld [tilespmem:s24+$0xD050]  }
0x14a: {  	s28 =	sadd.s32 $0x2, s28;
	v47 =	vld [tilespmem:s24+$0xD060]  }
0x14b: {  	s25 =	sadd.s32 $0x1, s25;
	v31 =	vmov s28;
	v48 =	vld [tilespmem:s24+$0x1400]  }
0x14c: {  	v49 =	vld [tilespmem:s24+$0x1410]  }
0x14d: {  	v50 =	vld [tilespmem:s24+$0xD410]  }
0x14e: {  	v33 =	vor.u32 $0x1, v31;
	v51 =	vld [tilespmem:s24+$0xD430]  }
0x14f: {  	v52 =	vld [tilespmem:s24+$0x1420]  }
0x150: {  	v31 =	vld.idx.msk [tilespmem:v31+s14+$0x0], $0xffff  }
0x151: {  	v53 =	vld [tilespmem:s24+$0x1430]  }
0x152: {  	v54 =	vld [tilespmem:s24+$0xD420]  }
0x153: {  	v33 =	vld.idx.msk [tilespmem:v33+s14+$0x0], $0xffff  }
0x154: {  	v55 =	vld [tilespmem:s24+$0xD400]  }
0x155: {  	v57 =	vld [tilespmem:s24+$0x1070]  }
0x156: {  	v58 =	vld [tilespmem:s24+$0x1060]  }
0x157: {  	v59 =	vld [tilespmem:s24+$0x1050];
	v53 =	vmul.f32 v53, v31;
	v52 =	vmul.f32 v52, v31  }
0x158: {  	v56 =	vld [tilespmem:s24+$0xD070];
	v49 =	vmul.f32 v49, v31;
	v51 =	vmul.f32 v51, v33  }
0x159: {  	v48 =	vmul.f32 v48, v31;
	v54 =	vmul.f32 v54, v33  }
0x15a: {  	v60 =	vld [tilespmem:s24+$0x1040];
	v57 =	vmul.f32 v57, v31;
	v50 =	vmul.f32 v50, v33;
	v51 =	vadd.f32 v51, v53  }
0x15b: {  	v61 =	vld [tilespmem:s24+$0x1020];
	v58 =	vmul.f32 v58, v31;
	v62 =	vmul.f32 v55, v33;
	v52 =	vadd.f32 v54, v52  }
0x15c: {  	v59 =	vmul.f32 v59, v31;
	v47 =	vmul.f32 v47, v33;
	v55 =	vld [tilespmem:s24+$0x450];
	v49 =	vadd.f32 v50, v49;
	[tilespmem:s24+$0x1430] =	vst v51  }
0x15d: {  	v63 =	vmul.f32 v56, v33;
	v46 =	vmul.f32 v46, v33;
	v56 =	vld [tilespmem:s24+$0x440];
	v48 =	vadd.f32 v62, v48;
	[tilespmem:s24+$0x1420] =	vst v52  }
0x15e: {  	v10 =	vmul.f32 v10, v31;
	v11 =	vmul.f32 v11, v33;
	v53 =	vld [tilespmem:s24+$0x1030];
	v47 =	vadd.f32 v47, v58;
	[tilespmem:s24+$0x1410] =	vst v49  }
0x15f: {  	v8 =	vmul.f32 v8, v31;
	v9 =	vmul.f32 v9, v33;
	v50 =	vld [tilespmem:s24+$0x1000];
	v46 =	vadd.f32 v46, v59;
	[tilespmem:s24+$0x1400] =	vst v48  }
0x160: {  	v6 =	vmul.f32 v6, v31;
	v7 =	vmul.f32 v7, v33;
	v58 =	vld [tilespmem:s24+$0xC10];
	v10 =	vadd.f32 v11, v10;
	[tilespmem:s24+$0x1060] =	vst v47  }
0x161: {  	v4 =	vmul.f32 v4, v31;
	v5 =	vmul.f32 v5, v33;
	v59 =	vld [tilespmem:s24+$0xC00];
	v8 =	vadd.f32 v9, v8;
	[tilespmem:s24+$0x1050] =	vst v46  }
0x162: {  	v43 =	vmul.f32 v43, v33;
	v62 =	vmul.f32 v60, v31;
	v60 =	vld [tilespmem:s24+$0x870];
	v6 =	vadd.f32 v7, v6;
	[tilespmem:s24+$0x40] =	vst v10  }
0x163: {  	v4 =	vadd.f32 v5, v4;
	v51 =	vld [tilespmem:s24+$0x1010];
	v52 =	vadd.f32 v63, v57;
	v63 =	vmul.f32 v61, v31;
	[tilespmem:s24+$0x30] =	vst v8  }
0x164: {  	v45 =	vmul.f32 v45, v33;
	v49 =	vld [tilespmem:s24+$0xC70];
	[tilespmem:s24+$0x20] =	vst v6  }
0x165: {  	v44 =	vmul.f32 v44, v33;
	v48 =	vld [tilespmem:s24+$0xC60];
	[tilespmem:s24+$0x10] =	vst v4;
	v43 =	vadd.f32 v43, v63;
	v53 =	vmul.f32 v53, v31  }
0x166: {  	v41 =	vmul.f32 v41, v33;
	v47 =	vld [tilespmem:s24+$0xC40];
	v45 =	vadd.f32 v45, v62;
	[tilespmem:s24+$0x1070] =	vst v52;
	v50 =	vmul.f32 v50, v31  }
0x167: {  	v32 =	vmul.f32 v32, v33;
	v46 =	vld [tilespmem:s24+$0xC30];
	[tilespmem:s24+$0x1020] =	vst v43;
	v43 =	vmul.f32 v59, v31;
	v44 =	vadd.f32 v44, v53  }
0x168: {  	v42 =	vmul.f32 v42, v33;
	v57 =	vld [tilespmem:s24+$0xC20];
	[tilespmem:s24+$0x1040] =	vst v45;
	v51 =	vmul.f32 v51, v31;
	v41 =	vadd.f32 v41, v50  }
0x169: {  	v40 =	vmul.f32 v40, v33;
	v52 =	vld [tilespmem:s24+$0xC50];
	v49 =	vmul.f32 v49, v31;
	v32 =	vadd.f32 v32, v43;
	[tilespmem:s24+$0x1030] =	vst v44  }
0x16a: {  	v39 =	vmul.f32 v39, v33;
	v54 =	vld [tilespmem:s24+$0x460];
	v48 =	vmul.f32 v48, v31;
	v42 =	vadd.f32 v42, v51;
	[tilespmem:s24+$0x1000] =	vst v41  }
0x16b: {  	v37 =	vmul.f32 v37, v33;
	v61 =	vld [tilespmem:s24+$0x860];
	v47 =	vmul.f32 v47, v31;
	v40 =	vadd.f32 v40, v49;
	[tilespmem:s24+$0xC00] =	vst v32  }
0x16c: {  	v36 =	vmul.f32 v36, v33;
	v63 =	vld [tilespmem:s24+$0x850];
	v46 =	vmul.f32 v46, v31;
	v39 =	vadd.f32 v39, v48;
	[tilespmem:s24+$0x1010] =	vst v42  }
0x16d: {  	v35 =	vmul.f32 v35, v33;
	v59 =	vld [tilespmem:s24+$0x410];
	v45 =	vmul.f32 v57, v31;
	v37 =	vadd.f32 v37, v47;
	[tilespmem:s24+$0xC70] =	vst v40  }
0x16e: {  	v38 =	vmul.f32 v38, v33;
	v50 =	vld [tilespmem:s24+$0x820];
	v62 =	vmul.f32 v52, v31;
	v36 =	vadd.f32 v36, v46;
	[tilespmem:s24+$0xC60] =	vst v39  }
0x16f: {  	v34 =	vmul.f32 v34, v33;
	v53 =	vld [tilespmem:s24+$0x470];
	v44 =	vmul.f32 v58, v31;
	v35 =	vadd.f32 v35, v45;
	[tilespmem:s24+$0xC40] =	vst v37  }
0x170: {  	v29 =	vmul.f32 v29, v33;
	v57 =	vld [tilespmem:s24+$0x430];
	v41 =	vmul.f32 v61, v31;
	v38 =	vadd.f32 v38, v62;
	[tilespmem:s24+$0xC30] =	vst v36  }
0x171: {  	v21 =	vmul.f32 v21, v33;
	v43 =	vld [tilespmem:s24+$0xD470];
	v32 =	vmul.f32 v54, v31;
	v34 =	vadd.f32 v34, v44;
	[tilespmem:s24+$0xC20] =	vst v35  }
0x172: {  	v30 =	vmul.f32 v30, v33;
	v48 =	vld [tilespmem:s24+$0x840];
	v42 =	vmul.f32 v60, v31;
	v29 =	vadd.f32 v29, v41;
	[tilespmem:s24+$0xC50] =	vst v38  }
0x173: {  	v28 =	vmul.f32 v28, v33;
	v49 =	vld [tilespmem:s24+$0x830];
	v40 =	vmul.f32 v63, v31;
	v21 =	vadd.f32 v21, v32;
	[tilespmem:s24+$0xC10] =	vst v34  }
0x174: {  	v20 =	vmul.f32 v20, v33;
	v51 =	vld [tilespmem:s24+$0x810];
	v62 =	vmul.f32 v55, v31;
	v30 =	vadd.f32 v30, v42;
	[tilespmem:s24+$0x860] =	vst v29  }
0x175: {  	v25 =	vmul.f32 v25, v33;
	v52 =	vld [tilespmem:s24+$0x800];
	v37 =	vmul.f32 v50, v31;
	v28 =	vadd.f32 v28, v40;
	[tilespmem:s24+$0x460] =	vst v21  }
0x176: {  	v22 =	vmul.f32 v22, v33;
	v58 =	vld [tilespmem:s24+$0x420];
	v60 =	vmul.f32 v53, v31;
	v20 =	vadd.f32 v20, v62;
	[tilespmem:s24+$0x870] =	vst v30  }
0x177: {  	v19 =	vmul.f32 v19, v33;
	v61 =	vld [tilespmem:s24+$0x400];
	v29 =	vmul.f32 v56, v31;
	v25 =	vadd.f32 v25, v37;
	[tilespmem:s24+$0x850] =	vst v28  }
0x178: {  	v27 =	vmul.f32 v27, v33;
	v45 =	vld [tilespmem:s24+$0x1440];
	v39 =	vmul.f32 v48, v31;
	v22 =	vadd.f32 v22, v60;
	[tilespmem:s24+$0x450] =	vst v20  }
0x179: {  	v26 =	vmul.f32 v26, v33;
	v46 =	vld [tilespmem:s24+$0x1450];
	v38 =	vmul.f32 v49, v31;
	v19 =	vadd.f32 v19, v29;
	[tilespmem:s24+$0x820] =	vst v25  }
0x17a: {  	v24 =	vmul.f32 v24, v33;
	v63 =	vld [tilespmem:s24+$0x70];
	v36 =	vmul.f32 v51, v31;
	v27 =	vadd.f32 v27, v39;
	[tilespmem:s24+$0x470] =	vst v22  }
0x17b: {  	v23 =	vmul.f32 v23, v33;
	v41 =	vld [tilespmem:s24+$0x50];
	v35 =	vmul.f32 v52, v31;
	v26 =	vadd.f32 v26, v38;
	[tilespmem:s24+$0x440] =	vst v19  }
0x17c: {  	v18 =	vmul.f32 v18, v33;
	v32 =	vld [tilespmem:s24+$0xD440];
	v30 =	vmul.f32 v57, v31;
	v24 =	vadd.f32 v24, v36;
	[tilespmem:s24+$0x840] =	vst v27  }
0x17d: {  	v17 =	vmul.f32 v17, v33;
	v50 =	vld [tilespmem:s24+$0x0];
	v23 =	vadd.f32 v23, v35;
	v35 =	vmul.f32 v58, v31;
	[tilespmem:s24+$0x830] =	vst v26  }
0x17e: {  	v16 =	vmul.f32 v16, v33;
	v40 =	vld [tilespmem:s24+$0xD460];
	v38 =	vmul.f32 v59, v31;
	v18 =	vadd.f32 v18, v30;
	[tilespmem:s24+$0x810] =	vst v24  }
0x17f: {  	v15 =	vmul.f32 v15, v33;
	v37 =	vld [tilespmem:s24+$0x60];
	v39 =	vmul.f32 v61, v31;
	[tilespmem:s24+$0x800] =	vst v23;
	v17 =	vadd.f32 v17, v35  }
0x180: {  	v14 =	vmul.f32 v14, v33;
	v48 =	vld [tilespmem:s24+$0x1460];
	v42 =	vmul.f32 v63, v31;
	v16 =	vadd.f32 v16, v38;
	[tilespmem:s24+$0x430] =	vst v18  }
0x181: {  	v12 =	vmul.f32 v12, v33;
	v49 =	vld [tilespmem:s24+$0x1470];
	v47 =	vmul.f32 v41, v31;
	v15 =	vadd.f32 v15, v39;
	[tilespmem:s24+$0x420] =	vst v17  }
0x182: {  	v52 =	vmul.f32 v45, v31;
	v36 =	vld [tilespmem:s24+$0xD450];
	v51 =	vmul.f32 v32, v33;
	v14 =	vadd.f32 v14, v42;
	[tilespmem:s24+$0x410] =	vst v16  }
0x183: {  	v3 =	vmul.f32 v3, v33;
	v61 =	vmul.f32 v50, v31;
	v12 =	vadd.f32 v12, v47;
	[tilespmem:s24+$0x400] =	vst v15  }
0x184: {  	v13 =	vmul.f32 v13, v33;
	v44 =	vmul.f32 v37, v31;
	v56 =	vadd.f32 v51, v52;
	[tilespmem:s24+$0x70] =	vst v14  }
0x185: {  	v55 =	vmul.f32 v40, v33;
	v57 =	vmul.f32 v48, v31;
	v3 =	vadd.f32 v3, v61;
	[tilespmem:s24+$0x50] =	vst v12  }
0x186: {  	v58 =	vmul.f32 v43, v33;
	v60 =	vmul.f32 v49, v31;
	v13 =	vadd.f32 v13, v44;
	[tilespmem:s24+$0x1440] =	vst v56  }
0x187: {  	v54 =	vmul.f32 v46, v31;
	v53 =	vmul.f32 v36, v33;
	v62 =	vadd.f32 v55, v57;
	[tilespmem:s24+$0x0] =	vst v3  }
0x188: {  	v63 =	vadd.f32 v58, v60;
	[tilespmem:s24+$0x60] =	vst v13  }
0x189: {  	s23 =	sadd.s32 $0x1, s23;
	v59 =	vadd.f32 v53, v54;
	[tilespmem:s24+$0x1460] =	vst v62  }
0x18a: {  	p0 =	sne.s32 s23, s10;
	[tilespmem:s24+$0x1470] =	vst v63  }
.Ltmp1:
0x18b: {  	[tilespmem:s24+$0x1450] =	vst v59;
	(pc) =	sbr.rel @p0 .LBB2_1-.Ltmp1, $4  }
0x18c: {  	[hbm4b:s9+s2] =	stream.linear.scatter [tilespmem:s2], [sflag:$0x2], $0xC000, $0x38;
	[tilespmem:$0x18180] =	vst v63  }
0x18d: {  	_ =	swait.ge [sflag:s12], $0xC000  }
0x18e: {  	[sflag:s12] =	ssyncset.done $0x0  }
0x18f: {  	[sflag:s12] =	ssyncadd.s32 $0xFFFF4000  }
0x190: {  	_ =	sfence.sel $0x180000  }
0x191: {  	[bflag:$0x0] =	sbarrier.arrive $0xFFFF  }
0x192: {  	_ =	strace $0x9000004D  }
0x193: {  	s0 =	stileid.u32;
	[bflag:$0x2] =	sbarrier.arrive $0xFFFF  }
0x194: {  	p0 =	sne.s32 s0, $0x0;
	s0 =	rddreg [dreg:$0x2]  }
0x195: {  	s0 =	sadd.s32 @!p0 $0x100000, s0  }
0x196: {  	[sflag:s0] =	ssyncadd.tile.s32 @!p0 $0x1;
	_ =	shalt  }
.Lfunc_end2:
_tile_overlayer_lowered:
.L_overlay_start_2:
0x197: {  	(tag) =	ssettag $0x2  }
0x198: {  	s0 =	rddreg [dreg:$0x0];
	s2 =	stileid.u32  }
0x199: {  	s1 =	rddreg [dreg:$0x1];
	p0 =	sne.s32 s2, $0x0  }
0x19a: {  	s3 =	rddreg [dreg:$0x2];
	[bflag:$0x3] =	sbarrier.arrive $0xFFFF;
	s2 =	simm.s32 @!p0 $0x1C02  }
0x19b: {  	[timem:s3], [sflag:s2] =	dma.local @!p0 [hbm:s0], s1  }
0x19c: {  	s0 =	simm.s32 @!p0 $0x2  }
0x19d: {  	_ =	swait.ge @!p0 [sflag:s0], s1  }
0x19e: {  	s1 =	ssub.s32 @!p0 $0x0, s1;
	[sflag:s0] =	ssyncset.done @!p0 $0x0  }
0x19f: {  	[sflag:s0] =	ssyncadd.s32 @!p0 s1  }
0x1a0: {  	[bflag:$0x3] =	sbarrier.arrive $0xFFFF  }
0x1a1: {  	_ =	shalt  }

// kernel: kernel.7.cloned.1.call-start
scs
__scs_entry_jumppad:
0x0: {  	(pc) =	sbr.rel $0x88, $3  }
0x1: {  	(tag) =	ssettag $0x0;
	lr =	simm.s32 $0x1  }
0x2: {  	[smem:$0x3F9C] =	sst lr;
	_ =	strace $0xD0000000  }
0x3: {  	_ = 	snop  }
0x4: {  	_ = 	snop  }
0x5: {  	_ = 	snop  }
0x6: {  	_ = 	snop  }
0x7: {  	_ = 	snop  }
__scs_overlays_trampoline_lowered:
0x8: {  	[smem:$0x3FAB] =	sst s0  }
0x9: {  	[smem:$0x3FAC] =	sst s1  }
0xa: {  	[smem:$0x3FAD] =	sst s2  }
0xb: {  	[smem:$0x3FAE] =	sst s3  }
0xc: {  	[smem:$0x3FAF] =	sst s4  }
0xd: {  	[smem:$0x3FB0] =	sst s5  }
0xe: {  	[smem:$0x3FB1] =	sst s6  }
0xf: {  	[smem:$0x3FB2] =	sst s7  }
0x10: {  	[smem:$0x3FB3] =	sst s8  }
0x11: {  	[smem:$0x3FB4] =	sst s9;
	s0 =	simm.s32 @!p0 $0x0  }
0x12: {  	s1 =	sld [smem:$0x3F9A];
	s0 =	simm.s32 @p0 $0x1  }
0x13: {  	[smem:$0x3FB5] =	sst s0;
	s0 =	simm.s32 @!p1 $0x0  }
0x14: {  	s2 =	sld [smem:$0x3F99];
	s0 =	simm.s32 @p1 $0x1  }
0x15: {  	[smem:$0x3FB6] =	sst s0;
	s0 =	simm.s32 @!p2 $0x0  }
0x16: {  	s3 =	sld [smem:$0x3FDB];
	s0 =	simm.s32 @p2 $0x1  }
0x17: {  	s4 =	simm.s32 $0x1BF5;
	[smem:$0x3FB8] =	sst s0  }
0x18: {  	s0 =	sld [smem:$0x3F9B];
	_ =	swait.ge [sflag:s4], $0x0  }
0x19: {  	s7 =	sld [smem:$0x3F9C]  }
0x1a: {  	s8 =	sadd.s32 $0xFFFFE003, lr  }
0x1b: {  	s9 =	sadd.s32 $0xFFFFFEF7, lr;
	s5 =	simm.s32 $0xFFFFFFFF;
	p2 =	slt.u32 s8, $0xFFFFF086  }
0x1c: {  	p1 =	slt.u32 s9, $0xF7A;
	s5 =	simm.s32 @!p2 $0x0  }
0x1d: {  	s5 =	simm.s32 @p1 $0x1;
	p0 =	seq.s32 s7, s2  }
0x1e: {  	s7 =	smul.u32 @!p0 $0xF7A, s2;
	p2 =	seq.s32 @!p0 s5, $0x0  }
0x1f: {  	s9 =	smul.u32 $0xF7A, s1;
	s8 =	simm.s32 @!p0 $0x1BF5;
	p2 =	por !p2, p0  }
0x20: {  	[sflag:s8] =	ssyncset.s32 @!p0 $0xFFFFF086;
	s6 =	sadd.s32 @!p0 s3, s7;
	s7 =	simm.s32 @!p0 $0x108  }
0x21: {  	s3 =	sadd.s32 s3, s9;
	s6 =	sadd.s32 @!p0 $0x88, s6;
	s7 =	simm.s32 @p2 $0x1082  }
0x22: {  	[simem:s7], [sflag:s8] =	dma.local @!p0 [hbm:s6], $0xF7A  }
0x23: {  	s9 =	sor.u32 $0xD0000000, s2;
	s6 =	simm.s32 $0x108;
	_ =	swait.ge @!p0 [sflag:s8], $0x0  }
0x24: {  	s3 =	sadd.s32 $0x88, s3;
	s6 =	simm.s32 @!p1 $0x1082;
	[sflag:s4] =	ssyncset.s32 $0xFFFFF086  }
0x25: {  	[simem:s6], [sflag:s4] =	dma.local [hbm:s3], $0xF7A  }
0x26: {  	[smem:$0x3F9C] =	sst s1;
	(tag) =	ssettag s2;
	_ =	strace s9  }
0x27: {  	s1 =	sld [smem:$0x3FAC]  }
0x28: {  	s2 =	sld [smem:$0x3FAD]  }
0x29: {  	s4 =	sld [smem:$0x3FAF]  }
0x2a: {  	p0 =	seq.s32 s5, $0x0;
	s5 =	sld [smem:$0x3FB0]  }
0x2b: {  	s6 =	sld [smem:$0x3FB1]  }
0x2c: {  	s7 =	sld [smem:$0x3FB2]  }
0x2d: {  	s3 =	simm.s32 $0x108;
	s8 =	sld [smem:$0x3FB3]  }
0x2e: {  	s3 =	simm.s32 @!p0 $0x1082;
	s9 =	sld [smem:$0x3FB4]  }
0x2f: {  	lr =	sadd.s32 s0, s3;
	s0 =	sld [smem:$0x3FAB]  }
0x30: {  	s3 =	sld [smem:$0x3FAE]  }
0x31: {  	[smem:$0x3FB7] =	sst s10  }
0x32: {  	s10 =	sld [smem:$0x3FB5];
	_ =	sdelay $0x3  }
0x33: {  	p0 =	seq.s32 s10, $0x1;
	s10 =	sld [smem:$0x3FB7];
	_ =	sdelay $0x3  }
0x34: {  	[smem:$0x3FB7] =	sst s10  }
0x35: {  	s10 =	sld [smem:$0x3FB6];
	_ =	sdelay $0x3  }
0x36: {  	p1 =	seq.s32 s10, $0x1;
	s10 =	sld [smem:$0x3FB7];
	_ =	sdelay $0x3  }
0x37: {  	[smem:$0x3FB7] =	sst s10  }
0x38: {  	s10 =	sld [smem:$0x3FB8]  }
0x39: {  	_ = 	snop;
	(pc) =	sbr.ind lr, $3  }
0x3a: {  	_ = 	snop  }
0x3b: {  	_ = 	snop  }
0x3c: {  	p2 =	seq.s32 s10, $0x1;
	s10 =	sld [smem:$0x3FB7]  }
0x3d: {  	_ =	shalt  }
0x3e: {  	_ =	shalt  }
0x3f: {  	_ =	shalt  }
0x40: {  	_ =	shalt  }
0x41: {  	_ =	shalt  }
0x42: {  	_ =	shalt  }
0x43: {  	_ =	shalt  }
0x44: {  	_ =	shalt  }
0x45: {  	_ =	shalt  }
0x46: {  	_ =	shalt  }
0x47: {  	_ =	shalt  }
0x48: {  	_ =	shalt  }
0x49: {  	_ =	shalt  }
0x4a: {  	_ =	shalt  }
0x4b: {  	_ =	shalt  }
0x4c: {  	_ =	shalt  }
0x4d: {  	_ =	shalt  }
0x4e: {  	_ =	shalt  }
0x4f: {  	_ =	shalt  }
0x50: {  	_ =	shalt  }
0x51: {  	_ =	shalt  }
0x52: {  	_ =	shalt  }
0x53: {  	_ =	shalt  }
0x54: {  	_ =	shalt  }
0x55: {  	_ =	shalt  }
0x56: {  	_ =	shalt  }
0x57: {  	_ =	shalt  }
0x58: {  	_ =	shalt  }
0x59: {  	_ =	shalt  }
0x5a: {  	_ =	shalt  }
0x5b: {  	_ =	shalt  }
0x5c: {  	_ =	shalt  }
0x5d: {  	_ =	shalt  }
0x5e: {  	_ =	shalt  }
0x5f: {  	_ =	shalt  }
0x60: {  	_ =	shalt  }
0x61: {  	_ =	shalt  }
0x62: {  	_ =	shalt  }
0x63: {  	_ =	shalt  }
0x64: {  	_ =	shalt  }
0x65: {  	_ =	shalt  }
0x66: {  	_ =	shalt  }
0x67: {  	_ =	shalt  }
0x68: {  	_ =	shalt  }
0x69: {  	_ =	shalt  }
0x6a: {  	_ =	shalt  }
0x6b: {  	_ =	shalt  }
0x6c: {  	_ =	shalt  }
0x6d: {  	_ =	shalt  }
0x6e: {  	_ =	shalt  }
0x6f: {  	_ =	shalt  }
0x70: {  	_ =	shalt  }
0x71: {  	_ =	shalt  }
0x72: {  	_ =	shalt  }
0x73: {  	_ =	shalt  }
0x74: {  	_ =	shalt  }
0x75: {  	_ =	shalt  }
0x76: {  	_ =	shalt  }
0x77: {  	_ =	shalt  }
0x78: {  	_ =	shalt  }
0x79: {  	_ =	shalt  }
0x7a: {  	_ =	shalt  }
0x7b: {  	_ =	shalt  }
0x7c: {  	_ =	shalt  }
0x7d: {  	_ =	shalt  }
0x7e: {  	_ =	shalt  }
0x7f: {  	_ =	shalt  }
0x80: {  	_ =	shalt  }
0x81: {  	_ =	shalt  }
0x82: {  	_ =	shalt  }
0x83: {  	_ =	shalt  }
0x84: {  	_ =	shalt  }
0x85: {  	_ =	shalt  }
0x86: {  	_ =	shalt  }
0x87: {  	_ =	shalt  }
.Lfunc_end0:
.L_simem_size_0:
called_computation_lowered:
.L_overlay_start_0:
0x88: {  	s0 =	sld [smem:$0x3FD9]  }
0x89: {  	s1 =	sld [smem:$0x3FFE];
	_ =	sdelay $0x3  }
0x8a: {  	s0 =	sadd.s32 s1, s0  }
0x8b: {  	[smem:$0x3FC3] =	sst s0  }
0x8c: {  	_ = 	snop  }
0x8d: {  	s0 =	sld [smem:$0x3FD0];
	_ =	sdelay $0x2  }
0x8e: {  	s13 =	simm.s32 $0xA;
	s2 =	simm.s32 $0x10  }
0x8f: {  	[smem:s2], [sflag:s13] =	dma.local [hbm:s0], $0x1  }
0x90: {  	_ =	swait.eq [sflag:s13], $0x1  }
0x91: {  	[sflag:s13] =	ssyncset.done $0x0  }
0x92: {  	[sflag:s13] =	ssyncadd.s32 $0xFFFFFFFF  }
0x93: {  	s14 =	sld [smem:$0x10];
	(tm) =	ssettm $0x1  }
0x94: {  	s15 =	sld [smem:$0x3FFB];
	_ =	sdelay $0x3  }
0x95: {  	_ =	strace s15  }
0x96: {  	s1 =	sld [smem:$0x3FFC];
	_ =	sdelay $0x3  }
0x97: {  	_ =	strace s1  }
0x98: {  	s1 =	sld [smem:$0x3FFD];
	_ =	sdelay $0x3  }
0x99: {  	_ =	strace s1  }
0x9a: {  	_ =	strace $0x8FFFFFFF  }
0x9b: {  	s16 =	sld [smem:$0x3FDB];
	_ =	sdelay $0x1  }
0x9c: {  	s17 =	simm.s32 $_scs_section_size  }
0x9d: {  	s3 =	simm.s32 $_size__tile_overlayer_lowered;
	s4 =	simm.s32 $_tile_overlayer_lowered  }
0x9e: {  	s20 =	simm.s32 $0x1BFF;
	s19 =	sshll.u32 s4, $0x1;
	s1 =	sadd.s32 s17, s16  }
0x9f: {  	s5 =	simm.s32 $0x0;
	s18 =	sshll.u32 s3, $0x1;
	s3 =	sadd.s32 s19, s1  }
0xa0: {  	[timem:s5], [sflag:s20] =	dma.local [hbm:s3], s18  }
0xa1: {  	_ =	swait.ge [sflag:s20], s18  }
0xa2: {  	s2 =	ssub.s32 $0x0, s18;
	[sflag:s20] =	ssyncset.done $0x0  }
0xa3: {  	[sflag:s20] =	ssyncadd.s32 s2;
	_ =	sdelay $0x1  }
0xa4: {  	s21 =	simm.s32 $0x1B8B  }
0xa5: {  	_ =	swait.ge [sflag:s21], $0x1  }
0xa6: {  	[sflag:s21] =	ssyncset.done $0x0  }
0xa7: {  	s23 =	simm.s32 $0x1B8E;
	s22 =	sld [smem:$0x3FFE];
	[sflag:s21] =	ssyncadd.s32 $0xFFFFFFFF  }
0xa8: {  	s24 =	simm.s32 $execute0_lowered;
	[smem:$0x3FD2] =	sst s23  }
0xa9: {  	s3 =	sshll.u32 s24, $0x1;
	_ =	strace $0x80000046;
	[dreg:$0x1] =	wrdreg $0xFFFFFFFF  }
0xaa: {  	s25 =	simm.s32 $_size_execute0_lowered;
	s1 =	sadd.s32 s1, s3;
	[dreg:$0x0] =	wrdreg $0x0  }
0xab: {  	s3 =	sshll.u32 s25, $0x1;
	[dreg:$0x2] =	wrdreg s1  }
0xac: {  	[dreg:$0x3] =	wrdreg s3  }
0xad: {  	[dreg:$0x4] =	wrdreg $0xC0  }
0xae: {  	_ =	task [dreg:s5], $0x5FFFF  }
0xaf: {  	[dreg:$0x1] =	wrdreg $0xFFFFFFFF  }
0xb0: {  	[dreg:$0x0] =	wrdreg $0x60  }
0xb1: {  	[dreg:$0x2] =	wrdreg s14  }
0xb2: {  	[dreg:$0x3] =	wrdreg s22  }
0xb3: {  	[dreg:$0x4] =	wrdreg $0x2800  }
0xb4: {  	[dreg:$0x5] =	wrdreg $0x9  }
0xb5: {  	_ =	task.clear_ibuf [dreg:s5], $0x6FFFF;
	_ =	strace $0x90000046  }
0xb6: {  	s26 =	simm.s32 $0x9;
	_ =	strace $0x80000048  }
0xb7: {  	_ =	swait.ge [sflag:s26], $0x1  }
0xb8: {  	[sflag:s26] =	ssyncadd.s32 $0xFFFFFFFF  }
0xb9: {  	_ =	strace $0x90000048  }
0xba: {  	_ =	sfence  }
0xbb: {  	s28 =	sld [smem:$0x0];
	_ =	sdelay $0x1  }
0xbc: {  	s29 =	srdreg.scid  }
0xbd: {  	s30 =	sshll.u32 s29, $0xD;
	s31 =	sshrl.u32 s29, $0x2  }
0xbe: {  	s2 =	sand.u32 $0x4000, s30;
	s1 =	sand.u32 $0x1, s29;
	s0 =	sadd.s32 s31, s28  }
0xbf: {  	s1 =	sor.u32 s2, s1;
	s0 =	sshll.u32 s0, $0x11  }
0xc0: {  	s0 =	sor.u32 s0, s1  }
0xc1: {  	s0 =	sadd.s32 $0x8F2B, s0  }
0xc2: {  	[sflag:s0] =	ssyncadd.remote.s32 $0x1  }
0xc3: {  	_ =	sfence.sel $0xFFFF  }
0xc4: {  	[dreg:$0x0] =	wrdreg $0xFFFFFFFF;
	(pc) =	sbr.abs _section_cstart, $3  }
0xc5: {  	[dreg:$0x1] =	wrdreg $0xFFFFFFFF  }
0xc6: {  	_ =	task.clear_ibuf [dreg:s5], $0x2FFFF;
	_ =	strace $0x9FFFFFFF  }
0xc7: {  	(tm) =	ssettm $0x7FFFFFFF  }
tec
execute0_lowered:
.L_overlay_start_1:
0x0: {  	(tag) =	ssettag $0x1  }
0x1: {  	s1 =	rddreg [dreg:$0x0]  }
0x2: {  	s5 =	rddreg [dreg:$0x1]  }
0x3: {  	s4 =	rddreg [dreg:$0x2]  }
0x4: {  	s0 =	rddreg [dreg:$0x3];
	s2 =	simm.s32 $0x0;
	s3 =	stileid.u32  }
0x5: {  	[smem:$0x7FF] =	sst s2;
	s6 =	sshll.u32 s3, $0x5  }
0x6: {  	s29 =	simm.s32 $0x1;
	_ =	strace $0x80000047;
	s1 =	sadd.s32 s1, s6  }
0x7: {  	[tilespmem:s2], [sflag:$0x1] =	stream.linear.gather [hbm4b:s1+s2], $0x100, $0x38;
	[tilespmem:$0x390] =	vst v63  }
0x8: {  	_ =	swait.ge [sflag:s29], $0x100  }
0x9: {  	[sflag:s29] =	ssyncset.done $0x0  }
0xa: {  	s30 =	simm.s32 $0x0;
	[sflag:s29] =	ssyncadd.s32 $0xFFFFFF00  }
0xb: {  	v2 =	vld [tilespmem:s30+$0x0];
	_ =	sdelay $0x3  }
0xc: {  	v0 =	vimm.s32 $0x0  }
0xd: {  	vm0 =	vmmov $0x1;
	vm13 =	vcmask $0x704;
	vm1 =	veq.s32 v2, $0x0  }
0xe: {  	vm4 =	vcmask $0xB08;
	vm2 =	veq.s32 v2, $0x1;
	v1 =	vsel vm1, $0x1, v0  }
0xf: {  	s31 =	simm.s32 $0x10;
	vm5 =	vcmask $0xF0C;
	vm1 =	veq.s32 v2, $0x2;
	v3 =	vsel vm2, $0x1, v0;
	(xrf0) =	vadd.scan.msk.s32 $0xffff, v1  }
0x10: {  	vm6 =	vcmask $0x1310;
	vm2 =	veq.s32 v2, $0x3;
	v1 =	vld [tilespmem:s31+$0x0];
	v4 =	vsel vm1, $0x1, v0;
	(xrf0) =	vadd.scan.msk.s32 $0xffff, v3  }
0x11: {  	vm14 =	vcmask $0x1714;
	vm1 =	veq.s32 v2, $0x4;
	v3 =	vsel vm2, $0x1, v0;
	(xrf0) =	vadd.scan.msk.s32 $0xffff, v4  }
0x12: {  	vm15 =	vcmask $0x1B18;
	v4 =	vsel vm1, $0x1, v0;
	vm1 =	veq.s32 v2, $0x5;
	(xrf0) =	vadd.scan.msk.s32 $0xffff, v3  }
0x13: {  	vm7 =	vcmask $0x1F1C;
	v3 =	vsel vm1, $0x1, v0;
	vm1 =	veq.s32 v2, $0x6;
	(xrf0) =	vadd.scan.msk.s32 $0xffff, v4  }
0x14: {  	s7 =	simm.s32 $0x80;
	s6 =	sadd.s32 $0x1C00, s5;
	vm3 =	veq.s32 v2, $0x7;
	v2 =	vimm.s32 $0x0;
	v5 =	vsel vm1, $0x1, v0;
	(xrf0) =	vadd.scan.msk.s32 $0xffff, v3  }
0x15: {  	s2 =	sadd.s32 $0x2000, s5;
	s1 =	sadd.s32 $0x2200, s5;
	s5 =	sadd.s32 $0x1E00, s5;
	vm2 =	veq.s32 v1, $0x3;
	vm1 =	veq.s32 v1, $0x4;
	v3 =	vsel vm3, $0x1, v0;
	v4, _, _ =	vpop (xrf0);
	(xrf0) =	vadd.scan.msk.s32 $0xffff, v5  }
.LBB2_1:
0x16: {  	p0 =	sne.s32 s7, $0x3C0;
	vm8 =	veq.s32 v1, $0x1;
	vm3 =	veq.s32 v1, $0x2;
	v4 =	vbroadcast v4, $0xF;
	v5, _, _ =	vpop (xrf0);
	(xrf0) =	vadd.scan.msk.s32 $0xffff, v3  }
0x17: {  	vm9 =	veq.s32 v1, $0x0;
	v3 =	vsel vm8, $0x1, v0;
	v5 =	vbroadcast v5, $0xF;
	v6, _, _ =	vpop (xrf0)  }
0x18: {  	v7 =	vsel vm9, $0x1, v0;
	v4 =	vnsel vm0, $0x0, v4;
	v6 =	vbroadcast v6, $0xF;
	v8, _, _ =	vpop (xrf0)  }
0x19: {  	v2 =	vadd.s32 v2, v4;
	v4 =	vnsel vm13, $0x0, v5;
	v5 =	vbroadcast v8, $0xF;
	v8, _, _ =	vpop (xrf0)  }
0x1a: {  	v2 =	vadd.s32 v4, v2;
	v4 =	vnsel vm4, $0x0, v6;
	v6 =	vbroadcast v8, $0xF;
	v8, _, _ =	vpop (xrf0)  }
0x1b: {  	v2 =	vadd.s32 v4, v2;
	v4 =	vnsel vm5, $0x0, v5;
	v5 =	vbroadcast v8, $0xF;
	v8, _, _ =	vpop (xrf0)  }
0x1c: {  	v2 =	vadd.s32 v4, v2;
	v4 =	vnsel vm6, $0x0, v6;
	v6 =	vbroadcast v8, $0xF;
	v8, _, _ =	vpop (xrf0)  }
0x1d: {  	s8 =	sshra.s32 s7, $0x2;
	(xrf0) =	vadd.scan.msk.s32 $0xffff, v7;
	v2 =	vadd.s32 v4, v2;
	v4 =	vnsel vm14, $0x0, v5;
	v5 =	vbroadcast v8, $0xF;
	v7 =	vmovc v1  }
0x1e: {  	v8 =	vsel vm3, $0x1, v0;
	v1 =	vld [tilespmem:s8+$0x0];
	(xrf0) =	vadd.scan.msk.s32 $0xffff, v3;
	v2 =	vadd.s32 v4, v2;
	v3 =	vnsel vm15, $0x0, v6  }
.Ltmp0:
0x1f: {  	v4 =	vsel vm2, $0x1, v0;
	(xrf0) =	vadd.scan.msk.s32 $0xffff, v8;
	v2 =	vadd.s32 v3, v2;
	v3 =	vnsel vm7, $0x0, v5;
	(pc) =	sbr.rel @p0 .LBB2_1-.Ltmp0, $4  }
0x20: {  	v5 =	vsel vm1, $0x1, v0;
	vm1 =	veq.s32 v7, $0x5;
	(xrf0) =	vadd.scan.msk.s32 $0xffff, v4;
	v2 =	vadd.s32 v3, v2  }
0x21: {  	v3 =	vsel vm1, $0x1, v0;
	vm1 =	veq.s32 v7, $0x6;
	(xrf0) =	vadd.scan.msk.s32 $0xffff, v5  }
0x22: {  	vm3 =	veq.s32 v7, $0x7;
	v5 =	vsel vm1, $0x1, v0;
	(xrf0) =	vadd.scan.msk.s32 $0xffff, v3  }
0x23: {  	s7 =	sadd.s32 $0x40, s7;
	v3 =	vsel vm3, $0x1, v0;
	vm2 =	veq.s32 v1, $0x3;
	vm1 =	veq.s32 v1, $0x4;
	v4, _, _ =	vpop (xrf0);
	(xrf0) =	vadd.scan.msk.s32 $0xffff, v5  }
0x24: {  	vm3 =	veq.s32 v1, $0x1;
	vm8 =	veq.s32 v1, $0x2;
	v4 =	vbroadcast v4, $0xF;
	v5, _, _ =	vpop (xrf0)  }
0x25: {  	vm9 =	veq.s32 v1, $0x0;
	v51 =	vsel vm1, $0x1, v0;
	v5 =	vbroadcast v5, $0xF;
	v7, _, _ =	vpop (xrf0)  }
0x26: {  	v8 =	vsel vm9, $0x1, v0;
	v4 =	vnsel vm0, $0x0, v4;
	v7 =	vbroadcast v7, $0xF;
	v9, _, _ =	vpop (xrf0)  }
0x27: {  	(xrf0) =	vadd.scan.msk.s32 $0xffff, v3;
	v2 =	vadd.s32 v2, v4;
	v3 =	vnsel vm13, $0x0, v5;
	v45 =	vbroadcast v9, $0xF  }
0x28: {  	v6 =	vsel vm3, $0x1, v0;
	v46, _, _ =	vpop (xrf0);
	(xrf0) =	vadd.scan.msk.s32 $0xffff, v8;
	v2 =	vadd.s32 v3, v2;
	v3 =	vnsel vm4, $0x0, v7  }
0x29: {  	v48 =	vsel vm8, $0x1, v0;
	v47, _, _ =	vpop (xrf0);
	(xrf0) =	vadd.scan.msk.s32 $0xffff, v6;
	v2 =	vadd.s32 v3, v2;
	v3 =	vnsel vm5, $0x0, v45  }
0x2a: {  	vm1 =	veq.s32 v1, $0x5;
	(xrf0) =	vadd.scan.msk.s32 $0xffff, v48;
	v2 =	vadd.s32 v3, v2;
	v3 =	vsel vm2, $0x1, v0  }
0x2b: {  	v52 =	vsel vm1, $0x1, v0;
	vm1 =	veq.s32 v1, $0x6;
	v5 =	vbroadcast v46, $0xF;
	v50, _, _ =	vpop (xrf0);
	(xrf0) =	vadd.scan.msk.s32 $0xffff, v3  }
0x2c: {  	v54 =	vsel vm1, $0x1, v0;
	vm1 =	veq.s32 v1, $0x7;
	v49 =	vbroadcast v47, $0xF;
	(xrf0) =	vadd.scan.msk.s32 $0xffff, v51  }
0x2d: {  	v5 =	vnsel vm6, $0x0, v5;
	v0 =	vsel vm1, $0x1, v0;
	v3 =	vbroadcast v50, $0xF;
	v53, _, _ =	vpop (xrf0);
	(xrf0) =	vadd.scan.msk.s32 $0xffff, v52  }
0x2e: {  	v2 =	vadd.s32 v5, v2;
	v1 =	vnsel vm14, $0x0, v49;
	v55 =	vbroadcast v53, $0xF;
	v56, _, _ =	vpop (xrf0);
	(xrf0) =	vadd.scan.msk.s32 $0xffff, v54  }
0x2f: {  	v1 =	vadd.s32 v1, v2;
	v2 =	vnsel vm15, $0x0, v3;
	v3 =	vbroadcast v56, $0xF;
	v57, _, _ =	vpop (xrf0);
	(xrf0) =	vadd.scan.msk.s32 $0xffff, v0  }
0x30: {  	v0 =	vadd.s32 v2, v1;
	v1 =	vnsel vm7, $0x0, v55;
	v2 =	vbroadcast v57, $0xF;
	v58, _, _ =	vpop (xrf0)  }
0x31: {  	v0 =	vadd.s32 v1, v0;
	v1 =	vnsel vm0, $0x0, v3;
	v3 =	vbroadcast v58, $0xF;
	v59, _, _ =	vpop (xrf0)  }
0x32: {  	v0 =	vadd.s32 v0, v1;
	v1 =	vnsel vm13, $0x0, v2;
	v2 =	vbroadcast v59, $0xF;
	v60, _, _ =	vpop (xrf0)  }
0x33: {  	v0 =	vadd.s32 v1, v0;
	v1 =	vnsel vm4, $0x0, v3;
	v3 =	vbroadcast v60, $0xF;
	v61, _, _ =	vpop (xrf0)  }
0x34: {  	v0 =	vadd.s32 v1, v0;
	v1 =	vnsel vm5, $0x0, v2;
	v2 =	vbroadcast v61, $0xF;
	v62, _, _ =	vpop (xrf0)  }
0x35: {  	v0 =	vadd.s32 v1, v0;
	v1 =	vnsel vm6, $0x0, v3;
	v3 =	vbroadcast v62, $0xF;
	v63, _, _ =	vpop (xrf0)  }
0x36: {  	v0 =	vadd.s32 v1, v0;
	v1 =	vnsel vm14, $0x0, v2;
	v2 =	vbroadcast v63, $0xF  }
0x37: {  	v0 =	vadd.s32 v1, v0;
	v1 =	vnsel vm15, $0x0, v3  }
0x38: {  	v0 =	vadd.s32 v1, v0;
	v1 =	vnsel vm7, $0x0, v2  }
0x39: {  	s7 =	sshll.u32 s3, $0x4;
	v0 =	vadd.s32 v1, v0  }
0x3a: {  	s9 =	simm.s32 $0x100;
	s30 =	simm.s32 $0x1;
	s8 =	sadd.s32 s7, s4;
	[tilespmem:$0x100] =	vst v0  }
0x3b: {  	[spmem:s8] =	stream.linear.scatter [tilespmem:s9], [sflag:$0x1], $0x10, $0x38;
	[tilespmem:$0x390] =	vst v63  }
0x3c: {  	_ =	swait.ge [sflag:s30], $0x10  }
0x3d: {  	[sflag:s30] =	ssyncset.done $0x0  }
0x3e: {  	[sflag:s30] =	ssyncadd.s32 $0xFFFFFFF0  }
0x3f: {  	s31 =	simm.s32 $0x290;
	[bflag:$0x0] =	sbarrier.arrive $0xFFFF  }
0x40: {  	[tilespmem:s31], [sflag:$0x1] =	stream.linear.gather [spmem:s4], $0x100, $0x38;
	[tilespmem:$0x390] =	vst v63  }
0x41: {  	_ =	swait.ge [sflag:s30], $0x100  }
0x42: {  	[sflag:s30] =	ssyncset.done $0x0  }
0x43: {  	[sflag:s30] =	ssyncadd.s32 $0xFFFFFF00  }
0x44: {  	v2 =	vld [tilespmem:s31+$0x0];
	_ =	sdelay $0x3  }
0x45: {  	p0 =	sgt.s32 s3, $0x0;
	v1 =	vimm.s32 $0x0  }
0x46: {  	s8 =	simm.s32 $0x2A0;
	s4 =	simm.s32 $0x1;
	v0 =	vadd.s32 v1, v2;
	v2 =	vpsel !p0, $0x0, v2  }
.LBB2_3:
0x47: {  	v3 =	vld [tilespmem:s8+$0x0];
	p0 =	sne.s32 s4, $0xF;
	v1 =	vadd.s32 v1, v2;
	s9 =	smov.u32 s4;
	s4 =	sadd.s32 $0x1, s4  }
.Ltmp1:
0x48: {  	(pc) =	sbr.rel @p0 .LBB2_3-.Ltmp1, $3  }
0x49: {  	_ =	sdelay $0x1  }
0x4a: {  	p1 =	slt.s32 s9, s3  }
0x4b: {  	s8 =	sadd.s32 $0x10, s8;
	v0 =	vadd.s32 v0, v3;
	v2 =	vpsel !p1, $0x0, v3  }
0x4c: {  	v0 =	vadd.s32 $0x7, v0  }
0x4d: {  	v0 =	vand.u32 $0xFFFFFFF8, v0  }
0x4e: {  	(xrf0) =	vadd.scan.msk.s32 $0xffff, v0;
	_ =	sdelay $0x5  }
0x4f: {  	v3, _, _ =	vpop (xrf0)  }
0x50: {  	p0 =	sne.s32 s3, $0x0;
	v3 =	vsub.s32 v3, v0  }
0x51: {  	s3 =	simm.s32 @!p0 $0x0;
	s4 =	simm.s32 @!p0 $0x100;
	[tilespmem:$0x100] =	vst @!p0 v3  }
0x52: {  	[hbm4b:s6+s3] =	stream.linear.scatter @!p0 [tilespmem:s4], [sflag:$0x1], $0x80, $0x38;
	[tilespmem:$0x390] =	vst v63  }
0x53: {  	s6 =	simm.s32 @!p0 $0x1  }
0x54: {  	_ =	swait.ge @!p0 [sflag:s6], $0x80  }
0x55: {  	[sflag:s6] =	ssyncset.done @!p0 $0x0  }
0x56: {  	[sflag:s6] =	ssyncadd.s32 @!p0 $0xFFFFFF80  }
0x57: {  	[tilespmem:$0x100] =	vst @!p0 v0  }
0x58: {  	[hbm4b:s5+s3] =	stream.linear.scatter @!p0 [tilespmem:s4], [sflag:$0x1], $0x80, $0x38;
	[tilespmem:$0x390] =	vst v63  }
0x59: {  	_ =	swait.ge @!p0 [sflag:s6], $0x80  }
0x5a: {  	[sflag:s6] =	ssyncset.done @!p0 $0x0  }
0x5b: {  	s3 =	simm.s32 $0x0;
	[sflag:s6] =	ssyncadd.s32 @!p0 $0xFFFFFF80  }
0x5c: {  	v4 =	vld [tilespmem:s3+$0x0];
	_ =	sdelay $0x4  }
0x5d: {  	v0 =	vimm.s32 $0x0;
	vm11 =	veq.s32 v4, $0x0  }
0x5e: {  	vm9 =	veq.s32 v4, $0x1;
	v5 =	vsel vm11, $0x1, v0  }
0x5f: {  	v7 =	vimm.s32 $0x0;
	vm1 =	veq.s32 v4, $0x2;
	v6 =	vsel vm9, $0x1, v0;
	(xrf0) =	vadd.scan.msk.s32 $0xffff, v5  }
0x60: {  	v7 =	vsel vm1, $0xFFFFFFFF, v7;
	(xrf0) =	vadd.scan.msk.s32 $0xffff, v6  }
0x61: {  	v5 =	vsel vm1, $0x1, v0;
	vm1 =	veq.s32 v4, $0x3;
	v6 =	vimm.s32 $0x0  }
0x62: {  	v6 =	vsel vm1, $0xFFFFFFFF, v6;
	(xrf0) =	vadd.scan.msk.s32 $0xffff, v5;
	v5 =	vsel vm1, $0x1, v0;
	vm1 =	veq.s32 v4, $0x4  }
0x63: {  	v1 =	vadd.s32 v1, v2;
	vm7 =	vcmask $0x308;
	v2 =	vsel vm1, $0x1, v0;
	(xrf0) =	vadd.scan.msk.s32 $0xffff, v5  }
0x64: {  	vm2 =	vcmask $0xB10;
	vm3 =	vcmask $0xF14;
	vm10 =	veq.s32 v4, $0x5;
	(xrf0) =	vadd.scan.msk.s32 $0xffff, v2  }
0x65: {  	v1 =	vadd.s32 v1, v3;
	[tilespmem:$0x1FFE0] =	vst v6;
	v6 =	vimm.s32 $0x0;
	v2 =	vsel vm10, $0x1, v0;
	v3, _, _ =	vpop (xrf0)  }
0x66: {  	vm12 =	veq.s32 v4, $0x7;
	v6 =	vsel vm1, $0xFFFFFFFF, v6;
	(xrf0) =	vadd.scan.msk.s32 $0xffff, v2;
	v2 =	vbroadcast v3, $0xF;
	v5, _, _ =	vpop (xrf0)  }
0x67: {  	vm8 =	veq.s32 v4, $0x6;
	v8 =	vsel vm12, $0x1, v0;
	[tilespmem:$0x1FFF0] =	vst v6;
	v6 =	vbroadcast v5, $0xF  }
0x68: {  	v9 =	vnsel vm0, $0x0, v1;
	[tilespmem:$0x1FFD0] =	vst v7;
	v4 =	vsel vm8, $0x1, v0;
	v7, _, _ =	vpop (xrf0);
	v2 =	vnsel vm0, $0x0, v2  }
0x69: {  	(xrf0) =	vadd.scan.msk.s32 $0xffff, v4;
	v4 =	vbroadcast v7, $0xF;
	v10, _, _ =	vpop (xrf0);
	v1 =	vadd.s32 v1, v2;
	v2 =	vnsel vm13, $0x0, v6  }
0x6a: {  	vm1 =	vcmask $0x70C;
	(xrf0) =	vadd.scan.msk.s32 $0xffff, v8;
	v6 =	vbroadcast v10, $0xF;
	v8, _, _ =	vpop (xrf0);
	v2 =	vadd.s32 v2, v1  }
0x6b: {  	(xrf0) =	vadd.scan.msk.s32 $0xffff, v9;
	v4 =	vnsel vm4, $0x0, v4;
	v1 =	vsel vm7, $0x0, v1;
	v61 =	vbroadcast v8, $0xF  }
0x6c: {  	v4 =	vadd.s32 v4, v2;
	v2 =	vsel vm1, $0x0, v2;
	(xrf0) =	vadd.scan.msk.s32 $0xffff, v1;
	v6 =	vnsel vm5, $0x0, v6  }
0x6d: {  	v11, _, _ =	vpop (xrf0);
	v1 =	vsel vm2, $0x0, v4;
	(xrf0) =	vadd.scan.msk.s32 $0xffff, v2;
	v2 =	vadd.s32 v6, v4;
	v4 =	vnsel vm6, $0x0, v61  }
0x6e: {  	v12 =	vbroadcast v11, $0xF;
	(xrf0) =	vadd.scan.msk.s32 $0xffff, v1;
	v1 =	vsel vm3, $0x0, v2;
	v2 =	vadd.s32 v4, v2  }
0x6f: {  	v6, _, _ =	vpop (xrf0)  }
0x70: {  	vm1 =	vcmask $0x1318;
	v62 =	vnsel vm14, $0x0, v12;
	v13, _, _ =	vpop (xrf0)  }
0x71: {  	v63 =	vsel vm1, $0x0, v2;
	(xrf0) =	vadd.scan.msk.s32 $0xffff, v1;
	v1 =	vadd.s32 v62, v2;
	v2, _, _ =	vpop (xrf0)  }
0x72: {  	(v2sf) =	vpush v2, $0xF;
	_ =	sdelay $0x3  }
0x73: {  	v4 =	vbroadcast v6, $0xF;
	_ =	sdelay $0x1  }
0x74: {  	vm5 =	vcmask $0x171C;
	v4 =	vnsel vm15, $0x0, v4  }
0x75: {  	v9 =	vsel vm5, $0x0, v1;
	v4 =	vadd.s32 v4, v1;
	v1, _, _ =	vpop (xrf0)  }
0x76: {  	vm7 =	vcmask $0x1B20;
	(xrf0) =	vadd.scan.msk.s32 $0xffff, v63;
	(v2sf) =	vpush v1, $0xF;
	v1, _, _ =	vpop (xrf0)  }
0x77: {  	(xrf0) =	vadd.scan.msk.s32 $0xffff, v9;
	v2 =	vsel vm7, $0x0, v4;
	(v2sf) =	vpush v1, $0xF  }
0x78: {  	(xrf0) =	vadd.scan.msk.s32 $0xffff, v2;
	_ =	sdelay $0x1  }
0x79: {  	v1, _, _ =	vpop (xrf0)  }
0x7a: {  	(v2sf) =	vpush v1, $0xF;
	v1, _, _ =	vpop (xrf0)  }
0x7b: {  	(v2sf) =	vpush v1, $0xF;
	v1, _, _ =	vpop (xrf0)  }
0x7c: {  	(v2sf) =	vpush v1, $0xF;
	v1, _, _ =	vpop (xrf0);
	s16 =	spop (v2sf)  }
0x7d: {  	(v2sf) =	vpush v1, $0xF;
	v1, _, _ =	vpop (xrf0);
	s4 =	sadd.s32 $0xFFFFFFFF, s16  }
0x7e: {  	(v2sf) =	vpush v1, $0xF;
	v1 =	vadd.s32 s4, v3;
	v3 =	vld [tilespmem:$0x1FFD0];
	_ =	sdelay $0x4  }
0x7f: {  	vm6 =	vmmov vm1;
	vm1 =	vnez.u8 v3;
	v3 =	vld [tilespmem:$0x1FFE0]  }
0x80: {  	s17 =	spop (v2sf)  }
0x81: {  	s18 =	sadd.s32 $0xFFFFFFFF, s17;
	s19 =	spop (v2sf)  }
0x82: {  	v1 =	vnsel vm11, $0x0, v1;
	v2 =	vadd.s32 s18, v5;
	s20 =	sadd.s32 $0xFFFFFFFF, s19  }
0x83: {  	v1 =	vsel vm9, v2, v1;
	v2 =	vadd.s32 s20, v7  }
0x84: {  	v1 =	vsel vm1, v2, v1;
	vm1 =	vnez.u8 v3;
	v3 =	vld [tilespmem:$0x1FFF0];
	_ =	sdelay $0x1  }
0x85: {  	s21 =	spop (v2sf)  }
0x86: {  	s22 =	sadd.s32 $0xFFFFFFFF, s21;
	s23 =	spop (v2sf)  }
0x87: {  	vm13 =	vcmask $0x1F1C;
	s24 =	sadd.s32 $0xFFFFFFFF, s23;
	s25 =	spop (v2sf);
	v2 =	vadd.s32 s22, v10  }
0x88: {  	s26 =	sadd.s32 $0xFFFFFFFF, s25;
	v1 =	vsel vm1, v2, v1;
	v2 =	vadd.s32 s24, v8;
	vm1 =	vnez.u8 v3  }
0x89: {  	s28 =	spop (v2sf);
	v3 =	vadd.s32 s26, v11;
	v2 =	vsel vm1, v2, v1;
	v1 =	vlaneseq.u32  }
0x8a: {  	v7 =	vbroadcast v13, $0xF;
	s29 =	sadd.s32 $0xFFFFFFFF, s28;
	v3 =	vsel vm10, v3, v2;
	v2 =	vand.u32 $0x1, v1  }
0x8b: {  	v5 =	vadd.s32 s29, v6;
	v8 =	vor.u32 s3, v1;
	v2 =	vmul.u32 $0x80, v2  }
0x8c: {  	v5 =	vsel vm8, v5, v3;
	v3 =	vnsel vm13, $0x0, v7;
	v6 =	vshrl.u32 v8, $0x1  }
0x8d: {  	s30 =	spop (v2sf);
	v3 =	vadd.s32 v3, v4;
	v4 =	vor.u32 v2, v6  }
0x8e: {  	s2 =	sadd.s32 s2, s7;
	s31 =	sadd.s32 $0xFFFFFFFF, s30  }
0x8f: {  	s1 =	sadd.s32 s1, s7;
	s5 =	simm.s32 $0x10;
	s4 =	simm.s32 $0x180;
	v6 =	vadd.s32 s31, v13  }
.LBB2_5:
0x90: {  	p1 =	sne.s32 s5, $0xF0  }
0x91: {  	v5 =	vsel vm12, v6, v5;
	s3 =	sadd.s32 $0x10, s3;
	s6 =	smov.u32 s5;
	s5 =	sadd.s32 $0x10, s5  }
0x92: {  	[tilespmem:v4+s4+$0x0] =	vst.idx.msk $0xffff, v5  }
0x93: {  	v4 =	vld [tilespmem:s3+$0x0];
	_ =	sdelay $0x4  }
0x94: {  	vm3 =	veq.s32 v4, $0x0;
	vm12 =	veq.s32 v4, $0x7  }
0x95: {  	vm2 =	veq.s32 v4, $0x1;
	v5 =	vsel vm3, $0x1, v0;
	v6 =	vsel vm12, $0x1, v0  }
0x96: {  	vm1 =	veq.s32 v4, $0x2;
	v7 =	vsel vm2, $0x1, v0;
	(xrf0) =	vadd.scan.msk.s32 $0xffff, v5  }
0x97: {  	vm11 =	veq.s32 v4, $0x3;
	v5 =	vsel vm1, $0x1, v0;
	(xrf0) =	vadd.scan.msk.s32 $0xffff, v7  }
0x98: {  	vm9 =	veq.s32 v4, $0x4;
	v7 =	vsel vm11, $0x1, v0;
	(xrf0) =	vadd.scan.msk.s32 $0xffff, v5  }
0x99: {  	v5 =	vsel vm9, $0x1, v0;
	(xrf0) =	vadd.scan.msk.s32 $0xffff, v7  }
0x9a: {  	vm10 =	veq.s32 v4, $0x5;
	vm8 =	veq.s32 v4, $0x6;
	(xrf0) =	vadd.scan.msk.s32 $0xffff, v5  }
0x9b: {  	v4 =	vsel vm10, $0x1, v0;
	v5 =	vsel vm8, $0x1, v0  }
0x9c: {  	v7, _, _ =	vpop (xrf0);
	(xrf0) =	vadd.scan.msk.s32 $0xffff, v4  }
0x9d: {  	v4 =	vbroadcast v7, $0xF;
	v8, _, _ =	vpop (xrf0);
	(xrf0) =	vadd.scan.msk.s32 $0xffff, v5  }
0x9e: {  	v12 =	vnsel vm0, $0x0, v3;
	v5 =	vbroadcast v8, $0xF;
	v9, _, _ =	vpop (xrf0)  }
0x9f: {  	vm4 =	vcmask $0x704;
	(xrf0) =	vadd.scan.msk.s32 $0xffff, v6;
	v4 =	vnsel vm0, $0x0, v4;
	v10 =	vbroadcast v9, $0xF  }
0xa0: {  	v11, _, _ =	vpop (xrf0);
	v3 =	vadd.s32 v3, v4;
	v4 =	vnsel vm4, $0x0, v5;
	vm4 =	vcmask $0x308  }
0xa1: {  	v5 =	vbroadcast v11, $0xF;
	v13 =	vsel vm4, $0x0, v3;
	vm4 =	vcmask $0xB08  }
0xa2: {  	(xrf0) =	vadd.scan.msk.s32 $0xffff, v12;
	v6, _, _ =	vpop (xrf0);
	v3 =	vadd.s32 v4, v3;
	v4 =	vnsel vm4, $0x0, v10;
	vm4 =	vcmask $0x70C  }
0xa3: {  	v15 =	vsel vm4, $0x0, v3  }
0xa4: {  	v3 =	vadd.s32 v4, v3;
	v4 =	vbroadcast v6, $0xF;
	(xrf0) =	vadd.scan.msk.s32 $0xffff, v13;
	v12, _, _ =	vpop (xrf0);
	vm4 =	vcmask $0xB10  }
0xa5: {  	v16 =	vsel vm4, $0x0, v3;
	vm4 =	vcmask $0xF0C;
	v14 =	vbroadcast v12, $0xF;
	v10, _, _ =	vpop (xrf0)  }
0xa6: {  	(xrf0) =	vadd.scan.msk.s32 $0xffff, v15;
	v5 =	vnsel vm4, $0x0, v5;
	vm4 =	vcmask $0x1310;
	v17 =	vbroadcast v10, $0xF  }
0xa7: {  	v3 =	vadd.s32 v5, v3;
	v4 =	vnsel vm4, $0x0, v4;
	(xrf0) =	vadd.scan.msk.s32 $0xffff, v16;
	v13, _, _ =	vpop (xrf0);
	vm4 =	vcmask $0xF14  }
0xa8: {  	v15 =	vsel vm4, $0x0, v3;
	v3 =	vadd.s32 v4, v3;
	v4 =	vnsel vm14, $0x0, v14  }
0xa9: {  	v16 =	vsel vm6, $0x0, v3;
	v3 =	vadd.s32 v4, v3;
	v4 =	vnsel vm15, $0x0, v17;
	v5, _, _ =	vpop (xrf0);
	(xrf0) =	vadd.scan.msk.s32 $0xffff, v15  }
0xaa: {  	v15 =	vsel vm5, $0x0, v3;
	v3 =	vadd.s32 v4, v3;
	(v2sf) =	vpush v5, $0xF;
	(xrf0) =	vadd.scan.msk.s32 $0xffff, v16  }
0xab: {  	v16 =	vbroadcast v13, $0xF;
	v4 =	vsel vm7, $0x0, v3;
	v14, _, _ =	vpop (xrf0);
	(xrf0) =	vadd.scan.msk.s32 $0xffff, v15  }
0xac: {  	(v2sf) =	vpush v14, $0xF;
	v14, _, _ =	vpop (xrf0);
	(xrf0) =	vadd.scan.msk.s32 $0xffff, v4  }
0xad: {  	v15 =	vnsel vm13, $0x0, v16;
	(v2sf) =	vpush v14, $0xF;
	v5, _, _ =	vpop (xrf0)  }
0xae: {  	v3 =	vadd.s32 v15, v3;
	(v2sf) =	vpush v5, $0xF  }
0xaf: {  	v4, _, _ =	vpop (xrf0)  }
0xb0: {  	(v2sf) =	vpush v4, $0xF;
	v4, _, _ =	vpop (xrf0)  }
0xb1: {  	(v2sf) =	vpush v4, $0xF;
	v4, _, _ =	vpop (xrf0)  }
0xb2: {  	(v2sf) =	vpush v4, $0xF;
	v4, _, _ =	vpop (xrf0)  }
0xb3: {  	(v2sf) =	vpush v4, $0xF;
	_ =	sdelay $0x5  }
0xb4: {  	s7 =	spop (v2sf)  }
0xb5: {  	s7 =	sadd.s32 $0xFFFFFFFF, s7  }
0xb6: {  	v4 =	vadd.s32 s7, v7;
	s7 =	spop (v2sf)  }
0xb7: {  	v4 =	vnsel vm3, $0x0, v4;
	s7 =	sadd.s32 $0xFFFFFFFF, s7;
	s8 =	spop (v2sf)  }
0xb8: {  	v5 =	vadd.s32 s7, v8;
	s7 =	sadd.s32 $0xFFFFFFFF, s8;
	s8 =	spop (v2sf)  }
0xb9: {  	v4 =	vsel vm2, v5, v4;
	v5 =	vadd.s32 s7, v9;
	s7 =	sadd.s32 $0xFFFFFFFF, s8  }
0xba: {  	v7 =	vor.u32 s6, v1;
	v4 =	vsel vm1, v5, v4;
	v5 =	vadd.s32 s7, v11;
	s6 =	spop (v2sf)  }
.Ltmp2:
0xbb: {  	v7 =	vshrl.u32 v7, $0x1;
	v5 =	vsel vm11, v5, v4;
	s6 =	sadd.s32 $0xFFFFFFFF, s6;
	s7 =	spop (v2sf);
	(pc) =	sbr.rel @p1 .LBB2_5-.Ltmp2, $4  }
0xbc: {  	v4 =	vor.u32 v2, v7;
	v6 =	vadd.s32 s6, v6;
	s6 =	sadd.s32 $0xFFFFFFFF, s7;
	s7 =	spop (v2sf)  }
0xbd: {  	v5 =	vsel vm9, v6, v5;
	v6 =	vadd.s32 s6, v12;
	s6 =	sadd.s32 $0xFFFFFFFF, s7;
	s7 =	spop (v2sf)  }
0xbe: {  	v5 =	vsel vm10, v6, v5;
	v6 =	vadd.s32 s6, v10;
	s6 =	sadd.s32 $0xFFFFFFFF, s7  }
0xbf: {  	v5 =	vsel vm8, v6, v5;
	v6 =	vadd.s32 s6, v13  }
0xc0: {  	_ =	sdelay $0x2  }
0xc1: {  	v0 =	vsel vm12, v6, v5  }
0xc2: {  	s3 =	simm.s32 $0x0;
	s29 =	simm.s32 $0x180;
	s30 =	simm.s32 $0x1;
	[tilespmem:v4+s4+$0x0] =	vst.idx.msk $0xffff, v0  }
0xc3: {  	[hbm4b:s2+s3] =	stream.linear.scatter [tilespmem:s29], [sflag:$0x1], $0x80, $0x38;
	[tilespmem:$0x390] =	vst v63  }
0xc4: {  	_ =	swait.ge [sflag:s30], $0x80  }
0xc5: {  	[sflag:s30] =	ssyncset.done $0x0  }
0xc6: {  	s31 =	simm.s32 $0x200;
	[sflag:s30] =	ssyncadd.s32 $0xFFFFFF80  }
0xc7: {  	[hbm4b:s1+s3] =	stream.linear.scatter [tilespmem:s31], [sflag:$0x1], $0x80, $0x38;
	[tilespmem:$0x390] =	vst v63  }
0xc8: {  	_ =	swait.ge [sflag:s30], $0x80  }
0xc9: {  	[sflag:s30] =	ssyncset.done $0x0  }
0xca: {  	[sflag:s30] =	ssyncadd.s32 $0xFFFFFF80  }
0xcb: {  	_ =	sfence.sel $0x180000  }
0xcc: {  	[bflag:$0x0] =	sbarrier.arrive $0xFFFF  }
0xcd: {  	_ =	strace $0x90000047  }
0xce: {  	s0 =	sadd.s32 @!p0 $0x100000, s0;
	[bflag:$0x2] =	sbarrier.arrive $0xFFFF  }
0xcf: {  	[sflag:s0] =	ssyncadd.tile.s32 @!p0 $0x1;
	_ =	shalt  }
.Lfunc_end2:
_tile_overlayer_lowered:
.L_overlay_start_2:
0xd0: {  	(tag) =	ssettag $0x2  }
0xd1: {  	s0 =	rddreg [dreg:$0x0];
	s2 =	stileid.u32  }
0xd2: {  	s1 =	rddreg [dreg:$0x1];
	p0 =	sne.s32 s2, $0x0  }
0xd3: {  	s3 =	rddreg [dreg:$0x2];
	[bflag:$0x3] =	sbarrier.arrive $0xFFFF;
	s2 =	simm.s32 @!p0 $0x1C01  }
0xd4: {  	[timem:s3], [sflag:s2] =	dma.local @!p0 [hbm:s0], s1  }
0xd5: {  	s0 =	simm.s32 @!p0 $0x1  }
0xd6: {  	_ =	swait.ge @!p0 [sflag:s0], s1  }
0xd7: {  	s1 =	ssub.s32 @!p0 $0x0, s1;
	[sflag:s0] =	ssyncset.done @!p0 $0x0  }
0xd8: {  	[sflag:s0] =	ssyncadd.s32 @!p0 s1  }
0xd9: {  	[bflag:$0x3] =	sbarrier.arrive $0xFFFF  }
0xda: {  	_ =	shalt  }

</sc_bundles>
